<compile_context>
chip_gen: v7x
topology: tpu7x:2x2x1
jax: 0.10.2.dev20260603
libtpu: 0.0.44.dev20260713+nightly
codegen_flags: <defaults>
</compile_context>

<pallas_src>
import functools

import jax
import jax.numpy as jnp
from jax import lax
from jax.experimental import pallas as pl
from jax.experimental.pallas import tpu as pltpu
from jax.experimental.pallas import tpu_sc as plsc

N = 10000
NP = 10240
DIN = 165
DR = 192
DH = 96
HID = 360
E = 320000
K = 128
CPW = 84
EP = 32 * CPW * K
CPT = EP // K // 16
KS = 64
CPS = EP // KS // 16
NW = 32
ROWS_PT = NP // 16
ROWS_PW = NP // NW

_mesh = plsc.VectorSubcoreMesh(
    core_axis_name="c", subcore_axis_name="s", num_cores=2, num_subcores=16
)
_sc_params = pltpu.CompilerParams(use_tc_tiling_on_sc=False)
_sc_params_nl = pltpu.CompilerParams(use_tc_tiling_on_sc=False,
                                     needs_layout_passes=False)


def _zero_1d(ref, n):
    @pl.loop(0, n // 16)
    def _(i):
        ref[pl.ds(i * 16, 16)] = jnp.zeros((16,), jnp.float32)


@functools.partial(
    pl.kernel,
    out_type=jax.ShapeDtypeStruct((NP,), jnp.float32),
    mesh=_mesh,
    compiler_params=_sc_params_nl,
    scratch_types=[
        pltpu.VMEM((CPT, K), jnp.int32),
        pltpu.VMEM((K,), jnp.float32),
        pltpu.VMEM((ROWS_PT,), jnp.float32),
        pltpu.VMEM((ROWS_PW,), jnp.float32),
        pltpu.SemaphoreType.DMA,
        pltpu.VMEM_SHARED((NP,), jnp.float32),
    ],
)
def _deg_kernel(dst_hbm, dinv_out, idx_v, ones_v, z_v, dinvb_v, hsem, acc_sh):
    cid = lax.axis_index("c")
    sid = lax.axis_index("s")
    wid = cid * 16 + sid

    @pl.loop(0, K // 16)
    def _(i):
        ones_v[pl.ds(i * 16, 16)] = jnp.ones((16,), jnp.float32)

    _zero_1d(z_v, ROWS_PT)
    pltpu.sync_copy(z_v, acc_sh.at[pl.ds(sid * ROWS_PT, ROWS_PT)])
    pltpu.sync_copy(dst_hbm.at[sid], idx_v)
    plsc.subcore_barrier()

    def fire(c):
        pltpu.async_copy(ones_v, acc_sh.at[idx_v.at[c]], hsem, add=True)

    def drain():
        pltpu.make_async_copy(ones_v, acc_sh.at[idx_v.at[0]], hsem).wait()

    fire(0)
    fire(1)

    @pl.loop(2, CPT)
    def _(c):
        drain()
        fire(c)

    drain()
    drain()
    plsc.subcore_barrier()

    pltpu.sync_copy(acc_sh.at[pl.ds(wid * ROWS_PW, ROWS_PW)], z_v.at[pl.ds(0, ROWS_PW)])

    @pl.loop(0, ROWS_PW // 16)
    def _(k):
        d = z_v[pl.ds(k * 16, 16)] + 1.0
        i = plsc.bitcast(d, jnp.int32)
        i = jnp.full((16,), 0x5F3759DF, jnp.int32) - lax.shift_right_logical(i, 1)
        r = plsc.bitcast(i, jnp.float32)
        r = r * (1.5 - 0.5 * d * r * r)
        r = r * (1.5 - 0.5 * d * r * r)
        r = r * (1.5 - 0.5 * d * r * r)
        dinvb_v[pl.ds(k * 16, 16)] = r

    pltpu.sync_copy(dinvb_v, dinv_out.at[pl.ds(wid * ROWS_PW, ROWS_PW)])


@functools.partial(
    pl.kernel,
    out_type=jax.ShapeDtypeStruct((2 * NP, DH), jnp.float32),
    mesh=_mesh,
    compiler_params=_sc_params_nl,
    scratch_types=[
        pltpu.VMEM((64, DR), jnp.float32),
        pltpu.VMEM((128, DH), jnp.float32),
        pltpu.VMEM((ROWS_PW,), jnp.float32),
        pltpu.SemaphoreType.DMA,
    ],
)
def _y2_kernel(xp_hbm, dinv_hbm, y2_out, xb_v, yb_v, dinvb_v, sem):
    cid = lax.axis_index("c")
    sid = lax.axis_index("s")
    wid = cid * 16 + sid
    base = wid * ROWS_PW
    pltpu.sync_copy(dinv_hbm.at[pl.ds(base, ROWS_PW)], dinvb_v)

    @pl.loop(0, ROWS_PW // 64)
    def _(j):
        pltpu.sync_copy(xp_hbm.at[pl.ds(base + j * 64, 64)], xb_v)

        @pl.loop(0, 64)
        def _(n):
            dv = plsc.load_gather(dinvb_v, [jnp.full((16,), j * 64 + n, jnp.int32)])
            for k in range(6):
                yb_v[2 * n, pl.ds(k * 16, 16)] = xb_v[n, pl.ds(k * 16, 16)] * dv
                yb_v[2 * n + 1, pl.ds(k * 16, 16)] = (
                    xb_v[n, pl.ds(DH + k * 16, 16)] * dv)

        pltpu.sync_copy(yb_v, y2_out.at[pl.ds(2 * base + j * 128, 128)])


@functools.partial(
    pl.kernel,
    out_type=jax.ShapeDtypeStruct((2, NP, DH), jnp.float32),
    mesh=_mesh,
    compiler_params=_sc_params,
    scratch_types=[
        pltpu.VMEM((CPS, KS), jnp.int32),
        pltpu.VMEM((CPS, KS), jnp.int32),
        [pltpu.VMEM((KS, DH), jnp.float32)] * 4,
        [pltpu.SemaphoreType.DMA] * 4,
        [pltpu.SemaphoreType.DMA] * 4,
        pltpu.VMEM_SHARED((NP, DH), jnp.float32),
    ],
)
def _s1_kernel(src_hbm, dst_hbm, y_hbm, acc_out, si_v, di_v,
               rows, gsem, ssem, acc_sh):
    cid = lax.axis_index("c")
    sid = lax.axis_index("s")

    @pl.loop(0, KS)
    def _(r):
        @pl.loop(0, DH // 16)
        def _(j):
            rows[0][r, pl.ds(j * 16, 16)] = jnp.zeros((16,), jnp.float32)

    @pl.loop(0, ROWS_PT // KS)
    def _(b):
        pltpu.sync_copy(rows[0], acc_sh.at[pl.ds(sid * ROWS_PT + b * KS, KS)])

    pltpu.sync_copy(src_hbm.at[sid], si_v)
    pltpu.sync_copy(dst_hbm.at[sid], di_v)

    @pl.loop(0, CPS)
    def _(r):
        @pl.loop(0, KS // 16)
        def _(j):
            v = si_v[r, pl.ds(j * 16, 16)]
            si_v[r, pl.ds(j * 16, 16)] = v * 2 + cid

    plsc.subcore_barrier()

    def fire_gather(c, b):
        pltpu.async_copy(y_hbm.at[si_v.at[c]], rows[b], gsem[b])

    def drain_gather(b):
        pltpu.make_async_copy(y_hbm.at[si_v.at[0]], rows[b], gsem[b]).wait()

    def fire_scatter(c, b):
        pltpu.async_copy(rows[b], acc_sh.at[di_v.at[c]], ssem[b], add=True)

    def drain_scatter(b):
        pltpu.make_async_copy(rows[b], acc_sh.at[di_v.at[0]], ssem[b]).wait()

    fire_gather(0, 0)
    fire_gather(1, 1)
    fire_gather(2, 2)

    @pl.loop(3, CPS + 3, step=4)
    def _(c0):
        for o in range(4):
            c = c0 + o
            bg = (3 + o) % 4
            bs = o % 4

            @pl.when(c >= 4)
            def _():
                drain_scatter(bg)

            @pl.when(c < CPS)
            def _():
                fire_gather(c, bg)

            drain_gather(bs)
            fire_scatter(c - 3, bs)

    drain_scatter(3)

    plsc.subcore_barrier()
    pltpu.sync_copy(
        acc_sh.at[pl.ds(sid * ROWS_PT, ROWS_PT)],
        acc_out.at[cid, pl.ds(sid * ROWS_PT, ROWS_PT)],
    )


def _mm_body(acc_ref, x_ref, dinv_ref, w1_ref, b1_ref, w2_ref, u_ref):
    di = dinv_ref[...]
    a2 = acc_ref[...]
    a = (jnp.concatenate([a2[0], a2[1]], axis=1) + x_ref[...] * di) * di
    h = jnp.dot(a, w1_ref[...], preferred_element_type=jnp.float32)
    h = jnp.maximum(h + b1_ref[...], 0.0)
    t = jnp.dot(h, w2_ref[...], preferred_element_type=jnp.float32)
    u_ref[...] = t * di


def _mm(acc2, xp, dinv, w1r, b1r, w2):
    bm = 512
    return pl.pallas_call(
        _mm_body,
        grid=(NP // bm,),
        in_specs=[
            pl.BlockSpec((2, bm, DH), lambda i: (0, i, 0)),
            pl.BlockSpec((bm, DR), lambda i: (i, 0)),
            pl.BlockSpec((bm, 1), lambda i: (i, 0)),
            pl.BlockSpec((DR, HID), lambda i: (0, 0)),
            pl.BlockSpec((1, HID), lambda i: (0, 0)),
            pl.BlockSpec((HID, 1), lambda i: (0, 0)),
        ],
        out_specs=pl.BlockSpec((bm, 1), lambda i: (i, 0)),
        out_shape=jax.ShapeDtypeStruct((NP, 1), jnp.float32),
    )(acc2, xp, dinv, w1r, b1r, w2)


@functools.partial(
    pl.kernel,
    out_type=jax.ShapeDtypeStruct((NP,), jnp.float32),
    mesh=_mesh,
    compiler_params=_sc_params_nl,
    scratch_types=[
        pltpu.VMEM((CPT, K), jnp.int32),
        pltpu.VMEM((CPT, K), jnp.int32),
        pltpu.VMEM((CPT, K), jnp.float32),
        pltpu.VMEM((NP,), jnp.float32),
        pltpu.VMEM((ROWS_PT,), jnp.float32),
        pltpu.VMEM((ROWS_PW,), jnp.float32),
        pltpu.VMEM((ROWS_PW,), jnp.float32),
        pltpu.VMEM((ROWS_PW,), jnp.float32),
        pltpu.VMEM((ROWS_PW,), jnp.float32),
        pltpu.VMEM((16,), jnp.float32),
        pltpu.SemaphoreType.DMA,
        pltpu.VMEM_SHARED((NP,), jnp.float32),
    ],
)
def _s2_kernel(src_hbm, dst_hbm, u_hbm, dinv_hbm, b2_hbm, o_hbm,
               si_v, di_v, upd_v, u_v, z_v, s2b_v, ub_v, db_v, ob_v, b2_v,
               ssem, acc_sh):
    cid = lax.axis_index("c")
    sid = lax.axis_index("s")
    wid = cid * 16 + sid

    _zero_1d(z_v, ROWS_PT)
    pltpu.sync_copy(z_v, acc_sh.at[pl.ds(sid * ROWS_PT, ROWS_PT)])
    pltpu.sync_copy(src_hbm.at[sid], si_v)
    pltpu.sync_copy(dst_hbm.at[sid], di_v)
    pltpu.sync_copy(b2_hbm, b2_v)
    pltpu.sync_copy(u_hbm, u_v)

    @pl.loop(0, CPT)
    def _(c):
        @pl.loop(0, K // 16)
        def _(j):
            sidx = si_v[c, pl.ds(j * 16, 16)]
            upd_v[c, pl.ds(j * 16, 16)] = plsc.load_gather(u_v, [sidx])

    plsc.subcore_barrier()

    @pl.loop(0, CPT, step=8)
    def _(c0):
        descs = [
            pltpu.async_copy(upd_v.at[c0 + b], acc_sh.at[di_v.at[c0 + b]],
                             ssem, add=True)
            for b in range(8)
        ]
        for d in descs:
            d.wait()

    plsc.subcore_barrier()

    base = wid * ROWS_PW
    pltpu.sync_copy(acc_sh.at[pl.ds(base, ROWS_PW)], s2b_v)
    pltpu.sync_copy(u_hbm.at[pl.ds(base, ROWS_PW)], ub_v)
    pltpu.sync_copy(dinv_hbm.at[pl.ds(base, ROWS_PW)], db_v)

    @pl.loop(0, ROWS_PW // 16)
    def _(k):
        s2 = s2b_v[pl.ds(k * 16, 16)]
        uu = ub_v[pl.ds(k * 16, 16)]
        dd = db_v[pl.ds(k * 16, 16)]
        b2 = b2_v[pl.ds(0, 16)]
        zz = dd * (s2 + uu) + b2
        ob_v[pl.ds(k * 16, 16)] = 1.0 / (1.0 + jnp.exp(-zz))

    pltpu.sync_copy(ob_v, o_hbm.at[pl.ds(base, ROWS_PW)])


def kernel(x, edge_index, W1, b1, W2, b2):
    src = edge_index[0].astype(jnp.int32)
    dst = edge_index[1].astype(jnp.int32)
    pad_e = EP - E
    fdst = 10016 + jnp.arange(pad_e, dtype=jnp.int32) % 224
    fsrc = jnp.arange(pad_e, dtype=jnp.int32) % N
    src_p = jnp.concatenate([src, fsrc])
    dst_p = jnp.concatenate([dst, fdst])
    src_t = src_p.reshape(16, CPT, K)
    dst_t = dst_p.reshape(16, CPT, K)
    src_ks = src_p.reshape(16, CPS, KS)
    dst_ks = dst_p.reshape(16, CPS, KS)

    xp = jnp.pad(x, ((0, NP - N), (0, DR - DIN)))
    w1r = jnp.pad(W1, ((0, DR - DIN), (0, 0)))
    b1r = b1.reshape(1, HID)
    b2v = jnp.broadcast_to(b2, (16,))

    dinv = _deg_kernel(dst_t)
    y2 = _y2_kernel(xp, dinv)
    acc2 = _s1_kernel(src_ks, dst_ks, y2)
    u = _mm(acc2, xp, dinv.reshape(NP, 1), w1r, b1r, W2)
    o = _s2_kernel(src_t, dst_t, u.reshape(NP), dinv, b2v)
    return o[:N].reshape(N, 1)

# --- scband reference (transcript-rebuilt; emitter-appended) ---
"""Pipeline reference for scband-net-962072674896 (READ-ONLY COPY).

The authoritative reference and input builder live on the scoring server;
editing this copy changes nothing except your own understanding.
"""

import jax, jax.numpy as jnp
import numpy as np

N_NODES = 10000
N_EDGES = 320000
IN_DIM = 165
HID_DIM = 360
OUT_DIM = 1


def setup_inputs(seed: int = 0) -> dict:
    key = jax.random.key(seed)
    k1, k2, k3, k4, k5, k6 = jax.random.split(key, 6)
    x = jax.random.normal(k1, (N_NODES, IN_DIM), dtype=jnp.float32)
    edge_index = jax.random.randint(k2, (2, N_EDGES), 0, N_NODES, dtype=jnp.int64)
    # Glorot-style init for GCN linear weights, zeros for biases (PyG default)
    W1 = jax.random.normal(k3, (IN_DIM, HID_DIM), dtype=jnp.float32) * (1.0 / np.sqrt(IN_DIM))
    b1 = jnp.zeros((HID_DIM,), dtype=jnp.float32)
    W2 = jax.random.normal(k4, (HID_DIM, OUT_DIM), dtype=jnp.float32) * (1.0 / np.sqrt(HID_DIM))
    b2 = jnp.zeros((OUT_DIM,), dtype=jnp.float32)
    return {"x": x, "edge_index": edge_index, "W1": W1, "b1": b1, "W2": W2, "b2": b2}


def _gcn_conv(x, src, dst, W, b):
    # x: [N, in], W: [in, out]. PyG GCNConv with add_self_loops=True, normalize=True.
    N = x.shape[0]
    xw = x @ W
    # degree computed on the self-loop-augmented graph with edge_weight = 1
    ones = jnp.ones(src.shape[0], dtype=xw.dtype)
    deg = jnp.zeros((N,), dtype=xw.dtype).at[dst].add(ones)
    dinv = jnp.where(deg > 0, deg ** -0.5, 0.0)
    norm = dinv[src] * dinv[dst]
    msgs = xw[src] * norm[:, None]            # gather + scale
    out = jnp.zeros((N, W.shape[1]), dtype=xw.dtype).at[dst].add(msgs)  # scatter-add
    return out + b


def reference(x, edge_index, W1, b1, W2, b2):
    N = x.shape[0]
    loop = jnp.arange(N, dtype=edge_index.dtype)
    src = jnp.concatenate([edge_index[0], loop])
    dst = jnp.concatenate([edge_index[1], loop])
    h = _gcn_conv(x, src, dst, W1, b1)
    h = jax.nn.relu(h)
    # dropout p=0.1 with training=self.training; module run in eval mode -> identity
    out = _gcn_conv(h, src, dst, W2, b2)
    return jax.nn.sigmoid(out)

if __name__ == "__main__":
    import jax
    _d = setup_inputs()
    print(jax.jit(kernel)(*tuple(_d.values())))

</pallas_src>

<mosaic_0001>
#map = affine_map<(d0, d1) -> (0, 0, 0)>
#map1 = affine_map<(d0, d1) -> (0, 0)>
module attributes {stable_mosaic.version = 14 : i64} {
  func.func @_s1_kernel(%arg0: i32, %arg1: i32, %arg2: memref<16x336x64xi32, #tpu.memory_space<hbm>>, %arg3: memref<16x336x64xi32, #tpu.memory_space<hbm>>, %arg4: memref<20480x96xf32, #tpu.memory_space<hbm>>, %arg5: memref<2x10240x96xf32, #tpu.memory_space<hbm>>, %arg6: memref<336x64xi32, #tpu.memory_space<vmem>>, %arg7: memref<336x64xi32, #tpu.memory_space<vmem>>, %arg8: memref<64x96xf32, #tpu.memory_space<vmem>>, %arg9: memref<64x96xf32, #tpu.memory_space<vmem>>, %arg10: memref<64x96xf32, #tpu.memory_space<vmem>>, %arg11: memref<64x96xf32, #tpu.memory_space<vmem>>, %arg12: memref<!tpu.dma_semaphore, #tpu.memory_space<semaphore_mem>>, %arg13: memref<!tpu.dma_semaphore, #tpu.memory_space<semaphore_mem>>, %arg14: memref<!tpu.dma_semaphore, #tpu.memory_space<semaphore_mem>>, %arg15: memref<!tpu.dma_semaphore, #tpu.memory_space<semaphore_mem>>, %arg16: memref<!tpu.dma_semaphore, #tpu.memory_space<semaphore_mem>>, %arg17: memref<!tpu.dma_semaphore, #tpu.memory_space<semaphore_mem>>, %arg18: memref<!tpu.dma_semaphore, #tpu.memory_space<semaphore_mem>>, %arg19: memref<!tpu.dma_semaphore, #tpu.memory_space<semaphore_mem>>, %arg20: memref<10240x96xf32, #tpu.memory_space<vmem_shared>>) attributes {dimension_semantics = [#tpu.dimension_semantics<core_parallel>, #tpu.dimension_semantics<subcore_parallel>], iteration_bounds = array<i64: 2, 16>, scalar_prefetch = 0 : i64, scratch_operands = 15 : i64, tpu.core_type = #tpu.core_type<sc_vector_subcore>, window_params = [{transform_indices = #map}, {transform_indices = #map}, {transform_indices = #map1}, {transform_indices = #map}]} {
    %scan3A = arith.constant 0 : i32
    %scan3A_0 = arith.constant 64 : i32
    %scan3A_1 = arith.addi %scan3A, %scan3A_0 : i32
    %scan3A_2 = arith.constant 1 : i32
    scf.for %scan3A_49 = %scan3A to %scan3A_1 step %scan3A_2  : i32 {
      %mul3A_50 = arith.constant 1 : i32
      %mul3A_51 = arith.muli %scan3A_49, %mul3A_50 : i32
      %add3A = arith.constant 0 : i32
      %add3A_52 = arith.addi %add3A, %mul3A_51 : i32
      %scan3A_53 = arith.constant 0 : i32
      %scan3A_54 = arith.constant 6 : i32
      %scan3A_55 = arith.addi %scan3A_53, %scan3A_54 : i32
      %scan3A_56 = arith.constant 1 : i32
      scf.for %scan3A_58 = %scan3A_53 to %scan3A_55 step %scan3A_56  : i32 {
        %mul3A_59 = arith.constant 1 : i32
        %mul3A_60 = arith.muli %scan3A_58, %mul3A_59 : i32
        %add3A_61 = arith.constant 0 : i32
        %add3A_62 = arith.addi %add3A_61, %mul3A_60 : i32
        %broadcast_in_dim3A = arith.constant 0.000000e+00 : f32
        %broadcast_in_dim3A_63 = vector.broadcast %broadcast_in_dim3A : f32 to vector<16xf32>
        %mul3A_64 = arith.constant 16 : i32
        %mul3A_65 = arith.muli %add3A_62, %mul3A_64 : i32
        %swap3A = arith.index_cast %add3A_52 : i32 to index
        %swap3A_66 = arith.index_cast %mul3A_65 : i32 to index
        %swap3A_67 = tpu.vector_load %arg8[%swap3A, %swap3A_66] {strides = array<i32>} : memref<64x96xf32, #tpu.memory_space<vmem>>, vector<1x16xf32>,
        %swap3A_68 = vector.shape_cast %swap3A_67 : vector<1x16xf32> to vector<16xf32>
        %swap3A_69 = vector.shape_cast %broadcast_in_dim3A_63 : vector<16xf32> to vector<1x16xf32>
        tpu.vector_store %arg8[%swap3A, %swap3A_66], %swap3A_69 {strides = array<i32>} : memref<64x96xf32, #tpu.memory_space<vmem>>, vector<1x16xf32>,
      }
      %scan3A_57 = arith.constant 6 : i32
    }
    %scan3A_3 = arith.constant 64 : i32
    %scan3A_4 = arith.constant 0 : i32
    %scan3A_5 = arith.constant 10 : i32
    %scan3A_6 = arith.addi %scan3A_4, %scan3A_5 : i32
    %scan3A_7 = arith.constant 1 : i32
    scf.for %scan3A_49 = %scan3A_4 to %scan3A_6 step %scan3A_7  : i32 {
      %mul3A_50 = arith.constant 1 : i32
      %mul3A_51 = arith.muli %scan3A_49, %mul3A_50 : i32
      %add3A = arith.constant 0 : i32
      %add3A_52 = arith.addi %add3A, %mul3A_51 : i32
      %mul3A_53 = arith.constant 640 : i32
      %mul3A_54 = arith.muli %arg1, %mul3A_53 : i32
      %mul3A_55 = arith.constant 64 : i32
      %mul3A_56 = arith.muli %add3A_52, %mul3A_55 : i32
      %add3A_57 = arith.addi %mul3A_54, %mul3A_56 : i32
      "tpu.region"() ({
        %run_scoped3A = tpu.sem_alloc : memref<!tpu.dma_semaphore, #tpu.memory_space<semaphore_mem>>
        %dma_start3A_58 = arith.constant 0 : i32
        %dma_start3A_59 = tpu.memref_slice %arg20[%add3A_57, %dma_start3A_58] : memref<10240x96xf32, #tpu.memory_space<vmem_shared>> -> memref<64x96xf32, #tpu.memory_space<vmem_shared>>
        %dma_start3A_60 = arith.constant 0 : i32
        %dma_start3A_61 = tpu.memref_slice %arg20[%add3A_57, %dma_start3A_60] : memref<10240x96xf32, #tpu.memory_space<vmem_shared>> -> memref<64x96xf32, #tpu.memory_space<vmem_shared>>
        tpu.enqueue_dma source(%arg8 : memref<64x96xf32, #tpu.memory_space<vmem>>) target(%dma_start3A_61 : memref<64x96xf32, #tpu.memory_space<vmem_shared>>) target_semaphore(%run_scoped3A : memref<!tpu.dma_semaphore, #tpu.memory_space<semaphore_mem>>)
        %dma_wait3A_62 = arith.constant 0 : i32
        %dma_wait3A_63 = tpu.memref_slice %arg20[%add3A_57, %dma_wait3A_62] : memref<10240x96xf32, #tpu.memory_space<vmem_shared>> -> memref<64x96xf32, #tpu.memory_space<vmem_shared>>
        %dma_wait3A_64 = arith.constant 0 : i32
        %dma_wait3A_65 = tpu.memref_slice %arg20[%add3A_57, %dma_wait3A_64] : memref<10240x96xf32, #tpu.memory_space<vmem_shared>> -> memref<64x96xf32, #tpu.memory_space<vmem_shared>>
        tpu.wait_dma2 semaphore(%run_scoped3A : memref<!tpu.dma_semaphore, #tpu.memory_space<semaphore_mem>>) src(%arg8 : memref<64x96xf32, #tpu.memory_space<vmem>>) dst(%dma_wait3A_65 : memref<64x96xf32, #tpu.memory_space<vmem_shared>>)
        tpu.yield
      }) : () -> ()
    }
    %scan3A_8 = arith.constant 10 : i32
    "tpu.region"() ({
      %run_scoped3A = tpu.sem_alloc : memref<!tpu.dma_semaphore, #tpu.memory_space<semaphore_mem>>
      %dma_start3A_49 = arith.constant 0 : i32
      %dma_start3A_50 = arith.constant 0 : i32
      %dma_start3A_51 = tpu.memref_slice %arg2[%arg1, %dma_start3A_49, %dma_start3A_50] : memref<16x336x64xi32, #tpu.memory_space<hbm>> -> memref<1x336x64xi32, #tpu.memory_space<hbm>>
      %dma_start3A_52 = tpu.memref_squeeze %dma_start3A_51 : memref<1x336x64xi32, #tpu.memory_space<hbm>> -> memref<336x64xi32, #tpu.memory_space<hbm>>
      %dma_start3A_53 = arith.constant 0 : i32
      %dma_start3A_54 = arith.constant 0 : i32
      %dma_start3A_55 = tpu.memref_slice %arg2[%arg1, %dma_start3A_53, %dma_start3A_54] : memref<16x336x64xi32, #tpu.memory_space<hbm>> -> memref<1x336x64xi32, #tpu.memory_space<hbm>>
      %dma_start3A_56 = tpu.memref_squeeze %dma_start3A_55 : memref<1x336x64xi32, #tpu.memory_space<hbm>> -> memref<336x64xi32, #tpu.memory_space<hbm>>
      tpu.enqueue_dma source(%dma_start3A_56 : memref<336x64xi32, #tpu.memory_space<hbm>>) target(%arg6 : memref<336x64xi32, #tpu.memory_space<vmem>>) target_semaphore(%run_scoped3A : memref<!tpu.dma_semaphore, #tpu.memory_space<semaphore_mem>>)
      %dma_wait3A_57 = arith.constant 0 : i32
      %dma_wait3A_58 = arith.constant 0 : i32
      %dma_wait3A_59 = tpu.memref_slice %arg2[%arg1, %dma_wait3A_57, %dma_wait3A_58] : memref<16x336x64xi32, #tpu.memory_space<hbm>> -> memref<1x336x64xi32, #tpu.memory_space<hbm>>
      %dma_wait3A_60 = tpu.memref_squeeze %dma_wait3A_59 : memref<1x336x64xi32, #tpu.memory_space<hbm>> -> memref<336x64xi32, #tpu.memory_space<hbm>>
      %dma_wait3A_61 = arith.constant 0 : i32
      %dma_wait3A_62 = arith.constant 0 : i32
      %dma_wait3A_63 = tpu.memref_slice %arg2[%arg1, %dma_wait3A_61, %dma_wait3A_62] : memref<16x336x64xi32, #tpu.memory_space<hbm>> -> memref<1x336x64xi32, #tpu.memory_space<hbm>>
      %dma_wait3A_64 = tpu.memref_squeeze %dma_wait3A_63 : memref<1x336x64xi32, #tpu.memory_space<hbm>> -> memref<336x64xi32, #tpu.memory_space<hbm>>
      tpu.wait_dma2 semaphore(%run_scoped3A : memref<!tpu.dma_semaphore, #tpu.memory_space<semaphore_mem>>) src(%dma_wait3A_64 : memref<336x64xi32, #tpu.memory_space<hbm>>) dst(%arg6 : memref<336x64xi32, #tpu.memory_space<vmem>>)
      tpu.yield
    }) : () -> ()
    "tpu.region"() ({
      %run_scoped3A = tpu.sem_alloc : memref<!tpu.dma_semaphore, #tpu.memory_space<semaphore_mem>>
      %dma_start3A_49 = arith.constant 0 : i32
      %dma_start3A_50 = arith.constant 0 : i32
      %dma_start3A_51 = tpu.memref_slice %arg3[%arg1, %dma_start3A_49, %dma_start3A_50] : memref<16x336x64xi32, #tpu.memory_space<hbm>> -> memref<1x336x64xi32, #tpu.memory_space<hbm>>
      %dma_start3A_52 = tpu.memref_squeeze %dma_start3A_51 : memref<1x336x64xi32, #tpu.memory_space<hbm>> -> memref<336x64xi32, #tpu.memory_space<hbm>>
      %dma_start3A_53 = arith.constant 0 : i32
      %dma_start3A_54 = arith.constant 0 : i32
      %dma_start3A_55 = tpu.memref_slice %arg3[%arg1, %dma_start3A_53, %dma_start3A_54] : memref<16x336x64xi32, #tpu.memory_space<hbm>> -> memref<1x336x64xi32, #tpu.memory_space<hbm>>
      %dma_start3A_56 = tpu.memref_squeeze %dma_start3A_55 : memref<1x336x64xi32, #tpu.memory_space<hbm>> -> memref<336x64xi32, #tpu.memory_space<hbm>>
      tpu.enqueue_dma source(%dma_start3A_56 : memref<336x64xi32, #tpu.memory_space<hbm>>) target(%arg7 : memref<336x64xi32, #tpu.memory_space<vmem>>) target_semaphore(%run_scoped3A : memref<!tpu.dma_semaphore, #tpu.memory_space<semaphore_mem>>)
      %dma_wait3A_57 = arith.constant 0 : i32
      %dma_wait3A_58 = arith.constant 0 : i32
      %dma_wait3A_59 = tpu.memref_slice %arg3[%arg1, %dma_wait3A_57, %dma_wait3A_58] : memref<16x336x64xi32, #tpu.memory_space<hbm>> -> memref<1x336x64xi32, #tpu.memory_space<hbm>>
      %dma_wait3A_60 = tpu.memref_squeeze %dma_wait3A_59 : memref<1x336x64xi32, #tpu.memory_space<hbm>> -> memref<336x64xi32, #tpu.memory_space<hbm>>
      %dma_wait3A_61 = arith.constant 0 : i32
      %dma_wait3A_62 = arith.constant 0 : i32
      %dma_wait3A_63 = tpu.memref_slice %arg3[%arg1, %dma_wait3A_61, %dma_wait3A_62] : memref<16x336x64xi32, #tpu.memory_space<hbm>> -> memref<1x336x64xi32, #tpu.memory_space<hbm>>
      %dma_wait3A_64 = tpu.memref_squeeze %dma_wait3A_63 : memref<1x336x64xi32, #tpu.memory_space<hbm>> -> memref<336x64xi32, #tpu.memory_space<hbm>>
      tpu.wait_dma2 semaphore(%run_scoped3A : memref<!tpu.dma_semaphore, #tpu.memory_space<semaphore_mem>>) src(%dma_wait3A_64 : memref<336x64xi32, #tpu.memory_space<hbm>>) dst(%arg7 : memref<336x64xi32, #tpu.memory_space<vmem>>)
      tpu.yield
    }) : () -> ()
    %scan3A_9 = arith.constant 0 : i32
    %scan3A_10 = arith.constant 336 : i32
    %scan3A_11 = arith.addi %scan3A_9, %scan3A_10 : i32
    %scan3A_12 = arith.constant 1 : i32
    scf.for %scan3A_49 = %scan3A_9 to %scan3A_11 step %scan3A_12  : i32 {
      %mul3A_50 = arith.constant 1 : i32
      %mul3A_51 = arith.muli %scan3A_49, %mul3A_50 : i32
      %add3A = arith.constant 0 : i32
      %add3A_52 = arith.addi %add3A, %mul3A_51 : i32
      %scan3A_53 = arith.constant 0 : i32
      %scan3A_54 = arith.constant 4 : i32
      %scan3A_55 = arith.addi %scan3A_53, %scan3A_54 : i32
      %scan3A_56 = arith.constant 1 : i32
      scf.for %scan3A_58 = %scan3A_53 to %scan3A_55 step %scan3A_56  : i32 {
        %mul3A_59 = arith.constant 1 : i32
        %mul3A_60 = arith.muli %scan3A_58, %mul3A_59 : i32
        %add3A_61 = arith.constant 0 : i32
        %add3A_62 = arith.addi %add3A_61, %mul3A_60 : i32
        %mul3A_63 = arith.constant 16 : i32
        %mul3A_64 = arith.muli %add3A_62, %mul3A_63 : i32
        %get3A = arith.index_cast %add3A_52 : i32 to index
        %get3A_65 = arith.index_cast %mul3A_64 : i32 to index
        %get3A_66 = tpu.vector_load %arg6[%get3A, %get3A_65] {strides = array<i32>} : memref<336x64xi32, #tpu.memory_space<vmem>>, vector<1x16xi32>,
        %get3A_67 = vector.shape_cast %get3A_66 : vector<1x16xi32> to vector<16xi32>
        %mul3A_68 = arith.constant 2 : i32
        %mul3A_69 = vector.broadcast %mul3A_68 : i32 to vector<16xi32>
        %mul3A_70 = arith.muli %get3A_67, %mul3A_69 : vector<16xi32>
        %add3A_71 = vector.broadcast %arg0 : i32 to vector<16xi32>
        %add3A_72 = arith.addi %mul3A_70, %add3A_71 : vector<16xi32>
        %mul3A_73 = arith.constant 16 : i32
        %mul3A_74 = arith.muli %add3A_62, %mul3A_73 : i32
        %swap3A = arith.index_cast %add3A_52 : i32 to index
        %swap3A_75 = arith.index_cast %mul3A_74 : i32 to index
        %swap3A_76 = tpu.vector_load %arg6[%swap3A, %swap3A_75] {strides = array<i32>} : memref<336x64xi32, #tpu.memory_space<vmem>>, vector<1x16xi32>,
        %swap3A_77 = vector.shape_cast %swap3A_76 : vector<1x16xi32> to vector<16xi32>
        %swap3A_78 = vector.shape_cast %add3A_72 : vector<16xi32> to vector<1x16xi32>
        tpu.vector_store %arg6[%swap3A, %swap3A_75], %swap3A_78 {strides = array<i32>} : memref<336x64xi32, #tpu.memory_space<vmem>>, vector<1x16xi32>,
      }
      %scan3A_57 = arith.constant 4 : i32
    }
    %scan3A_13 = arith.constant 336 : i32
    %barrier3A = arith.constant 0 : index
    tpu.barrier barrier_id(%barrier3A)
    %dma_start3A = arith.constant 0 : i32
    %dma_start3A_14 = arith.constant 0 : i32
    %dma_start3A_15 = tpu.memref_slice %arg6[%dma_start3A, %dma_start3A_14] : memref<336x64xi32, #tpu.memory_space<vmem>> -> memref<1x64xi32, #tpu.memory_space<vmem>>
    %dma_start3A_16 = tpu.memref_squeeze %dma_start3A_15 : memref<1x64xi32, #tpu.memory_space<vmem>> -> memref<64xi32, #tpu.memory_space<vmem>>
    %dma_start3A_17 = arith.constant 0 : i32
    %dma_start3A_18 = arith.constant 0 : i32
    %dma_start3A_19 = tpu.memref_slice %arg4[%dma_start3A_17, %dma_start3A_18] : memref<20480x96xf32, #tpu.memory_space<hbm>> -> memref<20480x96xf32, #tpu.memory_space<hbm>>
    tpu.enqueue_indirect_dma source(%dma_start3A_19 : memref<20480x96xf32, #tpu.memory_space<hbm>>) target(%arg8 : memref<64x96xf32, #tpu.memory_space<vmem>>) offsets(%dma_start3A_16 : memref<64xi32, #tpu.memory_space<vmem>>) semaphore(%arg12 : memref<!tpu.dma_semaphore, #tpu.memory_space<semaphore_mem>>)
    %dma_start3A_20 = arith.constant 1 : i32
    %dma_start3A_21 = arith.constant 0 : i32
    %dma_start3A_22 = tpu.memref_slice %arg6[%dma_start3A_20, %dma_start3A_21] : memref<336x64xi32, #tpu.memory_space<vmem>> -> memref<1x64xi32, #tpu.memory_space<vmem>>
    %dma_start3A_23 = tpu.memref_squeeze %dma_start3A_22 : memref<1x64xi32, #tpu.memory_space<vmem>> -> memref<64xi32, #tpu.memory_space<vmem>>
    %dma_start3A_24 = arith.constant 0 : i32
    %dma_start3A_25 = arith.constant 0 : i32
    %dma_start3A_26 = tpu.memref_slice %arg4[%dma_start3A_24, %dma_start3A_25] : memref<20480x96xf32, #tpu.memory_space<hbm>> -> memref<20480x96xf32, #tpu.memory_space<hbm>>
    tpu.enqueue_indirect_dma source(%dma_start3A_26 : memref<20480x96xf32, #tpu.memory_space<hbm>>) target(%arg9 : memref<64x96xf32, #tpu.memory_space<vmem>>) offsets(%dma_start3A_23 : memref<64xi32, #tpu.memory_space<vmem>>) semaphore(%arg13 : memref<!tpu.dma_semaphore, #tpu.memory_space<semaphore_mem>>)
    %dma_start3A_27 = arith.constant 2 : i32
    %dma_start3A_28 = arith.constant 0 : i32
    %dma_start3A_29 = tpu.memref_slice %arg6[%dma_start3A_27, %dma_start3A_28] : memref<336x64xi32, #tpu.memory_space<vmem>> -> memref<1x64xi32, #tpu.memory_space<vmem>>
    %dma_start3A_30 = tpu.memref_squeeze %dma_start3A_29 : memref<1x64xi32, #tpu.memory_space<vmem>> -> memref<64xi32, #tpu.memory_space<vmem>>
    %dma_start3A_31 = arith.constant 0 : i32
    %dma_start3A_32 = arith.constant 0 : i32
    %dma_start3A_33 = tpu.memref_slice %arg4[%dma_start3A_31, %dma_start3A_32] : memref<20480x96xf32, #tpu.memory_space<hbm>> -> memref<20480x96xf32, #tpu.memory_space<hbm>>
    tpu.enqueue_indirect_dma source(%dma_start3A_33 : memref<20480x96xf32, #tpu.memory_space<hbm>>) target(%arg10 : memref<64x96xf32, #tpu.memory_space<vmem>>) offsets(%dma_start3A_30 : memref<64xi32, #tpu.memory_space<vmem>>) semaphore(%arg14 : memref<!tpu.dma_semaphore, #tpu.memory_space<semaphore_mem>>)
    %scan3A_34 = arith.constant 0 : i32
    %scan3A_35 = arith.constant 84 : i32
    %scan3A_36 = arith.addi %scan3A_34, %scan3A_35 : i32
    %scan3A_37 = arith.constant 1 : i32
    scf.for %scan3A_49 = %scan3A_34 to %scan3A_36 step %scan3A_37  : i32 {
      %mul3A_50 = arith.constant 4 : i32
      %mul3A_51 = arith.muli %scan3A_49, %mul3A_50 : i32
      %add3A = arith.constant 3 : i32
      %add3A_52 = arith.addi %add3A, %mul3A_51 : i32
      %add3A_53 = arith.constant 0 : i32
      %add3A_54 = arith.addi %add3A_52, %add3A_53 : i32
      %ge3A = arith.constant 4 : i32
      %ge3A_55 = arith.cmpi sge, %add3A_54, %ge3A : i32
      %convert_element_type3A = arith.extui %ge3A_55 : i1 to i32
      %cond3A = arith.constant 0 : i32
      %cond3A_56 = arith.cmpi ne, %convert_element_type3A, %cond3A : i32
      scf.if %cond3A_56 {
        %dma_wait3A_156 = arith.constant 0 : i32
        %dma_wait3A_157 = arith.constant 0 : i32
        %dma_wait3A_158 = tpu.memref_slice %arg7[%dma_wait3A_156, %dma_wait3A_157] : memref<336x64xi32, #tpu.memory_space<vmem>> -> memref<1x64xi32, #tpu.memory_space<vmem>>
        %dma_wait3A_159 = tpu.memref_squeeze %dma_wait3A_158 : memref<1x64xi32, #tpu.memory_space<vmem>> -> memref<64xi32, #tpu.memory_space<vmem>>
        %dma_wait3A_160 = arith.constant 0 : i32
        %dma_wait3A_161 = arith.constant 0 : i32
        %dma_wait3A_162 = tpu.memref_slice %arg20[%dma_wait3A_160, %dma_wait3A_161] : memref<10240x96xf32, #tpu.memory_space<vmem_shared>> -> memref<10240x96xf32, #tpu.memory_space<vmem_shared>>
        tpu.wait_indirect_dma semaphore(%arg19 : memref<!tpu.dma_semaphore, #tpu.memory_space<semaphore_mem>>) src(%arg11 : memref<64x96xf32, #tpu.memory_space<vmem>>) dst(%dma_wait3A_162 : memref<10240x96xf32, #tpu.memory_space<vmem_shared>>)
      } else {
      }
      %lt3A = arith.constant 336 : i32
      %lt3A_57 = arith.cmpi slt, %add3A_54, %lt3A : i32
      %convert_element_type3A_58 = arith.extui %lt3A_57 : i1 to i32
      %cond3A_59 = arith.constant 0 : i32
      %cond3A_60 = arith.cmpi ne, %convert_element_type3A_58, %cond3A_59 : i32
      scf.if %cond3A_60 {
        %dma_start3A_156 = arith.constant 0 : i32
        %dma_start3A_157 = tpu.memref_slice %arg6[%add3A_54, %dma_start3A_156] : memref<336x64xi32, #tpu.memory_space<vmem>> -> memref<1x64xi32, #tpu.memory_space<vmem>>
        %dma_start3A_158 = tpu.memref_squeeze %dma_start3A_157 : memref<1x64xi32, #tpu.memory_space<vmem>> -> memref<64xi32, #tpu.memory_space<vmem>>
        %dma_start3A_159 = arith.constant 0 : i32
        %dma_start3A_160 = arith.constant 0 : i32
        %dma_start3A_161 = tpu.memref_slice %arg4[%dma_start3A_159, %dma_start3A_160] : memref<20480x96xf32, #tpu.memory_space<hbm>> -> memref<20480x96xf32, #tpu.memory_space<hbm>>
        tpu.enqueue_indirect_dma source(%dma_start3A_161 : memref<20480x96xf32, #tpu.memory_space<hbm>>) target(%arg11 : memref<64x96xf32, #tpu.memory_space<vmem>>) offsets(%dma_start3A_158 : memref<64xi32, #tpu.memory_space<vmem>>) semaphore(%arg15 : memref<!tpu.dma_semaphore, #tpu.memory_space<semaphore_mem>>)
      } else {
      }
      %dma_wait3A_61 = arith.constant 0 : i32
      %dma_wait3A_62 = arith.constant 0 : i32
      %dma_wait3A_63 = tpu.memref_slice %arg6[%dma_wait3A_61, %dma_wait3A_62] : memref<336x64xi32, #tpu.memory_space<vmem>> -> memref<1x64xi32, #tpu.memory_space<vmem>>
      %dma_wait3A_64 = tpu.memref_squeeze %dma_wait3A_63 : memref<1x64xi32, #tpu.memory_space<vmem>> -> memref<64xi32, #tpu.memory_space<vmem>>
      %dma_wait3A_65 = arith.constant 0 : i32
      %dma_wait3A_66 = arith.constant 0 : i32
      %dma_wait3A_67 = tpu.memref_slice %arg4[%dma_wait3A_65, %dma_wait3A_66] : memref<20480x96xf32, #tpu.memory_space<hbm>> -> memref<20480x96xf32, #tpu.memory_space<hbm>>
      tpu.wait_indirect_dma semaphore(%arg12 : memref<!tpu.dma_semaphore, #tpu.memory_space<semaphore_mem>>) src(%dma_wait3A_67 : memref<20480x96xf32, #tpu.memory_space<hbm>>) dst(%arg8 : memref<64x96xf32, #tpu.memory_space<vmem>>)
      %sub3A = arith.constant 3 : i32
      %sub3A_68 = arith.subi %add3A_54, %sub3A : i32
      %dma_start3A_69 = arith.constant 0 : i32
      %dma_start3A_70 = tpu.memref_slice %arg7[%sub3A_68, %dma_start3A_69] : memref<336x64xi32, #tpu.memory_space<vmem>> -> memref<1x64xi32, #tpu.memory_space<vmem>>
      %dma_start3A_71 = tpu.memref_squeeze %dma_start3A_70 : memref<1x64xi32, #tpu.memory_space<vmem>> -> memref<64xi32, #tpu.memory_space<vmem>>
      %dma_start3A_72 = arith.constant 0 : i32
      %dma_start3A_73 = arith.constant 0 : i32
      %dma_start3A_74 = tpu.memref_slice %arg20[%dma_start3A_72, %dma_start3A_73] : memref<10240x96xf32, #tpu.memory_space<vmem_shared>> -> memref<10240x96xf32, #tpu.memory_space<vmem_shared>>
      tpu.enqueue_indirect_dma source(%arg8 : memref<64x96xf32, #tpu.memory_space<vmem>>) target(%dma_start3A_74 : memref<10240x96xf32, #tpu.memory_space<vmem_shared>>) offsets(%dma_start3A_71 : memref<64xi32, #tpu.memory_space<vmem>>) semaphore(%arg16 : memref<!tpu.dma_semaphore, #tpu.memory_space<semaphore_mem>>) {add = true}
      %add3A_75 = arith.constant 1 : i32
      %add3A_76 = arith.addi %add3A_52, %add3A_75 : i32
      %ge3A_77 = arith.constant 4 : i32
      %ge3A_78 = arith.cmpi sge, %add3A_76, %ge3A_77 : i32
      %convert_element_type3A_79 = arith.extui %ge3A_78 : i1 to i32
      %cond3A_80 = arith.constant 0 : i32
      %cond3A_81 = arith.cmpi ne, %convert_element_type3A_79, %cond3A_80 : i32
      scf.if %cond3A_81 {
        %dma_wait3A_156 = arith.constant 0 : i32
        %dma_wait3A_157 = arith.constant 0 : i32
        %dma_wait3A_158 = tpu.memref_slice %arg7[%dma_wait3A_156, %dma_wait3A_157] : memref<336x64xi32, #tpu.memory_space<vmem>> -> memref<1x64xi32, #tpu.memory_space<vmem>>
        %dma_wait3A_159 = tpu.memref_squeeze %dma_wait3A_158 : memref<1x64xi32, #tpu.memory_space<vmem>> -> memref<64xi32, #tpu.memory_space<vmem>>
        %dma_wait3A_160 = arith.constant 0 : i32
        %dma_wait3A_161 = arith.constant 0 : i32
        %dma_wait3A_162 = tpu.memref_slice %arg20[%dma_wait3A_160, %dma_wait3A_161] : memref<10240x96xf32, #tpu.memory_space<vmem_shared>> -> memref<10240x96xf32, #tpu.memory_space<vmem_shared>>
        tpu.wait_indirect_dma semaphore(%arg16 : memref<!tpu.dma_semaphore, #tpu.memory_space<semaphore_mem>>) src(%arg8 : memref<64x96xf32, #tpu.memory_space<vmem>>) dst(%dma_wait3A_162 : memref<10240x96xf32, #tpu.memory_space<vmem_shared>>)
      } else {
      }
      %lt3A_82 = arith.constant 336 : i32
      %lt3A_83 = arith.cmpi slt, %add3A_76, %lt3A_82 : i32
      %convert_element_type3A_84 = arith.extui %lt3A_83 : i1 to i32
      %cond3A_85 = arith.constant 0 : i32
      %cond3A_86 = arith.cmpi ne, %convert_element_type3A_84, %cond3A_85 : i32
      scf.if %cond3A_86 {
        %dma_start3A_156 = arith.constant 0 : i32
        %dma_start3A_157 = tpu.memref_slice %arg6[%add3A_76, %dma_start3A_156] : memref<336x64xi32, #tpu.memory_space<vmem>> -> memref<1x64xi32, #tpu.memory_space<vmem>>
        %dma_start3A_158 = tpu.memref_squeeze %dma_start3A_157 : memref<1x64xi32, #tpu.memory_space<vmem>> -> memref<64xi32, #tpu.memory_space<vmem>>
        %dma_start3A_159 = arith.constant 0 : i32
        %dma_start3A_160 = arith.constant 0 : i32
        %dma_start3A_161 = tpu.memref_slice %arg4[%dma_start3A_159, %dma_start3A_160] : memref<20480x96xf32, #tpu.memory_space<hbm>> -> memref<20480x96xf32, #tpu.memory_space<hbm>>
        tpu.enqueue_indirect_dma source(%dma_start3A_161 : memref<20480x96xf32, #tpu.memory_space<hbm>>) target(%arg8 : memref<64x96xf32, #tpu.memory_space<vmem>>) offsets(%dma_start3A_158 : memref<64xi32, #tpu.memory_space<vmem>>) semaphore(%arg12 : memref<!tpu.dma_semaphore, #tpu.memory_space<semaphore_mem>>)
      } else {
      }
      %dma_wait3A_87 = arith.constant 0 : i32
      %dma_wait3A_88 = arith.constant 0 : i32
      %dma_wait3A_89 = tpu.memref_slice %arg6[%dma_wait3A_87, %dma_wait3A_88] : memref<336x64xi32, #tpu.memory_space<vmem>> -> memref<1x64xi32, #tpu.memory_space<vmem>>
      %dma_wait3A_90 = tpu.memref_squeeze %dma_wait3A_89 : memref<1x64xi32, #tpu.memory_space<vmem>> -> memref<64xi32, #tpu.memory_space<vmem>>
      %dma_wait3A_91 = arith.constant 0 : i32
      %dma_wait3A_92 = arith.constant 0 : i32
      %dma_wait3A_93 = tpu.memref_slice %arg4[%dma_wait3A_91, %dma_wait3A_92] : memref<20480x96xf32, #tpu.memory_space<hbm>> -> memref<20480x96xf32, #tpu.memory_space<hbm>>
      tpu.wait_indirect_dma semaphore(%arg13 : memref<!tpu.dma_semaphore, #tpu.memory_space<semaphore_mem>>) src(%dma_wait3A_93 : memref<20480x96xf32, #tpu.memory_space<hbm>>) dst(%arg9 : memref<64x96xf32, #tpu.memory_space<vmem>>)
      %sub3A_94 = arith.constant 3 : i32
      %sub3A_95 = arith.subi %add3A_76, %sub3A_94 : i32
      %dma_start3A_96 = arith.constant 0 : i32
      %dma_start3A_97 = tpu.memref_slice %arg7[%sub3A_95, %dma_start3A_96] : memref<336x64xi32, #tpu.memory_space<vmem>> -> memref<1x64xi32, #tpu.memory_space<vmem>>
      %dma_start3A_98 = tpu.memref_squeeze %dma_start3A_97 : memref<1x64xi32, #tpu.memory_space<vmem>> -> memref<64xi32, #tpu.memory_space<vmem>>
      %dma_start3A_99 = arith.constant 0 : i32
      %dma_start3A_100 = arith.constant 0 : i32
      %dma_start3A_101 = tpu.memref_slice %arg20[%dma_start3A_99, %dma_start3A_100] : memref<10240x96xf32, #tpu.memory_space<vmem_shared>> -> memref<10240x96xf32, #tpu.memory_space<vmem_shared>>
      tpu.enqueue_indirect_dma source(%arg9 : memref<64x96xf32, #tpu.memory_space<vmem>>) target(%dma_start3A_101 : memref<10240x96xf32, #tpu.memory_space<vmem_shared>>) offsets(%dma_start3A_98 : memref<64xi32, #tpu.memory_space<vmem>>) semaphore(%arg17 : memref<!tpu.dma_semaphore, #tpu.memory_space<semaphore_mem>>) {add = true}
      %add3A_102 = arith.constant 2 : i32
      %add3A_103 = arith.addi %add3A_52, %add3A_102 : i32
      %ge3A_104 = arith.constant 4 : i32
      %ge3A_105 = arith.cmpi sge, %add3A_103, %ge3A_104 : i32
      %convert_element_type3A_106 = arith.extui %ge3A_105 : i1 to i32
      %cond3A_107 = arith.constant 0 : i32
      %cond3A_108 = arith.cmpi ne, %convert_element_type3A_106, %cond3A_107 : i32
      scf.if %cond3A_108 {
        %dma_wait3A_156 = arith.constant 0 : i32
        %dma_wait3A_157 = arith.constant 0 : i32
        %dma_wait3A_158 = tpu.memref_slice %arg7[%dma_wait3A_156, %dma_wait3A_157] : memref<336x64xi32, #tpu.memory_space<vmem>> -> memref<1x64xi32, #tpu.memory_space<vmem>>
        %dma_wait3A_159 = tpu.memref_squeeze %dma_wait3A_158 : memref<1x64xi32, #tpu.memory_space<vmem>> -> memref<64xi32, #tpu.memory_space<vmem>>
        %dma_wait3A_160 = arith.constant 0 : i32
        %dma_wait3A_161 = arith.constant 0 : i32
        %dma_wait3A_162 = tpu.memref_slice %arg20[%dma_wait3A_160, %dma_wait3A_161] : memref<10240x96xf32, #tpu.memory_space<vmem_shared>> -> memref<10240x96xf32, #tpu.memory_space<vmem_shared>>
        tpu.wait_indirect_dma semaphore(%arg17 : memref<!tpu.dma_semaphore, #tpu.memory_space<semaphore_mem>>) src(%arg9 : memref<64x96xf32, #tpu.memory_space<vmem>>) dst(%dma_wait3A_162 : memref<10240x96xf32, #tpu.memory_space<vmem_shared>>)
      } else {
      }
      %lt3A_109 = arith.constant 336 : i32
      %lt3A_110 = arith.cmpi slt, %add3A_103, %lt3A_109 : i32
      %convert_element_type3A_111 = arith.extui %lt3A_110 : i1 to i32
      %cond3A_112 = arith.constant 0 : i32
      %cond3A_113 = arith.cmpi ne, %convert_element_type3A_111, %cond3A_112 : i32
      scf.if %cond3A_113 {
        %dma_start3A_156 = arith.constant 0 : i32
        %dma_start3A_157 = tpu.memref_slice %arg6[%add3A_103, %dma_start3A_156] : memref<336x64xi32, #tpu.memory_space<vmem>> -> memref<1x64xi32, #tpu.memory_space<vmem>>
        %dma_start3A_158 = tpu.memref_squeeze %dma_start3A_157 : memref<1x64xi32, #tpu.memory_space<vmem>> -> memref<64xi32, #tpu.memory_space<vmem>>
        %dma_start3A_159 = arith.constant 0 : i32
        %dma_start3A_160 = arith.constant 0 : i32
        %dma_start3A_161 = tpu.memref_slice %arg4[%dma_start3A_159, %dma_start3A_160] : memref<20480x96xf32, #tpu.memory_space<hbm>> -> memref<20480x96xf32, #tpu.memory_space<hbm>>
        tpu.enqueue_indirect_dma source(%dma_start3A_161 : memref<20480x96xf32, #tpu.memory_space<hbm>>) target(%arg9 : memref<64x96xf32, #tpu.memory_space<vmem>>) offsets(%dma_start3A_158 : memref<64xi32, #tpu.memory_space<vmem>>) semaphore(%arg13 : memref<!tpu.dma_semaphore, #tpu.memory_space<semaphore_mem>>)
      } else {
      }
      %dma_wait3A_114 = arith.constant 0 : i32
      %dma_wait3A_115 = arith.constant 0 : i32
      %dma_wait3A_116 = tpu.memref_slice %arg6[%dma_wait3A_114, %dma_wait3A_115] : memref<336x64xi32, #tpu.memory_space<vmem>> -> memref<1x64xi32, #tpu.memory_space<vmem>>
      %dma_wait3A_117 = tpu.memref_squeeze %dma_wait3A_116 : memref<1x64xi32, #tpu.memory_space<vmem>> -> memref<64xi32, #tpu.memory_space<vmem>>
      %dma_wait3A_118 = arith.constant 0 : i32
      %dma_wait3A_119 = arith.constant 0 : i32
      %dma_wait3A_120 = tpu.memref_slice %arg4[%dma_wait3A_118, %dma_wait3A_119] : memref<20480x96xf32, #tpu.memory_space<hbm>> -> memref<20480x96xf32, #tpu.memory_space<hbm>>
      tpu.wait_indirect_dma semaphore(%arg14 : memref<!tpu.dma_semaphore, #tpu.memory_space<semaphore_mem>>) src(%dma_wait3A_120 : memref<20480x96xf32, #tpu.memory_space<hbm>>) dst(%arg10 : memref<64x96xf32, #tpu.memory_space<vmem>>)
      %sub3A_121 = arith.constant 3 : i32
      %sub3A_122 = arith.subi %add3A_103, %sub3A_121 : i32
      %dma_start3A_123 = arith.constant 0 : i32
      %dma_start3A_124 = tpu.memref_slice %arg7[%sub3A_122, %dma_start3A_123] : memref<336x64xi32, #tpu.memory_space<vmem>> -> memref<1x64xi32, #tpu.memory_space<vmem>>
      %dma_start3A_125 = tpu.memref_squeeze %dma_start3A_124 : memref<1x64xi32, #tpu.memory_space<vmem>> -> memref<64xi32, #tpu.memory_space<vmem>>
      %dma_start3A_126 = arith.constant 0 : i32
      %dma_start3A_127 = arith.constant 0 : i32
      %dma_start3A_128 = tpu.memref_slice %arg20[%dma_start3A_126, %dma_start3A_127] : memref<10240x96xf32, #tpu.memory_space<vmem_shared>> -> memref<10240x96xf32, #tpu.memory_space<vmem_shared>>
      tpu.enqueue_indirect_dma source(%arg10 : memref<64x96xf32, #tpu.memory_space<vmem>>) target(%dma_start3A_128 : memref<10240x96xf32, #tpu.memory_space<vmem_shared>>) offsets(%dma_start3A_125 : memref<64xi32, #tpu.memory_space<vmem>>) semaphore(%arg18 : memref<!tpu.dma_semaphore, #tpu.memory_space<semaphore_mem>>) {add = true}
      %add3A_129 = arith.constant 3 : i32
      %add3A_130 = arith.addi %add3A_52, %add3A_129 : i32
      %ge3A_131 = arith.constant 4 : i32
      %ge3A_132 = arith.cmpi sge, %add3A_130, %ge3A_131 : i32
      %convert_element_type3A_133 = arith.extui %ge3A_132 : i1 to i32
      %cond3A_134 = arith.constant 0 : i32
      %cond3A_135 = arith.cmpi ne, %convert_element_type3A_133, %cond3A_134 : i32
      scf.if %cond3A_135 {
        %dma_wait3A_156 = arith.constant 0 : i32
        %dma_wait3A_157 = arith.constant 0 : i32
        %dma_wait3A_158 = tpu.memref_slice %arg7[%dma_wait3A_156, %dma_wait3A_157] : memref<336x64xi32, #tpu.memory_space<vmem>> -> memref<1x64xi32, #tpu.memory_space<vmem>>
        %dma_wait3A_159 = tpu.memref_squeeze %dma_wait3A_158 : memref<1x64xi32, #tpu.memory_space<vmem>> -> memref<64xi32, #tpu.memory_space<vmem>>
        %dma_wait3A_160 = arith.constant 0 : i32
        %dma_wait3A_161 = arith.constant 0 : i32
        %dma_wait3A_162 = tpu.memref_slice %arg20[%dma_wait3A_160, %dma_wait3A_161] : memref<10240x96xf32, #tpu.memory_space<vmem_shared>> -> memref<10240x96xf32, #tpu.memory_space<vmem_shared>>
        tpu.wait_indirect_dma semaphore(%arg18 : memref<!tpu.dma_semaphore, #tpu.memory_space<semaphore_mem>>) src(%arg10 : memref<64x96xf32, #tpu.memory_space<vmem>>) dst(%dma_wait3A_162 : memref<10240x96xf32, #tpu.memory_space<vmem_shared>>)
      } else {
      }
      %lt3A_136 = arith.constant 336 : i32
      %lt3A_137 = arith.cmpi slt, %add3A_130, %lt3A_136 : i32
      %convert_element_type3A_138 = arith.extui %lt3A_137 : i1 to i32
      %cond3A_139 = arith.constant 0 : i32
      %cond3A_140 = arith.cmpi ne, %convert_element_type3A_138, %cond3A_139 : i32
      scf.if %cond3A_140 {
        %dma_start3A_156 = arith.constant 0 : i32
        %dma_start3A_157 = tpu.memref_slice %arg6[%add3A_130, %dma_start3A_156] : memref<336x64xi32, #tpu.memory_space<vmem>> -> memref<1x64xi32, #tpu.memory_space<vmem>>
        %dma_start3A_158 = tpu.memref_squeeze %dma_start3A_157 : memref<1x64xi32, #tpu.memory_space<vmem>> -> memref<64xi32, #tpu.memory_space<vmem>>
        %dma_start3A_159 = arith.constant 0 : i32
        %dma_start3A_160 = arith.constant 0 : i32
        %dma_start3A_161 = tpu.memref_slice %arg4[%dma_start3A_159, %dma_start3A_160] : memref<20480x96xf32, #tpu.memory_space<hbm>> -> memref<20480x96xf32, #tpu.memory_space<hbm>>
        tpu.enqueue_indirect_dma source(%dma_start3A_161 : memref<20480x96xf32, #tpu.memory_space<hbm>>) target(%arg10 : memref<64x96xf32, #tpu.memory_space<vmem>>) offsets(%dma_start3A_158 : memref<64xi32, #tpu.memory_space<vmem>>) semaphore(%arg14 : memref<!tpu.dma_semaphore, #tpu.memory_space<semaphore_mem>>)
      } else {
      }
      %dma_wait3A_141 = arith.constant 0 : i32
      %dma_wait3A_142 = arith.constant 0 : i32
      %dma_wait3A_143 = tpu.memref_slice %arg6[%dma_wait3A_141, %dma_wait3A_142] : memref<336x64xi32, #tpu.memory_space<vmem>> -> memref<1x64xi32, #tpu.memory_space<vmem>>
      %dma_wait3A_144 = tpu.memref_squeeze %dma_wait3A_143 : memref<1x64xi32, #tpu.memory_space<vmem>> -> memref<64xi32, #tpu.memory_space<vmem>>
      %dma_wait3A_145 = arith.constant 0 : i32
      %dma_wait3A_146 = arith.constant 0 : i32
      %dma_wait3A_147 = tpu.memref_slice %arg4[%dma_wait3A_145, %dma_wait3A_146] : memref<20480x96xf32, #tpu.memory_space<hbm>> -> memref<20480x96xf32, #tpu.memory_space<hbm>>
      tpu.wait_indirect_dma semaphore(%arg15 : memref<!tpu.dma_semaphore, #tpu.memory_space<semaphore_mem>>) src(%dma_wait3A_147 : memref<20480x96xf32, #tpu.memory_space<hbm>>) dst(%arg11 : memref<64x96xf32, #tpu.memory_space<vmem>>)
      %sub3A_148 = arith.constant 3 : i32
      %sub3A_149 = arith.subi %add3A_130, %sub3A_148 : i32
      %dma_start3A_150 = arith.constant 0 : i32
      %dma_start3A_151 = tpu.memref_slice %arg7[%sub3A_149, %dma_start3A_150] : memref<336x64xi32, #tpu.memory_space<vmem>> -> memref<1x64xi32, #tpu.memory_space<vmem>>
      %dma_start3A_152 = tpu.memref_squeeze %dma_start3A_151 : memref<1x64xi32, #tpu.memory_space<vmem>> -> memref<64xi32, #tpu.memory_space<vmem>>
      %dma_start3A_153 = arith.constant 0 : i32
      %dma_start3A_154 = arith.constant 0 : i32
      %dma_start3A_155 = tpu.memref_slice %arg20[%dma_start3A_153, %dma_start3A_154] : memref<10240x96xf32, #tpu.memory_space<vmem_shared>> -> memref<10240x96xf32, #tpu.memory_space<vmem_shared>>
      tpu.enqueue_indirect_dma source(%arg11 : memref<64x96xf32, #tpu.memory_space<vmem>>) target(%dma_start3A_155 : memref<10240x96xf32, #tpu.memory_space<vmem_shared>>) offsets(%dma_start3A_152 : memref<64xi32, #tpu.memory_space<vmem>>) semaphore(%arg19 : memref<!tpu.dma_semaphore, #tpu.memory_space<semaphore_mem>>) {add = true}
    }
    %scan3A_38 = arith.constant 84 : i32
    %dma_wait3A = arith.constant 0 : i32
    %dma_wait3A_39 = arith.constant 0 : i32
    %dma_wait3A_40 = tpu.memref_slice %arg7[%dma_wait3A, %dma_wait3A_39] : memref<336x64xi32, #tpu.memory_space<vmem>> -> memref<1x64xi32, #tpu.memory_space<vmem>>
    %dma_wait3A_41 = tpu.memref_squeeze %dma_wait3A_40 : memref<1x64xi32, #tpu.memory_space<vmem>> -> memref<64xi32, #tpu.memory_space<vmem>>
    %dma_wait3A_42 = arith.constant 0 : i32
    %dma_wait3A_43 = arith.constant 0 : i32
    %dma_wait3A_44 = tpu.memref_slice %arg20[%dma_wait3A_42, %dma_wait3A_43] : memref<10240x96xf32, #tpu.memory_space<vmem_shared>> -> memref<10240x96xf32, #tpu.memory_space<vmem_shared>>
    tpu.wait_indirect_dma semaphore(%arg19 : memref<!tpu.dma_semaphore, #tpu.memory_space<semaphore_mem>>) src(%arg11 : memref<64x96xf32, #tpu.memory_space<vmem>>) dst(%dma_wait3A_44 : memref<10240x96xf32, #tpu.memory_space<vmem_shared>>)
    %barrier3A_45 = arith.constant 0 : index
    tpu.barrier barrier_id(%barrier3A_45)
    %mul3A = arith.constant 640 : i32
    %mul3A_46 = arith.muli %arg1, %mul3A : i32
    %mul3A_47 = arith.constant 640 : i32
    %mul3A_48 = arith.muli %arg1, %mul3A_47 : i32
    "tpu.region"() ({
      %run_scoped3A = tpu.sem_alloc : memref<!tpu.dma_semaphore, #tpu.memory_space<semaphore_mem>>
      %dma_start3A_49 = arith.constant 0 : i32
      %dma_start3A_50 = tpu.memref_slice %arg5[%arg0, %mul3A_48, %dma_start3A_49] : memref<2x10240x96xf32, #tpu.memory_space<hbm>> -> memref<1x640x96xf32, #tpu.memory_space<hbm>>
      %dma_start3A_51 = tpu.memref_squeeze %dma_start3A_50 : memref<1x640x96xf32, #tpu.memory_space<hbm>> -> memref<640x96xf32, #tpu.memory_space<hbm>>
      %dma_start3A_52 = arith.constant 0 : i32
      %dma_start3A_53 = tpu.memref_slice %arg20[%mul3A_46, %dma_start3A_52] : memref<10240x96xf32, #tpu.memory_space<vmem_shared>> -> memref<640x96xf32, #tpu.memory_space<vmem_shared>>
      tpu.enqueue_dma source(%dma_start3A_53 : memref<640x96xf32, #tpu.memory_space<vmem_shared>>) target(%dma_start3A_51 : memref<640x96xf32, #tpu.memory_space<hbm>>) target_semaphore(%run_scoped3A : memref<!tpu.dma_semaphore, #tpu.memory_space<semaphore_mem>>)
      %dma_wait3A_54 = arith.constant 0 : i32
      %dma_wait3A_55 = tpu.memref_slice %arg5[%arg0, %mul3A_48, %dma_wait3A_54] : memref<2x10240x96xf32, #tpu.memory_space<hbm>> -> memref<1x640x96xf32, #tpu.memory_space<hbm>>
      %dma_wait3A_56 = tpu.memref_squeeze %dma_wait3A_55 : memref<1x640x96xf32, #tpu.memory_space<hbm>> -> memref<640x96xf32, #tpu.memory_space<hbm>>
      %dma_wait3A_57 = arith.constant 0 : i32
      %dma_wait3A_58 = tpu.memref_slice %arg20[%mul3A_46, %dma_wait3A_57] : memref<10240x96xf32, #tpu.memory_space<vmem_shared>> -> memref<640x96xf32, #tpu.memory_space<vmem_shared>>
      tpu.wait_dma2 semaphore(%run_scoped3A : memref<!tpu.dma_semaphore, #tpu.memory_space<semaphore_mem>>) src(%dma_wait3A_58 : memref<640x96xf32, #tpu.memory_space<vmem_shared>>) dst(%dma_wait3A_56 : memref<640x96xf32, #tpu.memory_space<hbm>>)
      tpu.yield
    }) : () -> ()
    return
  }
}

#map = affine_map<(d0, d1) -> (0, 0, 0)>
#map1 = affine_map<(d0, d1) -> (0)>
module attributes {stable_mosaic.version = 14 : i64} {
  func.func @_deg_kernel(%arg0: i32, %arg1: i32, %arg2: memref<16x168x128xi32, #tpu.memory_space<hbm>>, %arg3: memref<10240xf32, #tpu.memory_space<hbm>>, %arg4: memref<168x128xi32, #tpu.memory_space<vmem>>, %arg5: memref<128xf32, #tpu.memory_space<vmem>>, %arg6: memref<640xf32, #tpu.memory_space<vmem>>, %arg7: memref<320xf32, #tpu.memory_space<vmem>>, %arg8: memref<!tpu.dma_semaphore, #tpu.memory_space<semaphore_mem>>, %arg9: memref<10240xf32, #tpu.memory_space<vmem_shared>>) attributes {dimension_semantics = [#tpu.dimension_semantics<core_parallel>, #tpu.dimension_semantics<subcore_parallel>], iteration_bounds = array<i64: 2, 16>, scalar_prefetch = 0 : i64, scratch_operands = 6 : i64, tpu.core_type = #tpu.core_type<sc_vector_subcore>, window_params = [{transform_indices = #map}, {transform_indices = #map1}]} {
    %mul3A = arith.constant 16 : i32
    %mul3A_0 = arith.muli %arg0, %mul3A : i32
    %add3A = arith.addi %mul3A_0, %arg1 : i32
    %scan3A = arith.constant 0 : i32
    %scan3A_1 = arith.constant 8 : i32
    %scan3A_2 = arith.addi %scan3A, %scan3A_1 : i32
    %scan3A_3 = arith.constant 1 : i32
    scf.for %scan3A_49 = %scan3A to %scan3A_2 step %scan3A_3  : i32 {
      %mul3A_50 = arith.constant 1 : i32
      %mul3A_51 = arith.muli %scan3A_49, %mul3A_50 : i32
      %add3A_52 = arith.constant 0 : i32
      %add3A_53 = arith.addi %add3A_52, %mul3A_51 : i32
      %broadcast_in_dim3A = arith.constant 1.000000e+00 : f32
      %broadcast_in_dim3A_54 = vector.broadcast %broadcast_in_dim3A : f32 to vector<16xf32>
      %mul3A_55 = arith.constant 16 : i32
      %mul3A_56 = arith.muli %add3A_53, %mul3A_55 : i32
      %swap3A = arith.index_cast %mul3A_56 : i32 to index
      %swap3A_57 = tpu.vector_load %arg5[%swap3A] {strides = array<i32>} : memref<128xf32, #tpu.memory_space<vmem>>, vector<16xf32>,
      tpu.vector_store %arg5[%swap3A], %broadcast_in_dim3A_54 {strides = array<i32>} : memref<128xf32, #tpu.memory_space<vmem>>, vector<16xf32>,
    }
    %scan3A_4 = arith.constant 8 : i32
    %scan3A_5 = arith.constant 0 : i32
    %scan3A_6 = arith.constant 40 : i32
    %scan3A_7 = arith.addi %scan3A_5, %scan3A_6 : i32
    %scan3A_8 = arith.constant 1 : i32
    scf.for %scan3A_49 = %scan3A_5 to %scan3A_7 step %scan3A_8  : i32 {
      %mul3A_50 = arith.constant 1 : i32
      %mul3A_51 = arith.muli %scan3A_49, %mul3A_50 : i32
      %add3A_52 = arith.constant 0 : i32
      %add3A_53 = arith.addi %add3A_52, %mul3A_51 : i32
      %broadcast_in_dim3A = arith.constant 0.000000e+00 : f32
      %broadcast_in_dim3A_54 = vector.broadcast %broadcast_in_dim3A : f32 to vector<16xf32>
      %mul3A_55 = arith.constant 16 : i32
      %mul3A_56 = arith.muli %add3A_53, %mul3A_55 : i32
      %swap3A = arith.index_cast %mul3A_56 : i32 to index
      %swap3A_57 = tpu.vector_load %arg6[%swap3A] {strides = array<i32>} : memref<640xf32, #tpu.memory_space<vmem>>, vector<16xf32>,
      tpu.vector_store %arg6[%swap3A], %broadcast_in_dim3A_54 {strides = array<i32>} : memref<640xf32, #tpu.memory_space<vmem>>, vector<16xf32>,
    }
    %scan3A_9 = arith.constant 40 : i32
    %mul3A_10 = arith.constant 640 : i32
    %mul3A_11 = arith.muli %arg1, %mul3A_10 : i32
    "tpu.region"() ({
      %run_scoped3A = tpu.sem_alloc : memref<!tpu.dma_semaphore, #tpu.memory_space<semaphore_mem>>
      %dma_start3A_49 = tpu.memref_slice %arg9[%mul3A_11] : memref<10240xf32, #tpu.memory_space<vmem_shared>> -> memref<640xf32, #tpu.memory_space<vmem_shared>>
      %dma_start3A_50 = tpu.memref_slice %arg9[%mul3A_11] : memref<10240xf32, #tpu.memory_space<vmem_shared>> -> memref<640xf32, #tpu.memory_space<vmem_shared>>
      tpu.enqueue_dma source(%arg6 : memref<640xf32, #tpu.memory_space<vmem>>) target(%dma_start3A_50 : memref<640xf32, #tpu.memory_space<vmem_shared>>) target_semaphore(%run_scoped3A : memref<!tpu.dma_semaphore, #tpu.memory_space<semaphore_mem>>)
      %dma_wait3A_51 = tpu.memref_slice %arg9[%mul3A_11] : memref<10240xf32, #tpu.memory_space<vmem_shared>> -> memref<640xf32, #tpu.memory_space<vmem_shared>>
      %dma_wait3A_52 = tpu.memref_slice %arg9[%mul3A_11] : memref<10240xf32, #tpu.memory_space<vmem_shared>> -> memref<640xf32, #tpu.memory_space<vmem_shared>>
      tpu.wait_dma2 semaphore(%run_scoped3A : memref<!tpu.dma_semaphore, #tpu.memory_space<semaphore_mem>>) src(%arg6 : memref<640xf32, #tpu.memory_space<vmem>>) dst(%dma_wait3A_52 : memref<640xf32, #tpu.memory_space<vmem_shared>>)
      tpu.yield
    }) : () -> ()
    "tpu.region"() ({
      %run_scoped3A = tpu.sem_alloc : memref<!tpu.dma_semaphore, #tpu.memory_space<semaphore_mem>>
      %dma_start3A_49 = arith.constant 0 : i32
      %dma_start3A_50 = arith.constant 0 : i32
      %dma_start3A_51 = tpu.memref_slice %arg2[%arg1, %dma_start3A_49, %dma_start3A_50] : memref<16x168x128xi32, #tpu.memory_space<hbm>> -> memref<1x168x128xi32, #tpu.memory_space<hbm>>
      %dma_start3A_52 = tpu.memref_squeeze %dma_start3A_51 : memref<1x168x128xi32, #tpu.memory_space<hbm>> -> memref<168x128xi32, #tpu.memory_space<hbm>>
      %dma_start3A_53 = arith.constant 0 : i32
      %dma_start3A_54 = arith.constant 0 : i32
      %dma_start3A_55 = tpu.memref_slice %arg2[%arg1, %dma_start3A_53, %dma_start3A_54] : memref<16x168x128xi32, #tpu.memory_space<hbm>> -> memref<1x168x128xi32, #tpu.memory_space<hbm>>
      %dma_start3A_56 = tpu.memref_squeeze %dma_start3A_55 : memref<1x168x128xi32, #tpu.memory_space<hbm>> -> memref<168x128xi32, #tpu.memory_space<hbm>>
      tpu.enqueue_dma source(%dma_start3A_56 : memref<168x128xi32, #tpu.memory_space<hbm>>) target(%arg4 : memref<168x128xi32, #tpu.memory_space<vmem>>) target_semaphore(%run_scoped3A : memref<!tpu.dma_semaphore, #tpu.memory_space<semaphore_mem>>)
      %dma_wait3A_57 = arith.constant 0 : i32
      %dma_wait3A_58 = arith.constant 0 : i32
      %dma_wait3A_59 = tpu.memref_slice %arg2[%arg1, %dma_wait3A_57, %dma_wait3A_58] : memref<16x168x128xi32, #tpu.memory_space<hbm>> -> memref<1x168x128xi32, #tpu.memory_space<hbm>>
      %dma_wait3A_60 = tpu.memref_squeeze %dma_wait3A_59 : memref<1x168x128xi32, #tpu.memory_space<hbm>> -> memref<168x128xi32, #tpu.memory_space<hbm>>
      %dma_wait3A_61 = arith.constant 0 : i32
      %dma_wait3A_62 = arith.constant 0 : i32
      %dma_wait3A_63 = tpu.memref_slice %arg2[%arg1, %dma_wait3A_61, %dma_wait3A_62] : memref<16x168x128xi32, #tpu.memory_space<hbm>> -> memref<1x168x128xi32, #tpu.memory_space<hbm>>
      %dma_wait3A_64 = tpu.memref_squeeze %dma_wait3A_63 : memref<1x168x128xi32, #tpu.memory_space<hbm>> -> memref<168x128xi32, #tpu.memory_space<hbm>>
      tpu.wait_dma2 semaphore(%run_scoped3A : memref<!tpu.dma_semaphore, #tpu.memory_space<semaphore_mem>>) src(%dma_wait3A_64 : memref<168x128xi32, #tpu.memory_space<hbm>>) dst(%arg4 : memref<168x128xi32, #tpu.memory_space<vmem>>)
      tpu.yield
    }) : () -> ()
    %barrier3A = arith.constant 0 : index
    tpu.barrier barrier_id(%barrier3A)
    %dma_start3A = arith.constant 0 : i32
    %dma_start3A_12 = arith.constant 0 : i32
    %dma_start3A_13 = tpu.memref_slice %arg4[%dma_start3A, %dma_start3A_12] : memref<168x128xi32, #tpu.memory_space<vmem>> -> memref<1x128xi32, #tpu.memory_space<vmem>>
    %dma_start3A_14 = tpu.memref_squeeze %dma_start3A_13 : memref<1x128xi32, #tpu.memory_space<vmem>> -> memref<128xi32, #tpu.memory_space<vmem>>
    %dma_start3A_15 = arith.constant 0 : i32
    %dma_start3A_16 = tpu.memref_slice %arg9[%dma_start3A_15] : memref<10240xf32, #tpu.memory_space<vmem_shared>> -> memref<10240xf32, #tpu.memory_space<vmem_shared>>
    tpu.enqueue_indirect_dma source(%arg5 : memref<128xf32, #tpu.memory_space<vmem>>) target(%dma_start3A_16 : memref<10240xf32, #tpu.memory_space<vmem_shared>>) offsets(%dma_start3A_14 : memref<128xi32, #tpu.memory_space<vmem>>) semaphore(%arg8 : memref<!tpu.dma_semaphore, #tpu.memory_space<semaphore_mem>>) {add = true}
    %dma_start3A_17 = arith.constant 1 : i32
    %dma_start3A_18 = arith.constant 0 : i32
    %dma_start3A_19 = tpu.memref_slice %arg4[%dma_start3A_17, %dma_start3A_18] : memref<168x128xi32, #tpu.memory_space<vmem>> -> memref<1x128xi32, #tpu.memory_space<vmem>>
    %dma_start3A_20 = tpu.memref_squeeze %dma_start3A_19 : memref<1x128xi32, #tpu.memory_space<vmem>> -> memref<128xi32, #tpu.memory_space<vmem>>
    %dma_start3A_21 = arith.constant 0 : i32
    %dma_start3A_22 = tpu.memref_slice %arg9[%dma_start3A_21] : memref<10240xf32, #tpu.memory_space<vmem_shared>> -> memref<10240xf32, #tpu.memory_space<vmem_shared>>
    tpu.enqueue_indirect_dma source(%arg5 : memref<128xf32, #tpu.memory_space<vmem>>) target(%dma_start3A_22 : memref<10240xf32, #tpu.memory_space<vmem_shared>>) offsets(%dma_start3A_20 : memref<128xi32, #tpu.memory_space<vmem>>) semaphore(%arg8 : memref<!tpu.dma_semaphore, #tpu.memory_space<semaphore_mem>>) {add = true}
    %scan3A_23 = arith.constant 0 : i32
    %scan3A_24 = arith.constant 166 : i32
    %scan3A_25 = arith.addi %scan3A_23, %scan3A_24 : i32
    %scan3A_26 = arith.constant 1 : i32
    scf.for %scan3A_49 = %scan3A_23 to %scan3A_25 step %scan3A_26  : i32 {
      %mul3A_50 = arith.constant 1 : i32
      %mul3A_51 = arith.muli %scan3A_49, %mul3A_50 : i32
      %add3A_52 = arith.constant 2 : i32
      %add3A_53 = arith.addi %add3A_52, %mul3A_51 : i32
      %dma_wait3A_54 = arith.constant 0 : i32
      %dma_wait3A_55 = arith.constant 0 : i32
      %dma_wait3A_56 = tpu.memref_slice %arg4[%dma_wait3A_54, %dma_wait3A_55] : memref<168x128xi32, #tpu.memory_space<vmem>> -> memref<1x128xi32, #tpu.memory_space<vmem>>
      %dma_wait3A_57 = tpu.memref_squeeze %dma_wait3A_56 : memref<1x128xi32, #tpu.memory_space<vmem>> -> memref<128xi32, #tpu.memory_space<vmem>>
      %dma_wait3A_58 = arith.constant 0 : i32
      %dma_wait3A_59 = tpu.memref_slice %arg9[%dma_wait3A_58] : memref<10240xf32, #tpu.memory_space<vmem_shared>> -> memref<10240xf32, #tpu.memory_space<vmem_shared>>
      tpu.wait_indirect_dma semaphore(%arg8 : memref<!tpu.dma_semaphore, #tpu.memory_space<semaphore_mem>>) src(%arg5 : memref<128xf32, #tpu.memory_space<vmem>>) dst(%dma_wait3A_59 : memref<10240xf32, #tpu.memory_space<vmem_shared>>)
      %dma_start3A_60 = arith.constant 0 : i32
      %dma_start3A_61 = tpu.memref_slice %arg4[%add3A_53, %dma_start3A_60] : memref<168x128xi32, #tpu.memory_space<vmem>> -> memref<1x128xi32, #tpu.memory_space<vmem>>
      %dma_start3A_62 = tpu.memref_squeeze %dma_start3A_61 : memref<1x128xi32, #tpu.memory_space<vmem>> -> memref<128xi32, #tpu.memory_space<vmem>>
      %dma_start3A_63 = arith.constant 0 : i32
      %dma_start3A_64 = tpu.memref_slice %arg9[%dma_start3A_63] : memref<10240xf32, #tpu.memory_space<vmem_shared>> -> memref<10240xf32, #tpu.memory_space<vmem_shared>>
      tpu.enqueue_indirect_dma source(%arg5 : memref<128xf32, #tpu.memory_space<vmem>>) target(%dma_start3A_64 : memref<10240xf32, #tpu.memory_space<vmem_shared>>) offsets(%dma_start3A_62 : memref<128xi32, #tpu.memory_space<vmem>>) semaphore(%arg8 : memref<!tpu.dma_semaphore, #tpu.memory_space<semaphore_mem>>) {add = true}
    }
    %scan3A_27 = arith.constant 166 : i32
    %dma_wait3A = arith.constant 0 : i32
    %dma_wait3A_28 = arith.constant 0 : i32
    %dma_wait3A_29 = tpu.memref_slice %arg4[%dma_wait3A, %dma_wait3A_28] : memref<168x128xi32, #tpu.memory_space<vmem>> -> memref<1x128xi32, #tpu.memory_space<vmem>>
    %dma_wait3A_30 = tpu.memref_squeeze %dma_wait3A_29 : memref<1x128xi32, #tpu.memory_space<vmem>> -> memref<128xi32, #tpu.memory_space<vmem>>
    %dma_wait3A_31 = arith.constant 0 : i32
    %dma_wait3A_32 = tpu.memref_slice %arg9[%dma_wait3A_31] : memref<10240xf32, #tpu.memory_space<vmem_shared>> -> memref<10240xf32, #tpu.memory_space<vmem_shared>>
    tpu.wait_indirect_dma semaphore(%arg8 : memref<!tpu.dma_semaphore, #tpu.memory_space<semaphore_mem>>) src(%arg5 : memref<128xf32, #tpu.memory_space<vmem>>) dst(%dma_wait3A_32 : memref<10240xf32, #tpu.memory_space<vmem_shared>>)
    %dma_wait3A_33 = arith.constant 0 : i32
    %dma_wait3A_34 = arith.constant 0 : i32
    %dma_wait3A_35 = tpu.memref_slice %arg4[%dma_wait3A_33, %dma_wait3A_34] : memref<168x128xi32, #tpu.memory_space<vmem>> -> memref<1x128xi32, #tpu.memory_space<vmem>>
    %dma_wait3A_36 = tpu.memref_squeeze %dma_wait3A_35 : memref<1x128xi32, #tpu.memory_space<vmem>> -> memref<128xi32, #tpu.memory_space<vmem>>
    %dma_wait3A_37 = arith.constant 0 : i32
    %dma_wait3A_38 = tpu.memref_slice %arg9[%dma_wait3A_37] : memref<10240xf32, #tpu.memory_space<vmem_shared>> -> memref<10240xf32, #tpu.memory_space<vmem_shared>>
    tpu.wait_indirect_dma semaphore(%arg8 : memref<!tpu.dma_semaphore, #tpu.memory_space<semaphore_mem>>) src(%arg5 : memref<128xf32, #tpu.memory_space<vmem>>) dst(%dma_wait3A_38 : memref<10240xf32, #tpu.memory_space<vmem_shared>>)
    %barrier3A_39 = arith.constant 0 : index
    tpu.barrier barrier_id(%barrier3A_39)
    %mul3A_40 = arith.constant 320 : i32
    %mul3A_41 = arith.muli %add3A, %mul3A_40 : i32
    "tpu.region"() ({
      %run_scoped3A = tpu.sem_alloc : memref<!tpu.dma_semaphore, #tpu.memory_space<semaphore_mem>>
      %dma_start3A_49 = arith.constant 0 : i32
      %dma_start3A_50 = tpu.memref_slice %arg6[%dma_start3A_49] : memref<640xf32, #tpu.memory_space<vmem>> -> memref<320xf32, #tpu.memory_space<vmem>>
      %dma_start3A_51 = tpu.memref_slice %arg9[%mul3A_41] : memref<10240xf32, #tpu.memory_space<vmem_shared>> -> memref<320xf32, #tpu.memory_space<vmem_shared>>
      %dma_start3A_52 = arith.constant 0 : i32
      %dma_start3A_53 = tpu.memref_slice %arg6[%dma_start3A_52] : memref<640xf32, #tpu.memory_space<vmem>> -> memref<320xf32, #tpu.memory_space<vmem>>
      %dma_start3A_54 = tpu.memref_slice %arg9[%mul3A_41] : memref<10240xf32, #tpu.memory_space<vmem_shared>> -> memref<320xf32, #tpu.memory_space<vmem_shared>>
      tpu.enqueue_dma source(%dma_start3A_54 : memref<320xf32, #tpu.memory_space<vmem_shared>>) target(%dma_start3A_53 : memref<320xf32, #tpu.memory_space<vmem>>) target_semaphore(%run_scoped3A : memref<!tpu.dma_semaphore, #tpu.memory_space<semaphore_mem>>)
      %dma_wait3A_55 = arith.constant 0 : i32
      %dma_wait3A_56 = tpu.memref_slice %arg6[%dma_wait3A_55] : memref<640xf32, #tpu.memory_space<vmem>> -> memref<320xf32, #tpu.memory_space<vmem>>
      %dma_wait3A_57 = tpu.memref_slice %arg9[%mul3A_41] : memref<10240xf32, #tpu.memory_space<vmem_shared>> -> memref<320xf32, #tpu.memory_space<vmem_shared>>
      %dma_wait3A_58 = arith.constant 0 : i32
      %dma_wait3A_59 = tpu.memref_slice %arg6[%dma_wait3A_58] : memref<640xf32, #tpu.memory_space<vmem>> -> memref<320xf32, #tpu.memory_space<vmem>>
      %dma_wait3A_60 = tpu.memref_slice %arg9[%mul3A_41] : memref<10240xf32, #tpu.memory_space<vmem_shared>> -> memref<320xf32, #tpu.memory_space<vmem_shared>>
      tpu.wait_dma2 semaphore(%run_scoped3A : memref<!tpu.dma_semaphore, #tpu.memory_space<semaphore_mem>>) src(%dma_wait3A_60 : memref<320xf32, #tpu.memory_space<vmem_shared>>) dst(%dma_wait3A_59 : memref<320xf32, #tpu.memory_space<vmem>>)
      tpu.yield
    }) : () -> ()
    %scan3A_42 = arith.constant 0 : i32
    %scan3A_43 = arith.constant 20 : i32
    %scan3A_44 = arith.addi %scan3A_42, %scan3A_43 : i32
    %scan3A_45 = arith.constant 1 : i32
    scf.for %scan3A_49 = %scan3A_42 to %scan3A_44 step %scan3A_45  : i32 {
      %mul3A_50 = arith.constant 1 : i32
      %mul3A_51 = arith.muli %scan3A_49, %mul3A_50 : i32
      %add3A_52 = arith.constant 0 : i32
      %add3A_53 = arith.addi %add3A_52, %mul3A_51 : i32
      %mul3A_54 = arith.constant 16 : i32
      %mul3A_55 = arith.muli %add3A_53, %mul3A_54 : i32
      %get3A = arith.index_cast %mul3A_55 : i32 to index
      %get3A_56 = tpu.vector_load %arg6[%get3A] {strides = array<i32>} : memref<640xf32, #tpu.memory_space<vmem>>, vector<16xf32>,
      %add3A_57 = arith.constant 1.000000e+00 : f32
      %add3A_58 = vector.broadcast %add3A_57 : f32 to vector<16xf32>
      %add3A_59 = arith.addf %get3A_56, %add3A_58 : vector<16xf32>
      %bitcast3A = vector.bitcast %add3A_59 : vector<16xf32> to vector<16xi32>
      %broadcast_in_dim3A = arith.constant 1597463007 : i32
      %broadcast_in_dim3A_60 = vector.broadcast %broadcast_in_dim3A : i32 to vector<16xi32>
      %shift_right_logical3A = arith.constant 1 : i32
      %shift_right_logical3A_61 = vector.broadcast %shift_right_logical3A : i32 to vector<16xi32>
      %shift_right_logical3A_62 = arith.shrui %bitcast3A, %shift_right_logical3A_61 : vector<16xi32>
      %sub3A = arith.subi %broadcast_in_dim3A_60, %shift_right_logical3A_62 : vector<16xi32>
      %bitcast3A_63 = vector.bitcast %sub3A : vector<16xi32> to vector<16xf32>
      %mul3A_64 = arith.constant 5.000000e-01 : f32
      %mul3A_65 = vector.broadcast %mul3A_64 : f32 to vector<16xf32>
      %mul3A_66 = arith.mulf %mul3A_65, %add3A_59 : vector<16xf32>
      %mul3A_67 = arith.mulf %mul3A_66, %bitcast3A_63 : vector<16xf32>
      %mul3A_68 = arith.mulf %mul3A_67, %bitcast3A_63 : vector<16xf32>
      %sub3A_69 = arith.constant 1.500000e+00 : f32
      %sub3A_70 = vector.broadcast %sub3A_69 : f32 to vector<16xf32>
      %sub3A_71 = arith.subf %sub3A_70, %mul3A_68 : vector<16xf32>
      %mul3A_72 = arith.mulf %bitcast3A_63, %sub3A_71 : vector<16xf32>
      %mul3A_73 = arith.constant 5.000000e-01 : f32
      %mul3A_74 = vector.broadcast %mul3A_73 : f32 to vector<16xf32>
      %mul3A_75 = arith.mulf %mul3A_74, %add3A_59 : vector<16xf32>
      %mul3A_76 = arith.mulf %mul3A_75, %mul3A_72 : vector<16xf32>
      %mul3A_77 = arith.mulf %mul3A_76, %mul3A_72 : vector<16xf32>
      %sub3A_78 = arith.constant 1.500000e+00 : f32
      %sub3A_79 = vector.broadcast %sub3A_78 : f32 to vector<16xf32>
      %sub3A_80 = arith.subf %sub3A_79, %mul3A_77 : vector<16xf32>
      %mul3A_81 = arith.mulf %mul3A_72, %sub3A_80 : vector<16xf32>
      %mul3A_82 = arith.constant 5.000000e-01 : f32
      %mul3A_83 = vector.broadcast %mul3A_82 : f32 to vector<16xf32>
      %mul3A_84 = arith.mulf %mul3A_83, %add3A_59 : vector<16xf32>
      %mul3A_85 = arith.mulf %mul3A_84, %mul3A_81 : vector<16xf32>
      %mul3A_86 = arith.mulf %mul3A_85, %mul3A_81 : vector<16xf32>
      %sub3A_87 = arith.constant 1.500000e+00 : f32
      %sub3A_88 = vector.broadcast %sub3A_87 : f32 to vector<16xf32>
      %sub3A_89 = arith.subf %sub3A_88, %mul3A_86 : vector<16xf32>
      %mul3A_90 = arith.mulf %mul3A_81, %sub3A_89 : vector<16xf32>
      %mul3A_91 = arith.constant 16 : i32
      %mul3A_92 = arith.muli %add3A_53, %mul3A_91 : i32
      %swap3A = arith.index_cast %mul3A_92 : i32 to index
      %swap3A_93 = tpu.vector_load %arg7[%swap3A] {strides = array<i32>} : memref<320xf32, #tpu.memory_space<vmem>>, vector<16xf32>,
      tpu.vector_store %arg7[%swap3A], %mul3A_90 {strides = array<i32>} : memref<320xf32, #tpu.memory_space<vmem>>, vector<16xf32>,
    }
    %scan3A_46 = arith.constant 20 : i32
    %mul3A_47 = arith.constant 320 : i32
    %mul3A_48 = arith.muli %add3A, %mul3A_47 : i32
    "tpu.region"() ({
      %run_scoped3A = tpu.sem_alloc : memref<!tpu.dma_semaphore, #tpu.memory_space<semaphore_mem>>
      %dma_start3A_49 = tpu.memref_slice %arg3[%mul3A_48] : memref<10240xf32, #tpu.memory_space<hbm>> -> memref<320xf32, #tpu.memory_space<hbm>>
      %dma_start3A_50 = tpu.memref_slice %arg3[%mul3A_48] : memref<10240xf32, #tpu.memory_space<hbm>> -> memref<320xf32, #tpu.memory_space<hbm>>
      tpu.enqueue_dma source(%arg7 : memref<320xf32, #tpu.memory_space<vmem>>) target(%dma_start3A_50 : memref<320xf32, #tpu.memory_space<hbm>>) target_semaphore(%run_scoped3A : memref<!tpu.dma_semaphore, #tpu.memory_space<semaphore_mem>>)
      %dma_wait3A_51 = tpu.memref_slice %arg3[%mul3A_48] : memref<10240xf32, #tpu.memory_space<hbm>> -> memref<320xf32, #tpu.memory_space<hbm>>
      %dma_wait3A_52 = tpu.memref_slice %arg3[%mul3A_48] : memref<10240xf32, #tpu.memory_space<hbm>> -> memref<320xf32, #tpu.memory_space<hbm>>
      tpu.wait_dma2 semaphore(%run_scoped3A : memref<!tpu.dma_semaphore, #tpu.memory_space<semaphore_mem>>) src(%arg7 : memref<320xf32, #tpu.memory_space<vmem>>) dst(%dma_wait3A_52 : memref<320xf32, #tpu.memory_space<hbm>>)
      tpu.yield
    }) : () -> ()
    return
  }
}

#map = affine_map<(d0, d1) -> (0, 0)>
#map1 = affine_map<(d0, d1) -> (0)>
module attributes {stable_mosaic.version = 14 : i64} {
  func.func @_y2_kernel(%arg0: i32, %arg1: i32, %arg2: memref<10240x192xf32, #tpu.memory_space<hbm>>, %arg3: memref<10240xf32, #tpu.memory_space<hbm>>, %arg4: memref<20480x96xf32, #tpu.memory_space<hbm>>, %arg5: memref<64x192xf32, #tpu.memory_space<vmem>>, %arg6: memref<128x96xf32, #tpu.memory_space<vmem>>, %arg7: memref<320xf32, #tpu.memory_space<vmem>>, %arg8: memref<!tpu.dma_semaphore, #tpu.memory_space<semaphore_mem>>) attributes {dimension_semantics = [#tpu.dimension_semantics<core_parallel>, #tpu.dimension_semantics<subcore_parallel>], iteration_bounds = array<i64: 2, 16>, scalar_prefetch = 0 : i64, scratch_operands = 4 : i64, tpu.core_type = #tpu.core_type<sc_vector_subcore>, window_params = [{transform_indices = #map}, {transform_indices = #map1}, {transform_indices = #map}]} {
    %mul3A = arith.constant 16 : i32
    %mul3A_0 = arith.muli %arg0, %mul3A : i32
    %add3A = arith.addi %mul3A_0, %arg1 : i32
    %mul3A_1 = arith.constant 320 : i32
    %mul3A_2 = arith.muli %add3A, %mul3A_1 : i32
    "tpu.region"() ({
      %run_scoped3A = tpu.sem_alloc : memref<!tpu.dma_semaphore, #tpu.memory_space<semaphore_mem>>
      %dma_start3A = tpu.memref_slice %arg3[%mul3A_2] : memref<10240xf32, #tpu.memory_space<hbm>> -> memref<320xf32, #tpu.memory_space<hbm>>
      %dma_start3A_7 = tpu.memref_slice %arg3[%mul3A_2] : memref<10240xf32, #tpu.memory_space<hbm>> -> memref<320xf32, #tpu.memory_space<hbm>>
      tpu.enqueue_dma source(%dma_start3A_7 : memref<320xf32, #tpu.memory_space<hbm>>) target(%arg7 : memref<320xf32, #tpu.memory_space<vmem>>) target_semaphore(%run_scoped3A : memref<!tpu.dma_semaphore, #tpu.memory_space<semaphore_mem>>)
      %dma_wait3A = tpu.memref_slice %arg3[%mul3A_2] : memref<10240xf32, #tpu.memory_space<hbm>> -> memref<320xf32, #tpu.memory_space<hbm>>
      %dma_wait3A_8 = tpu.memref_slice %arg3[%mul3A_2] : memref<10240xf32, #tpu.memory_space<hbm>> -> memref<320xf32, #tpu.memory_space<hbm>>
      tpu.wait_dma2 semaphore(%run_scoped3A : memref<!tpu.dma_semaphore, #tpu.memory_space<semaphore_mem>>) src(%dma_wait3A_8 : memref<320xf32, #tpu.memory_space<hbm>>) dst(%arg7 : memref<320xf32, #tpu.memory_space<vmem>>)
      tpu.yield
    }) : () -> ()
    %scan3A = arith.constant 0 : i32
    %scan3A_3 = arith.constant 5 : i32
    %scan3A_4 = arith.addi %scan3A, %scan3A_3 : i32
    %scan3A_5 = arith.constant 1 : i32
    scf.for %scan3A_7 = %scan3A to %scan3A_4 step %scan3A_5  : i32 {
      %mul3A_8 = arith.constant 1 : i32
      %mul3A_9 = arith.muli %scan3A_7, %mul3A_8 : i32
      %add3A_10 = arith.constant 0 : i32
      %add3A_11 = arith.addi %add3A_10, %mul3A_9 : i32
      %mul3A_12 = arith.constant 64 : i32
      %mul3A_13 = arith.muli %add3A_11, %mul3A_12 : i32
      %add3A_14 = arith.addi %mul3A_2, %mul3A_13 : i32
      "tpu.region"() ({
        %run_scoped3A = tpu.sem_alloc : memref<!tpu.dma_semaphore, #tpu.memory_space<semaphore_mem>>
        %dma_start3A = arith.constant 0 : i32
        %dma_start3A_25 = tpu.memref_slice %arg2[%add3A_14, %dma_start3A] : memref<10240x192xf32, #tpu.memory_space<hbm>> -> memref<64x192xf32, #tpu.memory_space<hbm>>
        %dma_start3A_26 = arith.constant 0 : i32
        %dma_start3A_27 = tpu.memref_slice %arg2[%add3A_14, %dma_start3A_26] : memref<10240x192xf32, #tpu.memory_space<hbm>> -> memref<64x192xf32, #tpu.memory_space<hbm>>
        tpu.enqueue_dma source(%dma_start3A_27 : memref<64x192xf32, #tpu.memory_space<hbm>>) target(%arg5 : memref<64x192xf32, #tpu.memory_space<vmem>>) target_semaphore(%run_scoped3A : memref<!tpu.dma_semaphore, #tpu.memory_space<semaphore_mem>>)
        %dma_wait3A = arith.constant 0 : i32
        %dma_wait3A_28 = tpu.memref_slice %arg2[%add3A_14, %dma_wait3A] : memref<10240x192xf32, #tpu.memory_space<hbm>> -> memref<64x192xf32, #tpu.memory_space<hbm>>
        %dma_wait3A_29 = arith.constant 0 : i32
        %dma_wait3A_30 = tpu.memref_slice %arg2[%add3A_14, %dma_wait3A_29] : memref<10240x192xf32, #tpu.memory_space<hbm>> -> memref<64x192xf32, #tpu.memory_space<hbm>>
        tpu.wait_dma2 semaphore(%run_scoped3A : memref<!tpu.dma_semaphore, #tpu.memory_space<semaphore_mem>>) src(%dma_wait3A_30 : memref<64x192xf32, #tpu.memory_space<hbm>>) dst(%arg5 : memref<64x192xf32, #tpu.memory_space<vmem>>)
        tpu.yield
      }) : () -> ()
      %scan3A_15 = arith.constant 0 : i32
      %scan3A_16 = arith.constant 64 : i32
      %scan3A_17 = arith.addi %scan3A_15, %scan3A_16 : i32
      %scan3A_18 = arith.constant 1 : i32
      scf.for %scan3A_25 = %scan3A_15 to %scan3A_17 step %scan3A_18  : i32 {
        %mul3A_26 = arith.constant 1 : i32
        %mul3A_27 = arith.muli %scan3A_25, %mul3A_26 : i32
        %add3A_28 = arith.constant 0 : i32
        %add3A_29 = arith.addi %add3A_28, %mul3A_27 : i32
        %mul3A_30 = arith.constant 64 : i32
        %mul3A_31 = arith.muli %add3A_11, %mul3A_30 : i32
        %add3A_32 = arith.addi %mul3A_31, %add3A_29 : i32
        %broadcast_in_dim3A = vector.broadcast %add3A_32 : i32 to vector<16xi32>
        %gather3A = tpu.vector_load_idx %arg7[%broadcast_in_dim3A] : memref<320xf32, #tpu.memory_space<vmem>>[vector<16xi32>], vector<16xf32>,
        %get3A = arith.index_cast %add3A_29 : i32 to index
        %get3A_33 = arith.constant 0 : index
        %get3A_34 = tpu.vector_load %arg5[%get3A, %get3A_33] {strides = array<i32>} : memref<64x192xf32, #tpu.memory_space<vmem>>, vector<16xf32>,
        %mul3A_35 = arith.mulf %get3A_34, %gather3A : vector<16xf32>
        %mul3A_36 = arith.constant 2 : i32
        %mul3A_37 = arith.muli %mul3A_36, %add3A_29 : i32
        %swap3A = arith.index_cast %mul3A_37 : i32 to index
        %swap3A_38 = arith.constant 0 : index
        %swap3A_39 = tpu.vector_load %arg6[%swap3A, %swap3A_38] {strides = array<i32>} : memref<128x96xf32, #tpu.memory_space<vmem>>, vector<16xf32>,
        tpu.vector_store %arg6[%swap3A, %swap3A_38], %mul3A_35 {strides = array<i32>} : memref<128x96xf32, #tpu.memory_space<vmem>>, vector<16xf32>,
        %get3A_40 = arith.index_cast %add3A_29 : i32 to index
        %get3A_41 = arith.constant 96 : index
        %get3A_42 = tpu.vector_load %arg5[%get3A_40, %get3A_41] {strides = array<i32>} : memref<64x192xf32, #tpu.memory_space<vmem>>, vector<16xf32>,
        %mul3A_43 = arith.mulf %get3A_42, %gather3A : vector<16xf32>
        %mul3A_44 = arith.constant 2 : i32
        %mul3A_45 = arith.muli %mul3A_44, %add3A_29 : i32
        %add3A_46 = arith.constant 1 : i32
        %add3A_47 = arith.addi %mul3A_45, %add3A_46 : i32
        %swap3A_48 = arith.index_cast %add3A_47 : i32 to index
        %swap3A_49 = arith.constant 0 : index
        %swap3A_50 = tpu.vector_load %arg6[%swap3A_48, %swap3A_49] {strides = array<i32>} : memref<128x96xf32, #tpu.memory_space<vmem>>, vector<16xf32>,
        tpu.vector_store %arg6[%swap3A_48, %swap3A_49], %mul3A_43 {strides = array<i32>} : memref<128x96xf32, #tpu.memory_space<vmem>>, vector<16xf32>,
        %get3A_51 = arith.index_cast %add3A_29 : i32 to index
        %get3A_52 = arith.constant 16 : index
        %get3A_53 = tpu.vector_load %arg5[%get3A_51, %get3A_52] {strides = array<i32>} : memref<64x192xf32, #tpu.memory_space<vmem>>, vector<16xf32>,
        %mul3A_54 = arith.mulf %get3A_53, %gather3A : vector<16xf32>
        %mul3A_55 = arith.constant 2 : i32
        %mul3A_56 = arith.muli %mul3A_55, %add3A_29 : i32
        %swap3A_57 = arith.index_cast %mul3A_56 : i32 to index
        %swap3A_58 = arith.constant 16 : index
        %swap3A_59 = tpu.vector_load %arg6[%swap3A_57, %swap3A_58] {strides = array<i32>} : memref<128x96xf32, #tpu.memory_space<vmem>>, vector<16xf32>,
        tpu.vector_store %arg6[%swap3A_57, %swap3A_58], %mul3A_54 {strides = array<i32>} : memref<128x96xf32, #tpu.memory_space<vmem>>, vector<16xf32>,
        %get3A_60 = arith.index_cast %add3A_29 : i32 to index
        %get3A_61 = arith.constant 112 : index
        %get3A_62 = tpu.vector_load %arg5[%get3A_60, %get3A_61] {strides = array<i32>} : memref<64x192xf32, #tpu.memory_space<vmem>>, vector<16xf32>,
        %mul3A_63 = arith.mulf %get3A_62, %gather3A : vector<16xf32>
        %mul3A_64 = arith.constant 2 : i32
        %mul3A_65 = arith.muli %mul3A_64, %add3A_29 : i32
        %add3A_66 = arith.constant 1 : i32
        %add3A_67 = arith.addi %mul3A_65, %add3A_66 : i32
        %swap3A_68 = arith.index_cast %add3A_67 : i32 to index
        %swap3A_69 = arith.constant 16 : index
        %swap3A_70 = tpu.vector_load %arg6[%swap3A_68, %swap3A_69] {strides = array<i32>} : memref<128x96xf32, #tpu.memory_space<vmem>>, vector<16xf32>,
        tpu.vector_store %arg6[%swap3A_68, %swap3A_69], %mul3A_63 {strides = array<i32>} : memref<128x96xf32, #tpu.memory_space<vmem>>, vector<16xf32>,
        %get3A_71 = arith.index_cast %add3A_29 : i32 to index
        %get3A_72 = arith.constant 32 : index
        %get3A_73 = tpu.vector_load %arg5[%get3A_71, %get3A_72] {strides = array<i32>} : memref<64x192xf32, #tpu.memory_space<vmem>>, vector<16xf32>,
        %mul3A_74 = arith.mulf %get3A_73, %gather3A : vector<16xf32>
        %mul3A_75 = arith.constant 2 : i32
        %mul3A_76 = arith.muli %mul3A_75, %add3A_29 : i32
        %swap3A_77 = arith.index_cast %mul3A_76 : i32 to index
        %swap3A_78 = arith.constant 32 : index
        %swap3A_79 = tpu.vector_load %arg6[%swap3A_77, %swap3A_78] {strides = array<i32>} : memref<128x96xf32, #tpu.memory_space<vmem>>, vector<16xf32>,
        tpu.vector_store %arg6[%swap3A_77, %swap3A_78], %mul3A_74 {strides = array<i32>} : memref<128x96xf32, #tpu.memory_space<vmem>>, vector<16xf32>,
        %get3A_80 = arith.index_cast %add3A_29 : i32 to index
        %get3A_81 = arith.constant 128 : index
        %get3A_82 = tpu.vector_load %arg5[%get3A_80, %get3A_81] {strides = array<i32>} : memref<64x192xf32, #tpu.memory_space<vmem>>, vector<16xf32>,
        %mul3A_83 = arith.mulf %get3A_82, %gather3A : vector<16xf32>
        %mul3A_84 = arith.constant 2 : i32
        %mul3A_85 = arith.muli %mul3A_84, %add3A_29 : i32
        %add3A_86 = arith.constant 1 : i32
        %add3A_87 = arith.addi %mul3A_85, %add3A_86 : i32
        %swap3A_88 = arith.index_cast %add3A_87 : i32 to index
        %swap3A_89 = arith.constant 32 : index
        %swap3A_90 = tpu.vector_load %arg6[%swap3A_88, %swap3A_89] {strides = array<i32>} : memref<128x96xf32, #tpu.memory_space<vmem>>, vector<16xf32>,
        tpu.vector_store %arg6[%swap3A_88, %swap3A_89], %mul3A_83 {strides = array<i32>} : memref<128x96xf32, #tpu.memory_space<vmem>>, vector<16xf32>,
        %get3A_91 = arith.index_cast %add3A_29 : i32 to index
        %get3A_92 = arith.constant 48 : index
        %get3A_93 = tpu.vector_load %arg5[%get3A_91, %get3A_92] {strides = array<i32>} : memref<64x192xf32, #tpu.memory_space<vmem>>, vector<16xf32>,
        %mul3A_94 = arith.mulf %get3A_93, %gather3A : vector<16xf32>
        %mul3A_95 = arith.constant 2 : i32
        %mul3A_96 = arith.muli %mul3A_95, %add3A_29 : i32
        %swap3A_97 = arith.index_cast %mul3A_96 : i32 to index
        %swap3A_98 = arith.constant 48 : index
        %swap3A_99 = tpu.vector_load %arg6[%swap3A_97, %swap3A_98] {strides = array<i32>} : memref<128x96xf32, #tpu.memory_space<vmem>>, vector<16xf32>,
        tpu.vector_store %arg6[%swap3A_97, %swap3A_98], %mul3A_94 {strides = array<i32>} : memref<128x96xf32, #tpu.memory_space<vmem>>, vector<16xf32>,
        %get3A_100 = arith.index_cast %add3A_29 : i32 to index
        %get3A_101 = arith.constant 144 : index
        %get3A_102 = tpu.vector_load %arg5[%get3A_100, %get3A_101] {strides = array<i32>} : memref<64x192xf32, #tpu.memory_space<vmem>>, vector<16xf32>,
        %mul3A_103 = arith.mulf %get3A_102, %gather3A : vector<16xf32>
        %mul3A_104 = arith.constant 2 : i32
        %mul3A_105 = arith.muli %mul3A_104, %add3A_29 : i32
        %add3A_106 = arith.constant 1 : i32
        %add3A_107 = arith.addi %mul3A_105, %add3A_106 : i32
        %swap3A_108 = arith.index_cast %add3A_107 : i32 to index
        %swap3A_109 = arith.constant 48 : index
        %swap3A_110 = tpu.vector_load %arg6[%swap3A_108, %swap3A_109] {strides = array<i32>} : memref<128x96xf32, #tpu.memory_space<vmem>>, vector<16xf32>,
        tpu.vector_store %arg6[%swap3A_108, %swap3A_109], %mul3A_103 {strides = array<i32>} : memref<128x96xf32, #tpu.memory_space<vmem>>, vector<16xf32>,
        %get3A_111 = arith.index_cast %add3A_29 : i32 to index
        %get3A_112 = arith.constant 64 : index
        %get3A_113 = tpu.vector_load %arg5[%get3A_111, %get3A_112] {strides = array<i32>} : memref<64x192xf32, #tpu.memory_space<vmem>>, vector<16xf32>,
        %mul3A_114 = arith.mulf %get3A_113, %gather3A : vector<16xf32>
        %mul3A_115 = arith.constant 2 : i32
        %mul3A_116 = arith.muli %mul3A_115, %add3A_29 : i32
        %swap3A_117 = arith.index_cast %mul3A_116 : i32 to index
        %swap3A_118 = arith.constant 64 : index
        %swap3A_119 = tpu.vector_load %arg6[%swap3A_117, %swap3A_118] {strides = array<i32>} : memref<128x96xf32, #tpu.memory_space<vmem>>, vector<16xf32>,
        tpu.vector_store %arg6[%swap3A_117, %swap3A_118], %mul3A_114 {strides = array<i32>} : memref<128x96xf32, #tpu.memory_space<vmem>>, vector<16xf32>,
        %get3A_120 = arith.index_cast %add3A_29 : i32 to index
        %get3A_121 = arith.constant 160 : index
        %get3A_122 = tpu.vector_load %arg5[%get3A_120, %get3A_121] {strides = array<i32>} : memref<64x192xf32, #tpu.memory_space<vmem>>, vector<16xf32>,
        %mul3A_123 = arith.mulf %get3A_122, %gather3A : vector<16xf32>
        %mul3A_124 = arith.constant 2 : i32
        %mul3A_125 = arith.muli %mul3A_124, %add3A_29 : i32
        %add3A_126 = arith.constant 1 : i32
        %add3A_127 = arith.addi %mul3A_125, %add3A_126 : i32
        %swap3A_128 = arith.index_cast %add3A_127 : i32 to index
        %swap3A_129 = arith.constant 64 : index
        %swap3A_130 = tpu.vector_load %arg6[%swap3A_128, %swap3A_129] {strides = array<i32>} : memref<128x96xf32, #tpu.memory_space<vmem>>, vector<16xf32>,
        tpu.vector_store %arg6[%swap3A_128, %swap3A_129], %mul3A_123 {strides = array<i32>} : memref<128x96xf32, #tpu.memory_space<vmem>>, vector<16xf32>,
        %get3A_131 = arith.index_cast %add3A_29 : i32 to index
        %get3A_132 = arith.constant 80 : index
        %get3A_133 = tpu.vector_load %arg5[%get3A_131, %get3A_132] {strides = array<i32>} : memref<64x192xf32, #tpu.memory_space<vmem>>, vector<16xf32>,
        %mul3A_134 = arith.mulf %get3A_133, %gather3A : vector<16xf32>
        %mul3A_135 = arith.constant 2 : i32
        %mul3A_136 = arith.muli %mul3A_135, %add3A_29 : i32
        %swap3A_137 = arith.index_cast %mul3A_136 : i32 to index
        %swap3A_138 = arith.constant 80 : index
        %swap3A_139 = tpu.vector_load %arg6[%swap3A_137, %swap3A_138] {strides = array<i32>} : memref<128x96xf32, #tpu.memory_space<vmem>>, vector<16xf32>,
        tpu.vector_store %arg6[%swap3A_137, %swap3A_138], %mul3A_134 {strides = array<i32>} : memref<128x96xf32, #tpu.memory_space<vmem>>, vector<16xf32>,
        %get3A_140 = arith.index_cast %add3A_29 : i32 to index
        %get3A_141 = arith.constant 176 : index
        %get3A_142 = tpu.vector_load %arg5[%get3A_140, %get3A_141] {strides = array<i32>} : memref<64x192xf32, #tpu.memory_space<vmem>>, vector<16xf32>,
        %mul3A_143 = arith.mulf %get3A_142, %gather3A : vector<16xf32>
        %mul3A_144 = arith.constant 2 : i32
        %mul3A_145 = arith.muli %mul3A_144, %add3A_29 : i32
        %add3A_146 = arith.constant 1 : i32
        %add3A_147 = arith.addi %mul3A_145, %add3A_146 : i32
        %swap3A_148 = arith.index_cast %add3A_147 : i32 to index
        %swap3A_149 = arith.constant 80 : index
        %swap3A_150 = tpu.vector_load %arg6[%swap3A_148, %swap3A_149] {strides = array<i32>} : memref<128x96xf32, #tpu.memory_space<vmem>>, vector<16xf32>,
        tpu.vector_store %arg6[%swap3A_148, %swap3A_149], %mul3A_143 {strides = array<i32>} : memref<128x96xf32, #tpu.memory_space<vmem>>, vector<16xf32>,
      }
      %scan3A_19 = arith.constant 64 : i32
      %mul3A_20 = arith.constant 2 : i32
      %mul3A_21 = arith.muli %mul3A_20, %mul3A_2 : i32
      %mul3A_22 = arith.constant 128 : i32
      %mul3A_23 = arith.muli %add3A_11, %mul3A_22 : i32
      %add3A_24 = arith.addi %mul3A_21, %mul3A_23 : i32
      "tpu.region"() ({
        %run_scoped3A = tpu.sem_alloc : memref<!tpu.dma_semaphore, #tpu.memory_space<semaphore_mem>>
        %dma_start3A = arith.constant 0 : i32
        %dma_start3A_25 = tpu.memref_slice %arg4[%add3A_24, %dma_start3A] : memref<20480x96xf32, #tpu.memory_space<hbm>> -> memref<128x96xf32, #tpu.memory_space<hbm>>
        %dma_start3A_26 = arith.constant 0 : i32
        %dma_start3A_27 = tpu.memref_slice %arg4[%add3A_24, %dma_start3A_26] : memref<20480x96xf32, #tpu.memory_space<hbm>> -> memref<128x96xf32, #tpu.memory_space<hbm>>
        tpu.enqueue_dma source(%arg6 : memref<128x96xf32, #tpu.memory_space<vmem>>) target(%dma_start3A_27 : memref<128x96xf32, #tpu.memory_space<hbm>>) target_semaphore(%run_scoped3A : memref<!tpu.dma_semaphore, #tpu.memory_space<semaphore_mem>>)
        %dma_wait3A = arith.constant 0 : i32
        %dma_wait3A_28 = tpu.memref_slice %arg4[%add3A_24, %dma_wait3A] : memref<20480x96xf32, #tpu.memory_space<hbm>> -> memref<128x96xf32, #tpu.memory_space<hbm>>
        %dma_wait3A_29 = arith.constant 0 : i32
        %dma_wait3A_30 = tpu.memref_slice %arg4[%add3A_24, %dma_wait3A_29] : memref<20480x96xf32, #tpu.memory_space<hbm>> -> memref<128x96xf32, #tpu.memory_space<hbm>>
        tpu.wait_dma2 semaphore(%run_scoped3A : memref<!tpu.dma_semaphore, #tpu.memory_space<semaphore_mem>>) src(%arg6 : memref<128x96xf32, #tpu.memory_space<vmem>>) dst(%dma_wait3A_30 : memref<128x96xf32, #tpu.memory_space<hbm>>)
        tpu.yield
      }) : () -> ()
    }
    %scan3A_6 = arith.constant 5 : i32
    return
  }
}

#map = affine_map<(d0, d1) -> (0, 0, 0)>
#map1 = affine_map<(d0, d1) -> (0)>
module attributes {stable_mosaic.version = 14 : i64} {
  func.func @_s2_kernel(%arg0: i32, %arg1: i32, %arg2: memref<16x168x128xi32, #tpu.memory_space<hbm>>, %arg3: memref<16x168x128xi32, #tpu.memory_space<hbm>>, %arg4: memref<10240xf32, #tpu.memory_space<hbm>>, %arg5: memref<10240xf32, #tpu.memory_space<hbm>>, %arg6: memref<16xf32, #tpu.memory_space<hbm>>, %arg7: memref<10240xf32, #tpu.memory_space<hbm>>, %arg8: memref<168x128xi32, #tpu.memory_space<vmem>>, %arg9: memref<168x128xi32, #tpu.memory_space<vmem>>, %arg10: memref<168x128xf32, #tpu.memory_space<vmem>>, %arg11: memref<10240xf32, #tpu.memory_space<vmem>>, %arg12: memref<640xf32, #tpu.memory_space<vmem>>, %arg13: memref<320xf32, #tpu.memory_space<vmem>>, %arg14: memref<320xf32, #tpu.memory_space<vmem>>, %arg15: memref<320xf32, #tpu.memory_space<vmem>>, %arg16: memref<320xf32, #tpu.memory_space<vmem>>, %arg17: memref<16xf32, #tpu.memory_space<vmem>>, %arg18: memref<!tpu.dma_semaphore, #tpu.memory_space<semaphore_mem>>, %arg19: memref<10240xf32, #tpu.memory_space<vmem_shared>>) attributes {dimension_semantics = [#tpu.dimension_semantics<core_parallel>, #tpu.dimension_semantics<subcore_parallel>], iteration_bounds = array<i64: 2, 16>, scalar_prefetch = 0 : i64, scratch_operands = 12 : i64, tpu.core_type = #tpu.core_type<sc_vector_subcore>, window_params = [{transform_indices = #map}, {transform_indices = #map}, {transform_indices = #map1}, {transform_indices = #map1}, {transform_indices = #map1}, {transform_indices = #map1}]} {
    %mul3A = arith.constant 16 : i32
    %mul3A_0 = arith.muli %arg0, %mul3A : i32
    %add3A = arith.addi %mul3A_0, %arg1 : i32
    %scan3A = arith.constant 0 : i32
    %scan3A_1 = arith.constant 40 : i32
    %scan3A_2 = arith.addi %scan3A, %scan3A_1 : i32
    %scan3A_3 = arith.constant 1 : i32
    scf.for %scan3A_25 = %scan3A to %scan3A_2 step %scan3A_3  : i32 {
      %mul3A_26 = arith.constant 1 : i32
      %mul3A_27 = arith.muli %scan3A_25, %mul3A_26 : i32
      %add3A_28 = arith.constant 0 : i32
      %add3A_29 = arith.addi %add3A_28, %mul3A_27 : i32
      %broadcast_in_dim3A = arith.constant 0.000000e+00 : f32
      %broadcast_in_dim3A_30 = vector.broadcast %broadcast_in_dim3A : f32 to vector<16xf32>
      %mul3A_31 = arith.constant 16 : i32
      %mul3A_32 = arith.muli %add3A_29, %mul3A_31 : i32
      %swap3A = arith.index_cast %mul3A_32 : i32 to index
      %swap3A_33 = tpu.vector_load %arg12[%swap3A] {strides = array<i32>} : memref<640xf32, #tpu.memory_space<vmem>>, vector<16xf32>,
      tpu.vector_store %arg12[%swap3A], %broadcast_in_dim3A_30 {strides = array<i32>} : memref<640xf32, #tpu.memory_space<vmem>>, vector<16xf32>,
    }
    %scan3A_4 = arith.constant 40 : i32
    %mul3A_5 = arith.constant 640 : i32
    %mul3A_6 = arith.muli %arg1, %mul3A_5 : i32
    "tpu.region"() ({
      %run_scoped3A = tpu.sem_alloc : memref<!tpu.dma_semaphore, #tpu.memory_space<semaphore_mem>>
      %dma_start3A = tpu.memref_slice %arg19[%mul3A_6] : memref<10240xf32, #tpu.memory_space<vmem_shared>> -> memref<640xf32, #tpu.memory_space<vmem_shared>>
      %dma_start3A_25 = tpu.memref_slice %arg19[%mul3A_6] : memref<10240xf32, #tpu.memory_space<vmem_shared>> -> memref<640xf32, #tpu.memory_space<vmem_shared>>
      tpu.enqueue_dma source(%arg12 : memref<640xf32, #tpu.memory_space<vmem>>) target(%dma_start3A_25 : memref<640xf32, #tpu.memory_space<vmem_shared>>) target_semaphore(%run_scoped3A : memref<!tpu.dma_semaphore, #tpu.memory_space<semaphore_mem>>)
      %dma_wait3A = tpu.memref_slice %arg19[%mul3A_6] : memref<10240xf32, #tpu.memory_space<vmem_shared>> -> memref<640xf32, #tpu.memory_space<vmem_shared>>
      %dma_wait3A_26 = tpu.memref_slice %arg19[%mul3A_6] : memref<10240xf32, #tpu.memory_space<vmem_shared>> -> memref<640xf32, #tpu.memory_space<vmem_shared>>
      tpu.wait_dma2 semaphore(%run_scoped3A : memref<!tpu.dma_semaphore, #tpu.memory_space<semaphore_mem>>) src(%arg12 : memref<640xf32, #tpu.memory_space<vmem>>) dst(%dma_wait3A_26 : memref<640xf32, #tpu.memory_space<vmem_shared>>)
      tpu.yield
    }) : () -> ()
    "tpu.region"() ({
      %run_scoped3A = tpu.sem_alloc : memref<!tpu.dma_semaphore, #tpu.memory_space<semaphore_mem>>
      %dma_start3A = arith.constant 0 : i32
      %dma_start3A_25 = arith.constant 0 : i32
      %dma_start3A_26 = tpu.memref_slice %arg2[%arg1, %dma_start3A, %dma_start3A_25] : memref<16x168x128xi32, #tpu.memory_space<hbm>> -> memref<1x168x128xi32, #tpu.memory_space<hbm>>
      %dma_start3A_27 = tpu.memref_squeeze %dma_start3A_26 : memref<1x168x128xi32, #tpu.memory_space<hbm>> -> memref<168x128xi32, #tpu.memory_space<hbm>>
      %dma_start3A_28 = arith.constant 0 : i32
      %dma_start3A_29 = arith.constant 0 : i32
      %dma_start3A_30 = tpu.memref_slice %arg2[%arg1, %dma_start3A_28, %dma_start3A_29] : memref<16x168x128xi32, #tpu.memory_space<hbm>> -> memref<1x168x128xi32, #tpu.memory_space<hbm>>
      %dma_start3A_31 = tpu.memref_squeeze %dma_start3A_30 : memref<1x168x128xi32, #tpu.memory_space<hbm>> -> memref<168x128xi32, #tpu.memory_space<hbm>>
      tpu.enqueue_dma source(%dma_start3A_31 : memref<168x128xi32, #tpu.memory_space<hbm>>) target(%arg8 : memref<168x128xi32, #tpu.memory_space<vmem>>) target_semaphore(%run_scoped3A : memref<!tpu.dma_semaphore, #tpu.memory_space<semaphore_mem>>)
      %dma_wait3A = arith.constant 0 : i32
      %dma_wait3A_32 = arith.constant 0 : i32
      %dma_wait3A_33 = tpu.memref_slice %arg2[%arg1, %dma_wait3A, %dma_wait3A_32] : memref<16x168x128xi32, #tpu.memory_space<hbm>> -> memref<1x168x128xi32, #tpu.memory_space<hbm>>
      %dma_wait3A_34 = tpu.memref_squeeze %dma_wait3A_33 : memref<1x168x128xi32, #tpu.memory_space<hbm>> -> memref<168x128xi32, #tpu.memory_space<hbm>>
      %dma_wait3A_35 = arith.constant 0 : i32
      %dma_wait3A_36 = arith.constant 0 : i32
      %dma_wait3A_37 = tpu.memref_slice %arg2[%arg1, %dma_wait3A_35, %dma_wait3A_36] : memref<16x168x128xi32, #tpu.memory_space<hbm>> -> memref<1x168x128xi32, #tpu.memory_space<hbm>>
      %dma_wait3A_38 = tpu.memref_squeeze %dma_wait3A_37 : memref<1x168x128xi32, #tpu.memory_space<hbm>> -> memref<168x128xi32, #tpu.memory_space<hbm>>
      tpu.wait_dma2 semaphore(%run_scoped3A : memref<!tpu.dma_semaphore, #tpu.memory_space<semaphore_mem>>) src(%dma_wait3A_38 : memref<168x128xi32, #tpu.memory_space<hbm>>) dst(%arg8 : memref<168x128xi32, #tpu.memory_space<vmem>>)
      tpu.yield
    }) : () -> ()
    "tpu.region"() ({
      %run_scoped3A = tpu.sem_alloc : memref<!tpu.dma_semaphore, #tpu.memory_space<semaphore_mem>>
      %dma_start3A = arith.constant 0 : i32
      %dma_start3A_25 = arith.constant 0 : i32
      %dma_start3A_26 = tpu.memref_slice %arg3[%arg1, %dma_start3A, %dma_start3A_25] : memref<16x168x128xi32, #tpu.memory_space<hbm>> -> memref<1x168x128xi32, #tpu.memory_space<hbm>>
      %dma_start3A_27 = tpu.memref_squeeze %dma_start3A_26 : memref<1x168x128xi32, #tpu.memory_space<hbm>> -> memref<168x128xi32, #tpu.memory_space<hbm>>
      %dma_start3A_28 = arith.constant 0 : i32
      %dma_start3A_29 = arith.constant 0 : i32
      %dma_start3A_30 = tpu.memref_slice %arg3[%arg1, %dma_start3A_28, %dma_start3A_29] : memref<16x168x128xi32, #tpu.memory_space<hbm>> -> memref<1x168x128xi32, #tpu.memory_space<hbm>>
      %dma_start3A_31 = tpu.memref_squeeze %dma_start3A_30 : memref<1x168x128xi32, #tpu.memory_space<hbm>> -> memref<168x128xi32, #tpu.memory_space<hbm>>
      tpu.enqueue_dma source(%dma_start3A_31 : memref<168x128xi32, #tpu.memory_space<hbm>>) target(%arg9 : memref<168x128xi32, #tpu.memory_space<vmem>>) target_semaphore(%run_scoped3A : memref<!tpu.dma_semaphore, #tpu.memory_space<semaphore_mem>>)
      %dma_wait3A = arith.constant 0 : i32
      %dma_wait3A_32 = arith.constant 0 : i32
      %dma_wait3A_33 = tpu.memref_slice %arg3[%arg1, %dma_wait3A, %dma_wait3A_32] : memref<16x168x128xi32, #tpu.memory_space<hbm>> -> memref<1x168x128xi32, #tpu.memory_space<hbm>>
      %dma_wait3A_34 = tpu.memref_squeeze %dma_wait3A_33 : memref<1x168x128xi32, #tpu.memory_space<hbm>> -> memref<168x128xi32, #tpu.memory_space<hbm>>
      %dma_wait3A_35 = arith.constant 0 : i32
      %dma_wait3A_36 = arith.constant 0 : i32
      %dma_wait3A_37 = tpu.memref_slice %arg3[%arg1, %dma_wait3A_35, %dma_wait3A_36] : memref<16x168x128xi32, #tpu.memory_space<hbm>> -> memref<1x168x128xi32, #tpu.memory_space<hbm>>
      %dma_wait3A_38 = tpu.memref_squeeze %dma_wait3A_37 : memref<1x168x128xi32, #tpu.memory_space<hbm>> -> memref<168x128xi32, #tpu.memory_space<hbm>>
      tpu.wait_dma2 semaphore(%run_scoped3A : memref<!tpu.dma_semaphore, #tpu.memory_space<semaphore_mem>>) src(%dma_wait3A_38 : memref<168x128xi32, #tpu.memory_space<hbm>>) dst(%arg9 : memref<168x128xi32, #tpu.memory_space<vmem>>)
      tpu.yield
    }) : () -> ()
    "tpu.region"() ({
      %run_scoped3A = tpu.sem_alloc : memref<!tpu.dma_semaphore, #tpu.memory_space<semaphore_mem>>
      tpu.enqueue_dma source(%arg6 : memref<16xf32, #tpu.memory_space<hbm>>) target(%arg17 : memref<16xf32, #tpu.memory_space<vmem>>) target_semaphore(%run_scoped3A : memref<!tpu.dma_semaphore, #tpu.memory_space<semaphore_mem>>)
      tpu.wait_dma2 semaphore(%run_scoped3A : memref<!tpu.dma_semaphore, #tpu.memory_space<semaphore_mem>>) src(%arg6 : memref<16xf32, #tpu.memory_space<hbm>>) dst(%arg17 : memref<16xf32, #tpu.memory_space<vmem>>)
      tpu.yield
    }) : () -> ()
    "tpu.region"() ({
      %run_scoped3A = tpu.sem_alloc : memref<!tpu.dma_semaphore, #tpu.memory_space<semaphore_mem>>
      tpu.enqueue_dma source(%arg4 : memref<10240xf32, #tpu.memory_space<hbm>>) target(%arg11 : memref<10240xf32, #tpu.memory_space<vmem>>) target_semaphore(%run_scoped3A : memref<!tpu.dma_semaphore, #tpu.memory_space<semaphore_mem>>)
      tpu.wait_dma2 semaphore(%run_scoped3A : memref<!tpu.dma_semaphore, #tpu.memory_space<semaphore_mem>>) src(%arg4 : memref<10240xf32, #tpu.memory_space<hbm>>) dst(%arg11 : memref<10240xf32, #tpu.memory_space<vmem>>)
      tpu.yield
    }) : () -> ()
    %scan3A_7 = arith.constant 0 : i32
    %scan3A_8 = arith.constant 168 : i32
    %scan3A_9 = arith.addi %scan3A_7, %scan3A_8 : i32
    %scan3A_10 = arith.constant 1 : i32
    scf.for %scan3A_25 = %scan3A_7 to %scan3A_9 step %scan3A_10  : i32 {
      %mul3A_26 = arith.constant 1 : i32
      %mul3A_27 = arith.muli %scan3A_25, %mul3A_26 : i32
      %add3A_28 = arith.constant 0 : i32
      %add3A_29 = arith.addi %add3A_28, %mul3A_27 : i32
      %scan3A_30 = arith.constant 0 : i32
      %scan3A_31 = arith.constant 8 : i32
      %scan3A_32 = arith.addi %scan3A_30, %scan3A_31 : i32
      %scan3A_33 = arith.constant 1 : i32
      scf.for %scan3A_35 = %scan3A_30 to %scan3A_32 step %scan3A_33  : i32 {
        %mul3A_36 = arith.constant 1 : i32
        %mul3A_37 = arith.muli %scan3A_35, %mul3A_36 : i32
        %add3A_38 = arith.constant 0 : i32
        %add3A_39 = arith.addi %add3A_38, %mul3A_37 : i32
        %mul3A_40 = arith.constant 16 : i32
        %mul3A_41 = arith.muli %add3A_39, %mul3A_40 : i32
        %get3A = arith.index_cast %add3A_29 : i32 to index
        %get3A_42 = arith.index_cast %mul3A_41 : i32 to index
        %get3A_43 = tpu.vector_load %arg8[%get3A, %get3A_42] {strides = array<i32>} : memref<168x128xi32, #tpu.memory_space<vmem>>, vector<16xi32>,
        %gather3A = tpu.vector_load_idx %arg11[%get3A_43] : memref<10240xf32, #tpu.memory_space<vmem>>[vector<16xi32>], vector<16xf32>,
        %mul3A_44 = arith.constant 16 : i32
        %mul3A_45 = arith.muli %add3A_39, %mul3A_44 : i32
        %swap3A = arith.index_cast %add3A_29 : i32 to index
        %swap3A_46 = arith.index_cast %mul3A_45 : i32 to index
        %swap3A_47 = tpu.vector_load %arg10[%swap3A, %swap3A_46] {strides = array<i32>} : memref<168x128xf32, #tpu.memory_space<vmem>>, vector<16xf32>,
        tpu.vector_store %arg10[%swap3A, %swap3A_46], %gather3A {strides = array<i32>} : memref<168x128xf32, #tpu.memory_space<vmem>>, vector<16xf32>,
      }
      %scan3A_34 = arith.constant 8 : i32
    }
    %scan3A_11 = arith.constant 168 : i32
    %barrier3A = arith.constant 0 : index
    tpu.barrier barrier_id(%barrier3A)
    %scan3A_12 = arith.constant 0 : i32
    %scan3A_13 = arith.constant 21 : i32
    %scan3A_14 = arith.addi %scan3A_12, %scan3A_13 : i32
    %scan3A_15 = arith.constant 1 : i32
    scf.for %scan3A_25 = %scan3A_12 to %scan3A_14 step %scan3A_15  : i32 {
      %mul3A_26 = arith.constant 8 : i32
      %mul3A_27 = arith.muli %scan3A_25, %mul3A_26 : i32
      %add3A_28 = arith.constant 0 : i32
      %add3A_29 = arith.addi %add3A_28, %mul3A_27 : i32
      %add3A_30 = arith.constant 0 : i32
      %add3A_31 = arith.addi %add3A_29, %add3A_30 : i32
      %add3A_32 = arith.constant 0 : i32
      %add3A_33 = arith.addi %add3A_29, %add3A_32 : i32
      %dma_start3A = arith.constant 0 : i32
      %dma_start3A_34 = tpu.memref_slice %arg10[%add3A_31, %dma_start3A] : memref<168x128xf32, #tpu.memory_space<vmem>> -> memref<1x128xf32, #tpu.memory_space<vmem>>
      %dma_start3A_35 = tpu.memref_squeeze %dma_start3A_34 : memref<1x128xf32, #tpu.memory_space<vmem>> -> memref<128xf32, #tpu.memory_space<vmem>>
      %dma_start3A_36 = arith.constant 0 : i32
      %dma_start3A_37 = tpu.memref_slice %arg9[%add3A_33, %dma_start3A_36] : memref<168x128xi32, #tpu.memory_space<vmem>> -> memref<1x128xi32, #tpu.memory_space<vmem>>
      %dma_start3A_38 = tpu.memref_squeeze %dma_start3A_37 : memref<1x128xi32, #tpu.memory_space<vmem>> -> memref<128xi32, #tpu.memory_space<vmem>>
      %dma_start3A_39 = arith.constant 0 : i32
      %dma_start3A_40 = tpu.memref_slice %arg19[%dma_start3A_39] : memref<10240xf32, #tpu.memory_space<vmem_shared>> -> memref<10240xf32, #tpu.memory_space<vmem_shared>>
      tpu.enqueue_indirect_dma source(%dma_start3A_35 : memref<128xf32, #tpu.memory_space<vmem>>) target(%dma_start3A_40 : memref<10240xf32, #tpu.memory_space<vmem_shared>>) offsets(%dma_start3A_38 : memref<128xi32, #tpu.memory_space<vmem>>) semaphore(%arg18 : memref<!tpu.dma_semaphore, #tpu.memory_space<semaphore_mem>>) {add = true}
      %add3A_41 = arith.constant 1 : i32
      %add3A_42 = arith.addi %add3A_29, %add3A_41 : i32
      %add3A_43 = arith.constant 1 : i32
      %add3A_44 = arith.addi %add3A_29, %add3A_43 : i32
      %dma_start3A_45 = arith.constant 0 : i32
      %dma_start3A_46 = tpu.memref_slice %arg10[%add3A_42, %dma_start3A_45] : memref<168x128xf32, #tpu.memory_space<vmem>> -> memref<1x128xf32, #tpu.memory_space<vmem>>
      %dma_start3A_47 = tpu.memref_squeeze %dma_start3A_46 : memref<1x128xf32, #tpu.memory_space<vmem>> -> memref<128xf32, #tpu.memory_space<vmem>>
      %dma_start3A_48 = arith.constant 0 : i32
      %dma_start3A_49 = tpu.memref_slice %arg9[%add3A_44, %dma_start3A_48] : memref<168x128xi32, #tpu.memory_space<vmem>> -> memref<1x128xi32, #tpu.memory_space<vmem>>
      %dma_start3A_50 = tpu.memref_squeeze %dma_start3A_49 : memref<1x128xi32, #tpu.memory_space<vmem>> -> memref<128xi32, #tpu.memory_space<vmem>>
      %dma_start3A_51 = arith.constant 0 : i32
      %dma_start3A_52 = tpu.memref_slice %arg19[%dma_start3A_51] : memref<10240xf32, #tpu.memory_space<vmem_shared>> -> memref<10240xf32, #tpu.memory_space<vmem_shared>>
      tpu.enqueue_indirect_dma source(%dma_start3A_47 : memref<128xf32, #tpu.memory_space<vmem>>) target(%dma_start3A_52 : memref<10240xf32, #tpu.memory_space<vmem_shared>>) offsets(%dma_start3A_50 : memref<128xi32, #tpu.memory_space<vmem>>) semaphore(%arg18 : memref<!tpu.dma_semaphore, #tpu.memory_space<semaphore_mem>>) {add = true}
      %add3A_53 = arith.constant 2 : i32
      %add3A_54 = arith.addi %add3A_29, %add3A_53 : i32
      %add3A_55 = arith.constant 2 : i32
      %add3A_56 = arith.addi %add3A_29, %add3A_55 : i32
      %dma_start3A_57 = arith.constant 0 : i32
      %dma_start3A_58 = tpu.memref_slice %arg10[%add3A_54, %dma_start3A_57] : memref<168x128xf32, #tpu.memory_space<vmem>> -> memref<1x128xf32, #tpu.memory_space<vmem>>
      %dma_start3A_59 = tpu.memref_squeeze %dma_start3A_58 : memref<1x128xf32, #tpu.memory_space<vmem>> -> memref<128xf32, #tpu.memory_space<vmem>>
      %dma_start3A_60 = arith.constant 0 : i32
      %dma_start3A_61 = tpu.memref_slice %arg9[%add3A_56, %dma_start3A_60] : memref<168x128xi32, #tpu.memory_space<vmem>> -> memref<1x128xi32, #tpu.memory_space<vmem>>
      %dma_start3A_62 = tpu.memref_squeeze %dma_start3A_61 : memref<1x128xi32, #tpu.memory_space<vmem>> -> memref<128xi32, #tpu.memory_space<vmem>>
      %dma_start3A_63 = arith.constant 0 : i32
      %dma_start3A_64 = tpu.memref_slice %arg19[%dma_start3A_63] : memref<10240xf32, #tpu.memory_space<vmem_shared>> -> memref<10240xf32, #tpu.memory_space<vmem_shared>>
      tpu.enqueue_indirect_dma source(%dma_start3A_59 : memref<128xf32, #tpu.memory_space<vmem>>) target(%dma_start3A_64 : memref<10240xf32, #tpu.memory_space<vmem_shared>>) offsets(%dma_start3A_62 : memref<128xi32, #tpu.memory_space<vmem>>) semaphore(%arg18 : memref<!tpu.dma_semaphore, #tpu.memory_space<semaphore_mem>>) {add = true}
      %add3A_65 = arith.constant 3 : i32
      %add3A_66 = arith.addi %add3A_29, %add3A_65 : i32
      %add3A_67 = arith.constant 3 : i32
      %add3A_68 = arith.addi %add3A_29, %add3A_67 : i32
      %dma_start3A_69 = arith.constant 0 : i32
      %dma_start3A_70 = tpu.memref_slice %arg10[%add3A_66, %dma_start3A_69] : memref<168x128xf32, #tpu.memory_space<vmem>> -> memref<1x128xf32, #tpu.memory_space<vmem>>
      %dma_start3A_71 = tpu.memref_squeeze %dma_start3A_70 : memref<1x128xf32, #tpu.memory_space<vmem>> -> memref<128xf32, #tpu.memory_space<vmem>>
      %dma_start3A_72 = arith.constant 0 : i32
      %dma_start3A_73 = tpu.memref_slice %arg9[%add3A_68, %dma_start3A_72] : memref<168x128xi32, #tpu.memory_space<vmem>> -> memref<1x128xi32, #tpu.memory_space<vmem>>
      %dma_start3A_74 = tpu.memref_squeeze %dma_start3A_73 : memref<1x128xi32, #tpu.memory_space<vmem>> -> memref<128xi32, #tpu.memory_space<vmem>>
      %dma_start3A_75 = arith.constant 0 : i32
      %dma_start3A_76 = tpu.memref_slice %arg19[%dma_start3A_75] : memref<10240xf32, #tpu.memory_space<vmem_shared>> -> memref<10240xf32, #tpu.memory_space<vmem_shared>>
      tpu.enqueue_indirect_dma source(%dma_start3A_71 : memref<128xf32, #tpu.memory_space<vmem>>) target(%dma_start3A_76 : memref<10240xf32, #tpu.memory_space<vmem_shared>>) offsets(%dma_start3A_74 : memref<128xi32, #tpu.memory_space<vmem>>) semaphore(%arg18 : memref<!tpu.dma_semaphore, #tpu.memory_space<semaphore_mem>>) {add = true}
      %add3A_77 = arith.constant 4 : i32
      %add3A_78 = arith.addi %add3A_29, %add3A_77 : i32
      %add3A_79 = arith.constant 4 : i32
      %add3A_80 = arith.addi %add3A_29, %add3A_79 : i32
      %dma_start3A_81 = arith.constant 0 : i32
      %dma_start3A_82 = tpu.memref_slice %arg10[%add3A_78, %dma_start3A_81] : memref<168x128xf32, #tpu.memory_space<vmem>> -> memref<1x128xf32, #tpu.memory_space<vmem>>
      %dma_start3A_83 = tpu.memref_squeeze %dma_start3A_82 : memref<1x128xf32, #tpu.memory_space<vmem>> -> memref<128xf32, #tpu.memory_space<vmem>>
      %dma_start3A_84 = arith.constant 0 : i32
      %dma_start3A_85 = tpu.memref_slice %arg9[%add3A_80, %dma_start3A_84] : memref<168x128xi32, #tpu.memory_space<vmem>> -> memref<1x128xi32, #tpu.memory_space<vmem>>
      %dma_start3A_86 = tpu.memref_squeeze %dma_start3A_85 : memref<1x128xi32, #tpu.memory_space<vmem>> -> memref<128xi32, #tpu.memory_space<vmem>>
      %dma_start3A_87 = arith.constant 0 : i32
      %dma_start3A_88 = tpu.memref_slice %arg19[%dma_start3A_87] : memref<10240xf32, #tpu.memory_space<vmem_shared>> -> memref<10240xf32, #tpu.memory_space<vmem_shared>>
      tpu.enqueue_indirect_dma source(%dma_start3A_83 : memref<128xf32, #tpu.memory_space<vmem>>) target(%dma_start3A_88 : memref<10240xf32, #tpu.memory_space<vmem_shared>>) offsets(%dma_start3A_86 : memref<128xi32, #tpu.memory_space<vmem>>) semaphore(%arg18 : memref<!tpu.dma_semaphore, #tpu.memory_space<semaphore_mem>>) {add = true}
      %add3A_89 = arith.constant 5 : i32
      %add3A_90 = arith.addi %add3A_29, %add3A_89 : i32
      %add3A_91 = arith.constant 5 : i32
      %add3A_92 = arith.addi %add3A_29, %add3A_91 : i32
      %dma_start3A_93 = arith.constant 0 : i32
      %dma_start3A_94 = tpu.memref_slice %arg10[%add3A_90, %dma_start3A_93] : memref<168x128xf32, #tpu.memory_space<vmem>> -> memref<1x128xf32, #tpu.memory_space<vmem>>
      %dma_start3A_95 = tpu.memref_squeeze %dma_start3A_94 : memref<1x128xf32, #tpu.memory_space<vmem>> -> memref<128xf32, #tpu.memory_space<vmem>>
      %dma_start3A_96 = arith.constant 0 : i32
      %dma_start3A_97 = tpu.memref_slice %arg9[%add3A_92, %dma_start3A_96] : memref<168x128xi32, #tpu.memory_space<vmem>> -> memref<1x128xi32, #tpu.memory_space<vmem>>
      %dma_start3A_98 = tpu.memref_squeeze %dma_start3A_97 : memref<1x128xi32, #tpu.memory_space<vmem>> -> memref<128xi32, #tpu.memory_space<vmem>>
      %dma_start3A_99 = arith.constant 0 : i32
      %dma_start3A_100 = tpu.memref_slice %arg19[%dma_start3A_99] : memref<10240xf32, #tpu.memory_space<vmem_shared>> -> memref<10240xf32, #tpu.memory_space<vmem_shared>>
      tpu.enqueue_indirect_dma source(%dma_start3A_95 : memref<128xf32, #tpu.memory_space<vmem>>) target(%dma_start3A_100 : memref<10240xf32, #tpu.memory_space<vmem_shared>>) offsets(%dma_start3A_98 : memref<128xi32, #tpu.memory_space<vmem>>) semaphore(%arg18 : memref<!tpu.dma_semaphore, #tpu.memory_space<semaphore_mem>>) {add = true}
      %add3A_101 = arith.constant 6 : i32
      %add3A_102 = arith.addi %add3A_29, %add3A_101 : i32
      %add3A_103 = arith.constant 6 : i32
      %add3A_104 = arith.addi %add3A_29, %add3A_103 : i32
      %dma_start3A_105 = arith.constant 0 : i32
      %dma_start3A_106 = tpu.memref_slice %arg10[%add3A_102, %dma_start3A_105] : memref<168x128xf32, #tpu.memory_space<vmem>> -> memref<1x128xf32, #tpu.memory_space<vmem>>
      %dma_start3A_107 = tpu.memref_squeeze %dma_start3A_106 : memref<1x128xf32, #tpu.memory_space<vmem>> -> memref<128xf32, #tpu.memory_space<vmem>>
      %dma_start3A_108 = arith.constant 0 : i32
      %dma_start3A_109 = tpu.memref_slice %arg9[%add3A_104, %dma_start3A_108] : memref<168x128xi32, #tpu.memory_space<vmem>> -> memref<1x128xi32, #tpu.memory_space<vmem>>
      %dma_start3A_110 = tpu.memref_squeeze %dma_start3A_109 : memref<1x128xi32, #tpu.memory_space<vmem>> -> memref<128xi32, #tpu.memory_space<vmem>>
      %dma_start3A_111 = arith.constant 0 : i32
      %dma_start3A_112 = tpu.memref_slice %arg19[%dma_start3A_111] : memref<10240xf32, #tpu.memory_space<vmem_shared>> -> memref<10240xf32, #tpu.memory_space<vmem_shared>>
      tpu.enqueue_indirect_dma source(%dma_start3A_107 : memref<128xf32, #tpu.memory_space<vmem>>) target(%dma_start3A_112 : memref<10240xf32, #tpu.memory_space<vmem_shared>>) offsets(%dma_start3A_110 : memref<128xi32, #tpu.memory_space<vmem>>) semaphore(%arg18 : memref<!tpu.dma_semaphore, #tpu.memory_space<semaphore_mem>>) {add = true}
      %add3A_113 = arith.constant 7 : i32
      %add3A_114 = arith.addi %add3A_29, %add3A_113 : i32
      %add3A_115 = arith.constant 7 : i32
      %add3A_116 = arith.addi %add3A_29, %add3A_115 : i32
      %dma_start3A_117 = arith.constant 0 : i32
      %dma_start3A_118 = tpu.memref_slice %arg10[%add3A_114, %dma_start3A_117] : memref<168x128xf32, #tpu.memory_space<vmem>> -> memref<1x128xf32, #tpu.memory_space<vmem>>
      %dma_start3A_119 = tpu.memref_squeeze %dma_start3A_118 : memref<1x128xf32, #tpu.memory_space<vmem>> -> memref<128xf32, #tpu.memory_space<vmem>>
      %dma_start3A_120 = arith.constant 0 : i32
      %dma_start3A_121 = tpu.memref_slice %arg9[%add3A_116, %dma_start3A_120] : memref<168x128xi32, #tpu.memory_space<vmem>> -> memref<1x128xi32, #tpu.memory_space<vmem>>
      %dma_start3A_122 = tpu.memref_squeeze %dma_start3A_121 : memref<1x128xi32, #tpu.memory_space<vmem>> -> memref<128xi32, #tpu.memory_space<vmem>>
      %dma_start3A_123 = arith.constant 0 : i32
      %dma_start3A_124 = tpu.memref_slice %arg19[%dma_start3A_123] : memref<10240xf32, #tpu.memory_space<vmem_shared>> -> memref<10240xf32, #tpu.memory_space<vmem_shared>>
      tpu.enqueue_indirect_dma source(%dma_start3A_119 : memref<128xf32, #tpu.memory_space<vmem>>) target(%dma_start3A_124 : memref<10240xf32, #tpu.memory_space<vmem_shared>>) offsets(%dma_start3A_122 : memref<128xi32, #tpu.memory_space<vmem>>) semaphore(%arg18 : memref<!tpu.dma_semaphore, #tpu.memory_space<semaphore_mem>>) {add = true}
      %dma_wait3A = arith.constant 0 : i32
      %dma_wait3A_125 = tpu.memref_slice %arg10[%add3A_31, %dma_wait3A] : memref<168x128xf32, #tpu.memory_space<vmem>> -> memref<1x128xf32, #tpu.memory_space<vmem>>
      %dma_wait3A_126 = tpu.memref_squeeze %dma_wait3A_125 : memref<1x128xf32, #tpu.memory_space<vmem>> -> memref<128xf32, #tpu.memory_space<vmem>>
      %dma_wait3A_127 = arith.constant 0 : i32
      %dma_wait3A_128 = tpu.memref_slice %arg9[%add3A_33, %dma_wait3A_127] : memref<168x128xi32, #tpu.memory_space<vmem>> -> memref<1x128xi32, #tpu.memory_space<vmem>>
      %dma_wait3A_129 = tpu.memref_squeeze %dma_wait3A_128 : memref<1x128xi32, #tpu.memory_space<vmem>> -> memref<128xi32, #tpu.memory_space<vmem>>
      %dma_wait3A_130 = arith.constant 0 : i32
      %dma_wait3A_131 = tpu.memref_slice %arg19[%dma_wait3A_130] : memref<10240xf32, #tpu.memory_space<vmem_shared>> -> memref<10240xf32, #tpu.memory_space<vmem_shared>>
      tpu.wait_indirect_dma semaphore(%arg18 : memref<!tpu.dma_semaphore, #tpu.memory_space<semaphore_mem>>) src(%dma_wait3A_126 : memref<128xf32, #tpu.memory_space<vmem>>) dst(%dma_wait3A_131 : memref<10240xf32, #tpu.memory_space<vmem_shared>>)
      %dma_wait3A_132 = arith.constant 0 : i32
      %dma_wait3A_133 = tpu.memref_slice %arg10[%add3A_42, %dma_wait3A_132] : memref<168x128xf32, #tpu.memory_space<vmem>> -> memref<1x128xf32, #tpu.memory_space<vmem>>
      %dma_wait3A_134 = tpu.memref_squeeze %dma_wait3A_133 : memref<1x128xf32, #tpu.memory_space<vmem>> -> memref<128xf32, #tpu.memory_space<vmem>>
      %dma_wait3A_135 = arith.constant 0 : i32
      %dma_wait3A_136 = tpu.memref_slice %arg9[%add3A_44, %dma_wait3A_135] : memref<168x128xi32, #tpu.memory_space<vmem>> -> memref<1x128xi32, #tpu.memory_space<vmem>>
      %dma_wait3A_137 = tpu.memref_squeeze %dma_wait3A_136 : memref<1x128xi32, #tpu.memory_space<vmem>> -> memref<128xi32, #tpu.memory_space<vmem>>
      %dma_wait3A_138 = arith.constant 0 : i32
      %dma_wait3A_139 = tpu.memref_slice %arg19[%dma_wait3A_138] : memref<10240xf32, #tpu.memory_space<vmem_shared>> -> memref<10240xf32, #tpu.memory_space<vmem_shared>>
      tpu.wait_indirect_dma semaphore(%arg18 : memref<!tpu.dma_semaphore, #tpu.memory_space<semaphore_mem>>) src(%dma_wait3A_134 : memref<128xf32, #tpu.memory_space<vmem>>) dst(%dma_wait3A_139 : memref<10240xf32, #tpu.memory_space<vmem_shared>>)
      %dma_wait3A_140 = arith.constant 0 : i32
      %dma_wait3A_141 = tpu.memref_slice %arg10[%add3A_54, %dma_wait3A_140] : memref<168x128xf32, #tpu.memory_space<vmem>> -> memref<1x128xf32, #tpu.memory_space<vmem>>
      %dma_wait3A_142 = tpu.memref_squeeze %dma_wait3A_141 : memref<1x128xf32, #tpu.memory_space<vmem>> -> memref<128xf32, #tpu.memory_space<vmem>>
      %dma_wait3A_143 = arith.constant 0 : i32
      %dma_wait3A_144 = tpu.memref_slice %arg9[%add3A_56, %dma_wait3A_143] : memref<168x128xi32, #tpu.memory_space<vmem>> -> memref<1x128xi32, #tpu.memory_space<vmem>>
      %dma_wait3A_145 = tpu.memref_squeeze %dma_wait3A_144 : memref<1x128xi32, #tpu.memory_space<vmem>> -> memref<128xi32, #tpu.memory_space<vmem>>
      %dma_wait3A_146 = arith.constant 0 : i32
      %dma_wait3A_147 = tpu.memref_slice %arg19[%dma_wait3A_146] : memref<10240xf32, #tpu.memory_space<vmem_shared>> -> memref<10240xf32, #tpu.memory_space<vmem_shared>>
      tpu.wait_indirect_dma semaphore(%arg18 : memref<!tpu.dma_semaphore, #tpu.memory_space<semaphore_mem>>) src(%dma_wait3A_142 : memref<128xf32, #tpu.memory_space<vmem>>) dst(%dma_wait3A_147 : memref<10240xf32, #tpu.memory_space<vmem_shared>>)
      %dma_wait3A_148 = arith.constant 0 : i32
      %dma_wait3A_149 = tpu.memref_slice %arg10[%add3A_66, %dma_wait3A_148] : memref<168x128xf32, #tpu.memory_space<vmem>> -> memref<1x128xf32, #tpu.memory_space<vmem>>
      %dma_wait3A_150 = tpu.memref_squeeze %dma_wait3A_149 : memref<1x128xf32, #tpu.memory_space<vmem>> -> memref<128xf32, #tpu.memory_space<vmem>>
      %dma_wait3A_151 = arith.constant 0 : i32
      %dma_wait3A_152 = tpu.memref_slice %arg9[%add3A_68, %dma_wait3A_151] : memref<168x128xi32, #tpu.memory_space<vmem>> -> memref<1x128xi32, #tpu.memory_space<vmem>>
      %dma_wait3A_153 = tpu.memref_squeeze %dma_wait3A_152 : memref<1x128xi32, #tpu.memory_space<vmem>> -> memref<128xi32, #tpu.memory_space<vmem>>
      %dma_wait3A_154 = arith.constant 0 : i32
      %dma_wait3A_155 = tpu.memref_slice %arg19[%dma_wait3A_154] : memref<10240xf32, #tpu.memory_space<vmem_shared>> -> memref<10240xf32, #tpu.memory_space<vmem_shared>>
      tpu.wait_indirect_dma semaphore(%arg18 : memref<!tpu.dma_semaphore, #tpu.memory_space<semaphore_mem>>) src(%dma_wait3A_150 : memref<128xf32, #tpu.memory_space<vmem>>) dst(%dma_wait3A_155 : memref<10240xf32, #tpu.memory_space<vmem_shared>>)
      %dma_wait3A_156 = arith.constant 0 : i32
      %dma_wait3A_157 = tpu.memref_slice %arg10[%add3A_78, %dma_wait3A_156] : memref<168x128xf32, #tpu.memory_space<vmem>> -> memref<1x128xf32, #tpu.memory_space<vmem>>
      %dma_wait3A_158 = tpu.memref_squeeze %dma_wait3A_157 : memref<1x128xf32, #tpu.memory_space<vmem>> -> memref<128xf32, #tpu.memory_space<vmem>>
      %dma_wait3A_159 = arith.constant 0 : i32
      %dma_wait3A_160 = tpu.memref_slice %arg9[%add3A_80, %dma_wait3A_159] : memref<168x128xi32, #tpu.memory_space<vmem>> -> memref<1x128xi32, #tpu.memory_space<vmem>>
      %dma_wait3A_161 = tpu.memref_squeeze %dma_wait3A_160 : memref<1x128xi32, #tpu.memory_space<vmem>> -> memref<128xi32, #tpu.memory_space<vmem>>
      %dma_wait3A_162 = arith.constant 0 : i32
      %dma_wait3A_163 = tpu.memref_slice %arg19[%dma_wait3A_162] : memref<10240xf32, #tpu.memory_space<vmem_shared>> -> memref<10240xf32, #tpu.memory_space<vmem_shared>>
      tpu.wait_indirect_dma semaphore(%arg18 : memref<!tpu.dma_semaphore, #tpu.memory_space<semaphore_mem>>) src(%dma_wait3A_158 : memref<128xf32, #tpu.memory_space<vmem>>) dst(%dma_wait3A_163 : memref<10240xf32, #tpu.memory_space<vmem_shared>>)
      %dma_wait3A_164 = arith.constant 0 : i32
      %dma_wait3A_165 = tpu.memref_slice %arg10[%add3A_90, %dma_wait3A_164] : memref<168x128xf32, #tpu.memory_space<vmem>> -> memref<1x128xf32, #tpu.memory_space<vmem>>
      %dma_wait3A_166 = tpu.memref_squeeze %dma_wait3A_165 : memref<1x128xf32, #tpu.memory_space<vmem>> -> memref<128xf32, #tpu.memory_space<vmem>>
      %dma_wait3A_167 = arith.constant 0 : i32
      %dma_wait3A_168 = tpu.memref_slice %arg9[%add3A_92, %dma_wait3A_167] : memref<168x128xi32, #tpu.memory_space<vmem>> -> memref<1x128xi32, #tpu.memory_space<vmem>>
      %dma_wait3A_169 = tpu.memref_squeeze %dma_wait3A_168 : memref<1x128xi32, #tpu.memory_space<vmem>> -> memref<128xi32, #tpu.memory_space<vmem>>
      %dma_wait3A_170 = arith.constant 0 : i32
      %dma_wait3A_171 = tpu.memref_slice %arg19[%dma_wait3A_170] : memref<10240xf32, #tpu.memory_space<vmem_shared>> -> memref<10240xf32, #tpu.memory_space<vmem_shared>>
      tpu.wait_indirect_dma semaphore(%arg18 : memref<!tpu.dma_semaphore, #tpu.memory_space<semaphore_mem>>) src(%dma_wait3A_166 : memref<128xf32, #tpu.memory_space<vmem>>) dst(%dma_wait3A_171 : memref<10240xf32, #tpu.memory_space<vmem_shared>>)
      %dma_wait3A_172 = arith.constant 0 : i32
      %dma_wait3A_173 = tpu.memref_slice %arg10[%add3A_102, %dma_wait3A_172] : memref<168x128xf32, #tpu.memory_space<vmem>> -> memref<1x128xf32, #tpu.memory_space<vmem>>
      %dma_wait3A_174 = tpu.memref_squeeze %dma_wait3A_173 : memref<1x128xf32, #tpu.memory_space<vmem>> -> memref<128xf32, #tpu.memory_space<vmem>>
      %dma_wait3A_175 = arith.constant 0 : i32
      %dma_wait3A_176 = tpu.memref_slice %arg9[%add3A_104, %dma_wait3A_175] : memref<168x128xi32, #tpu.memory_space<vmem>> -> memref<1x128xi32, #tpu.memory_space<vmem>>
      %dma_wait3A_177 = tpu.memref_squeeze %dma_wait3A_176 : memref<1x128xi32, #tpu.memory_space<vmem>> -> memref<128xi32, #tpu.memory_space<vmem>>
      %dma_wait3A_178 = arith.constant 0 : i32
      %dma_wait3A_179 = tpu.memref_slice %arg19[%dma_wait3A_178] : memref<10240xf32, #tpu.memory_space<vmem_shared>> -> memref<10240xf32, #tpu.memory_space<vmem_shared>>
      tpu.wait_indirect_dma semaphore(%arg18 : memref<!tpu.dma_semaphore, #tpu.memory_space<semaphore_mem>>) src(%dma_wait3A_174 : memref<128xf32, #tpu.memory_space<vmem>>) dst(%dma_wait3A_179 : memref<10240xf32, #tpu.memory_space<vmem_shared>>)
      %dma_wait3A_180 = arith.constant 0 : i32
      %dma_wait3A_181 = tpu.memref_slice %arg10[%add3A_114, %dma_wait3A_180] : memref<168x128xf32, #tpu.memory_space<vmem>> -> memref<1x128xf32, #tpu.memory_space<vmem>>
      %dma_wait3A_182 = tpu.memref_squeeze %dma_wait3A_181 : memref<1x128xf32, #tpu.memory_space<vmem>> -> memref<128xf32, #tpu.memory_space<vmem>>
      %dma_wait3A_183 = arith.constant 0 : i32
      %dma_wait3A_184 = tpu.memref_slice %arg9[%add3A_116, %dma_wait3A_183] : memref<168x128xi32, #tpu.memory_space<vmem>> -> memref<1x128xi32, #tpu.memory_space<vmem>>
      %dma_wait3A_185 = tpu.memref_squeeze %dma_wait3A_184 : memref<1x128xi32, #tpu.memory_space<vmem>> -> memref<128xi32, #tpu.memory_space<vmem>>
      %dma_wait3A_186 = arith.constant 0 : i32
      %dma_wait3A_187 = tpu.memref_slice %arg19[%dma_wait3A_186] : memref<10240xf32, #tpu.memory_space<vmem_shared>> -> memref<10240xf32, #tpu.memory_space<vmem_shared>>
      tpu.wait_indirect_dma semaphore(%arg18 : memref<!tpu.dma_semaphore, #tpu.memory_space<semaphore_mem>>) src(%dma_wait3A_182 : memref<128xf32, #tpu.memory_space<vmem>>) dst(%dma_wait3A_187 : memref<10240xf32, #tpu.memory_space<vmem_shared>>)
    }
    %scan3A_16 = arith.constant 21 : i32
    %barrier3A_17 = arith.constant 0 : index
    tpu.barrier barrier_id(%barrier3A_17)
    %mul3A_18 = arith.constant 320 : i32
    %mul3A_19 = arith.muli %add3A, %mul3A_18 : i32
    "tpu.region"() ({
      %run_scoped3A = tpu.sem_alloc : memref<!tpu.dma_semaphore, #tpu.memory_space<semaphore_mem>>
      %dma_start3A = tpu.memref_slice %arg19[%mul3A_19] : memref<10240xf32, #tpu.memory_space<vmem_shared>> -> memref<320xf32, #tpu.memory_space<vmem_shared>>
      %dma_start3A_25 = tpu.memref_slice %arg19[%mul3A_19] : memref<10240xf32, #tpu.memory_space<vmem_shared>> -> memref<320xf32, #tpu.memory_space<vmem_shared>>
      tpu.enqueue_dma source(%dma_start3A_25 : memref<320xf32, #tpu.memory_space<vmem_shared>>) target(%arg13 : memref<320xf32, #tpu.memory_space<vmem>>) target_semaphore(%run_scoped3A : memref<!tpu.dma_semaphore, #tpu.memory_space<semaphore_mem>>)
      %dma_wait3A = tpu.memref_slice %arg19[%mul3A_19] : memref<10240xf32, #tpu.memory_space<vmem_shared>> -> memref<320xf32, #tpu.memory_space<vmem_shared>>
      %dma_wait3A_26 = tpu.memref_slice %arg19[%mul3A_19] : memref<10240xf32, #tpu.memory_space<vmem_shared>> -> memref<320xf32, #tpu.memory_space<vmem_shared>>
      tpu.wait_dma2 semaphore(%run_scoped3A : memref<!tpu.dma_semaphore, #tpu.memory_space<semaphore_mem>>) src(%dma_wait3A_26 : memref<320xf32, #tpu.memory_space<vmem_shared>>) dst(%arg13 : memref<320xf32, #tpu.memory_space<vmem>>)
      tpu.yield
    }) : () -> ()
    "tpu.region"() ({
      %run_scoped3A = tpu.sem_alloc : memref<!tpu.dma_semaphore, #tpu.memory_space<semaphore_mem>>
      %dma_start3A = tpu.memref_slice %arg4[%mul3A_19] : memref<10240xf32, #tpu.memory_space<hbm>> -> memref<320xf32, #tpu.memory_space<hbm>>
      %dma_start3A_25 = tpu.memref_slice %arg4[%mul3A_19] : memref<10240xf32, #tpu.memory_space<hbm>> -> memref<320xf32, #tpu.memory_space<hbm>>
      tpu.enqueue_dma source(%dma_start3A_25 : memref<320xf32, #tpu.memory_space<hbm>>) target(%arg14 : memref<320xf32, #tpu.memory_space<vmem>>) target_semaphore(%run_scoped3A : memref<!tpu.dma_semaphore, #tpu.memory_space<semaphore_mem>>)
      %dma_wait3A = tpu.memref_slice %arg4[%mul3A_19] : memref<10240xf32, #tpu.memory_space<hbm>> -> memref<320xf32, #tpu.memory_space<hbm>>
      %dma_wait3A_26 = tpu.memref_slice %arg4[%mul3A_19] : memref<10240xf32, #tpu.memory_space<hbm>> -> memref<320xf32, #tpu.memory_space<hbm>>
      tpu.wait_dma2 semaphore(%run_scoped3A : memref<!tpu.dma_semaphore, #tpu.memory_space<semaphore_mem>>) src(%dma_wait3A_26 : memref<320xf32, #tpu.memory_space<hbm>>) dst(%arg14 : memref<320xf32, #tpu.memory_space<vmem>>)
      tpu.yield
    }) : () -> ()
    "tpu.region"() ({
      %run_scoped3A = tpu.sem_alloc : memref<!tpu.dma_semaphore, #tpu.memory_space<semaphore_mem>>
      %dma_start3A = tpu.memref_slice %arg5[%mul3A_19] : memref<10240xf32, #tpu.memory_space<hbm>> -> memref<320xf32, #tpu.memory_space<hbm>>
      %dma_start3A_25 = tpu.memref_slice %arg5[%mul3A_19] : memref<10240xf32, #tpu.memory_space<hbm>> -> memref<320xf32, #tpu.memory_space<hbm>>
      tpu.enqueue_dma source(%dma_start3A_25 : memref<320xf32, #tpu.memory_space<hbm>>) target(%arg15 : memref<320xf32, #tpu.memory_space<vmem>>) target_semaphore(%run_scoped3A : memref<!tpu.dma_semaphore, #tpu.memory_space<semaphore_mem>>)
      %dma_wait3A = tpu.memref_slice %arg5[%mul3A_19] : memref<10240xf32, #tpu.memory_space<hbm>> -> memref<320xf32, #tpu.memory_space<hbm>>
      %dma_wait3A_26 = tpu.memref_slice %arg5[%mul3A_19] : memref<10240xf32, #tpu.memory_space<hbm>> -> memref<320xf32, #tpu.memory_space<hbm>>
      tpu.wait_dma2 semaphore(%run_scoped3A : memref<!tpu.dma_semaphore, #tpu.memory_space<semaphore_mem>>) src(%dma_wait3A_26 : memref<320xf32, #tpu.memory_space<hbm>>) dst(%arg15 : memref<320xf32, #tpu.memory_space<vmem>>)
      tpu.yield
    }) : () -> ()
    %scan3A_20 = arith.constant 0 : i32
    %scan3A_21 = arith.constant 20 : i32
    %scan3A_22 = arith.addi %scan3A_20, %scan3A_21 : i32
    %scan3A_23 = arith.constant 1 : i32
    scf.for %scan3A_25 = %scan3A_20 to %scan3A_22 step %scan3A_23  : i32 {
      %mul3A_26 = arith.constant 1 : i32
      %mul3A_27 = arith.muli %scan3A_25, %mul3A_26 : i32
      %add3A_28 = arith.constant 0 : i32
      %add3A_29 = arith.addi %add3A_28, %mul3A_27 : i32
      %mul3A_30 = arith.constant 16 : i32
      %mul3A_31 = arith.muli %add3A_29, %mul3A_30 : i32
      %get3A = arith.index_cast %mul3A_31 : i32 to index
      %get3A_32 = tpu.vector_load %arg13[%get3A] {strides = array<i32>} : memref<320xf32, #tpu.memory_space<vmem>>, vector<16xf32>,
      %mul3A_33 = arith.constant 16 : i32
      %mul3A_34 = arith.muli %add3A_29, %mul3A_33 : i32
      %get3A_35 = arith.index_cast %mul3A_34 : i32 to index
      %get3A_36 = tpu.vector_load %arg14[%get3A_35] {strides = array<i32>} : memref<320xf32, #tpu.memory_space<vmem>>, vector<16xf32>,
      %mul3A_37 = arith.constant 16 : i32
      %mul3A_38 = arith.muli %add3A_29, %mul3A_37 : i32
      %get3A_39 = arith.index_cast %mul3A_38 : i32 to index
      %get3A_40 = tpu.vector_load %arg15[%get3A_39] {strides = array<i32>} : memref<320xf32, #tpu.memory_space<vmem>>, vector<16xf32>,
      %get3A_41 = arith.constant 0 : index
      %get3A_42 = tpu.vector_load %arg17[%get3A_41] {strides = array<i32>} : memref<16xf32, #tpu.memory_space<vmem>>, vector<16xf32>,
      %add3A_43 = arith.addf %get3A_32, %get3A_36 : vector<16xf32>
      %mul3A_44 = arith.mulf %get3A_40, %add3A_43 : vector<16xf32>
      %add3A_45 = arith.addf %mul3A_44, %get3A_42 : vector<16xf32>
      %neg3A = arith.constant 0.000000e+00 : f32
      %neg3A_46 = vector.broadcast %neg3A : f32 to vector<16xf32>
      %neg3A_47 = arith.subf %neg3A_46, %add3A_45 : vector<16xf32>
      %exp3A = math.exp %neg3A_47 : vector<16xf32>
      %add3A_48 = arith.constant 1.000000e+00 : f32
      %add3A_49 = vector.broadcast %add3A_48 : f32 to vector<16xf32>
      %add3A_50 = arith.addf %add3A_49, %exp3A : vector<16xf32>
      %div3A = arith.constant 1.000000e+00 : f32
      %div3A_51 = vector.broadcast %div3A : f32 to vector<16xf32>
      %div3A_52 = arith.divf %div3A_51, %add3A_50 : vector<16xf32>
      %mul3A_53 = arith.constant 16 : i32
      %mul3A_54 = arith.muli %add3A_29, %mul3A_53 : i32
      %swap3A = arith.index_cast %mul3A_54 : i32 to index
      %swap3A_55 = tpu.vector_load %arg16[%swap3A] {strides = array<i32>} : memref<320xf32, #tpu.memory_space<vmem>>, vector<16xf32>,
      tpu.vector_store %arg16[%swap3A], %div3A_52 {strides = array<i32>} : memref<320xf32, #tpu.memory_space<vmem>>, vector<16xf32>,
    }
    %scan3A_24 = arith.constant 20 : i32
    "tpu.region"() ({
      %run_scoped3A = tpu.sem_alloc : memref<!tpu.dma_semaphore, #tpu.memory_space<semaphore_mem>>
      %dma_start3A = tpu.memref_slice %arg7[%mul3A_19] : memref<10240xf32, #tpu.memory_space<hbm>> -> memref<320xf32, #tpu.memory_space<hbm>>
      %dma_start3A_25 = tpu.memref_slice %arg7[%mul3A_19] : memref<10240xf32, #tpu.memory_space<hbm>> -> memref<320xf32, #tpu.memory_space<hbm>>
      tpu.enqueue_dma source(%arg16 : memref<320xf32, #tpu.memory_space<vmem>>) target(%dma_start3A_25 : memref<320xf32, #tpu.memory_space<hbm>>) target_semaphore(%run_scoped3A : memref<!tpu.dma_semaphore, #tpu.memory_space<semaphore_mem>>)
      %dma_wait3A = tpu.memref_slice %arg7[%mul3A_19] : memref<10240xf32, #tpu.memory_space<hbm>> -> memref<320xf32, #tpu.memory_space<hbm>>
      %dma_wait3A_26 = tpu.memref_slice %arg7[%mul3A_19] : memref<10240xf32, #tpu.memory_space<hbm>> -> memref<320xf32, #tpu.memory_space<hbm>>
      tpu.wait_dma2 semaphore(%run_scoped3A : memref<!tpu.dma_semaphore, #tpu.memory_space<semaphore_mem>>) src(%arg16 : memref<320xf32, #tpu.memory_space<vmem>>) dst(%dma_wait3A_26 : memref<320xf32, #tpu.memory_space<hbm>>)
      tpu.yield
    }) : () -> ()
    return
  }
}

module attributes {stable_mosaic.version = 14 : i64} {
  func.func @_mm_body(%arg0: i32, %arg1: memref<2x512x96xf32, #tpu.memory_space<vmem>>, %arg2: memref<512x192xf32, #tpu.memory_space<vmem>>, %arg3: memref<512x1xf32, #tpu.memory_space<vmem>>, %arg4: memref<192x360xf32, #tpu.memory_space<vmem>>, %arg5: memref<1x360xf32, #tpu.memory_space<vmem>>, %arg6: memref<360x1xf32, #tpu.memory_space<vmem>>, %arg7: memref<512x1xf32, #tpu.memory_space<vmem>>) attributes {dimension_semantics = [#tpu.dimension_semantics<arbitrary>], iteration_bounds = array<i64: 20>, scalar_prefetch = 0 : i64, scratch_operands = 0 : i64, tpu.core_type = #tpu.core_type<tc>, window_params = [{transform_indices = @transform_0, window_bounds = array<i64: 2, 512, 96>}, {transform_indices = @transform_1, window_bounds = array<i64: 512, 192>}, {transform_indices = @transform_2, window_bounds = array<i64: 512, 1>}, {pipeline_mode = #tpu.pipeline_mode<synchronous>, transform_indices = @transform_3, window_bounds = array<i64: 192, 360>}, {pipeline_mode = #tpu.pipeline_mode<synchronous>, transform_indices = @transform_4, window_bounds = array<i64: 1, 360>}, {pipeline_mode = #tpu.pipeline_mode<synchronous>, transform_indices = @transform_5, window_bounds = array<i64: 360, 1>}, {transform_indices = @transform_6, window_bounds = array<i64: 512, 1>}]} {
    %get3A = arith.constant 0 : index
    %get3A_0 = arith.constant 0 : index
    %get3A_1 = vector.load %arg3[%get3A, %get3A_0] : memref<512x1xf32, #tpu.memory_space<vmem>>, vector<512x1xf32>
    %get3A_2 = arith.constant 0 : index
    %get3A_3 = arith.constant 0 : index
    %get3A_4 = arith.constant 0 : index
    %get3A_5 = vector.load %arg1[%get3A_2, %get3A_3, %get3A_4] : memref<2x512x96xf32, #tpu.memory_space<vmem>>, vector<2x512x96xf32>
    %slice3A = vector.extract_strided_slice %get3A_5 {offsets = [0, 0, 0], sizes = [1, 512, 96], strides = [1, 1, 1]} : vector<2x512x96xf32> to vector<1x512x96xf32>
    %squeeze3A = vector.shape_cast %slice3A : vector<1x512x96xf32> to vector<512x96xf32>
    %slice3A_6 = vector.extract_strided_slice %get3A_5 {offsets = [1, 0, 0], sizes = [1, 512, 96], strides = [1, 1, 1]} : vector<2x512x96xf32> to vector<1x512x96xf32>
    %squeeze3A_7 = vector.shape_cast %slice3A_6 : vector<1x512x96xf32> to vector<512x96xf32>
    %concatenate3A = tpu.concatenate %squeeze3A, %squeeze3A_7 in 1 : vector<512x96xf32>, vector<512x96xf32> -> vector<512x192xf32>
    %get3A_8 = arith.constant 0 : index
    %get3A_9 = arith.constant 0 : index
    %get3A_10 = vector.load %arg2[%get3A_8, %get3A_9] : memref<512x192xf32, #tpu.memory_space<vmem>>, vector<512x192xf32>
    %mul3A = vector.broadcast %get3A_1 : vector<512x1xf32> to vector<512x192xf32>
    %mul3A_11 = arith.mulf %get3A_10, %mul3A : vector<512x192xf32>
    %add3A = arith.addf %concatenate3A, %mul3A_11 : vector<512x192xf32>
    %mul3A_12 = vector.broadcast %get3A_1 : vector<512x1xf32> to vector<512x192xf32>
    %mul3A_13 = arith.mulf %add3A, %mul3A_12 : vector<512x192xf32>
    %get3A_14 = arith.constant 0 : index
    %get3A_15 = arith.constant 0 : index
    %get3A_16 = vector.load %arg4[%get3A_14, %get3A_15] : memref<192x360xf32, #tpu.memory_space<vmem>>, vector<192x360xf32>
    %dot_general3A = arith.constant dense<0.000000e+00> : vector<512x360xf32>
    %dot_general3A_17 = tpu.matmul %mul3A_13, %get3A_16, %dot_general3A {dimension_numbers = #tpu.dot_dimension_numbers<[1], [0], [0], [1], [0, 0, 1, 1], [], []>, transpose_lhs_hint = false} : vector<512x192xf32>, vector<192x360xf32>, vector<512x360xf32> -> vector<512x360xf32>
    %get3A_18 = arith.constant 0 : index
    %get3A_19 = arith.constant 0 : index
    %get3A_20 = vector.load %arg5[%get3A_18, %get3A_19] : memref<1x360xf32, #tpu.memory_space<vmem>>, vector<1x360xf32>
    %add3A_21 = vector.broadcast %get3A_20 : vector<1x360xf32> to vector<512x360xf32>
    %add3A_22 = arith.addf %dot_general3A_17, %add3A_21 : vector<512x360xf32>
    %max3A = arith.constant 0.000000e+00 : f32
    %max3A_23 = vector.broadcast %max3A : f32 to vector<512x360xf32>
    %max3A_24 = arith.maximumf %add3A_22, %max3A_23 : vector<512x360xf32>
    %get3A_25 = arith.constant 0 : index
    %get3A_26 = arith.constant 0 : index
    %get3A_27 = vector.load %arg6[%get3A_25, %get3A_26] : memref<360x1xf32, #tpu.memory_space<vmem>>, vector<360x1xf32>
    %dot_general3A_28 = arith.constant dense<0.000000e+00> : vector<512x1xf32>
    %dot_general3A_29 = tpu.matmul %max3A_24, %get3A_27, %dot_general3A_28 {dimension_numbers = #tpu.dot_dimension_numbers<[1], [0], [0], [1], [0, 0, 1, 1], [], []>, transpose_lhs_hint = false} : vector<512x360xf32>, vector<360x1xf32>, vector<512x1xf32> -> vector<512x1xf32>
    %mul3A_30 = arith.mulf %dot_general3A_29, %get3A_1 : vector<512x1xf32>
    %swap3A = arith.constant 0 : index
    %swap3A_31 = arith.constant 0 : index
    %swap3A_32 = vector.load %arg7[%swap3A, %swap3A_31] : memref<512x1xf32, #tpu.memory_space<vmem>>, vector<512x1xf32>
    tpu.vector_store %arg7[%swap3A, %swap3A_31], %mul3A_30 {strides = array<i32>} : memref<512x1xf32, #tpu.memory_space<vmem>>, vector<512x1xf32>,
    return
  }
  func.func @transform_0(%arg0: i32) -> (i32, i32, i32) {
    %c0_i32 = arith.constant 0 : i32
    %c0_i32_0 = arith.constant 0 : i32
    %c0_i32_1 = arith.constant 0 : i32
    return %c0_i32, %arg0, %c0_i32_0 : i32, i32, i32
  }
  func.func @transform_1(%arg0: i32) -> (i32, i32) {
    %c0_i32 = arith.constant 0 : i32
    %c0_i32_0 = arith.constant 0 : i32
    return %arg0, %c0_i32 : i32, i32
  }
  func.func @transform_2(%arg0: i32) -> (i32, i32) {
    %c0_i32 = arith.constant 0 : i32
    %c0_i32_0 = arith.constant 0 : i32
    return %arg0, %c0_i32 : i32, i32
  }
  func.func @transform_3(%arg0: i32) -> (i32, i32) {
    %c0_i32 = arith.constant 0 : i32
    %c0_i32_0 = arith.constant 0 : i32
    %c0_i32_1 = arith.constant 0 : i32
    return %c0_i32, %c0_i32_0 : i32, i32
  }
  func.func @transform_4(%arg0: i32) -> (i32, i32) {
    %c0_i32 = arith.constant 0 : i32
    %c0_i32_0 = arith.constant 0 : i32
    %c0_i32_1 = arith.constant 0 : i32
    return %c0_i32, %c0_i32_0 : i32, i32
  }
  func.func @transform_5(%arg0: i32) -> (i32, i32) {
    %c0_i32 = arith.constant 0 : i32
    %c0_i32_0 = arith.constant 0 : i32
    %c0_i32_1 = arith.constant 0 : i32
    return %c0_i32, %c0_i32_0 : i32, i32
  }
  func.func @transform_6(%arg0: i32) -> (i32, i32) {
    %c0_i32 = arith.constant 0 : i32
    %c0_i32_0 = arith.constant 0 : i32
    return %arg0, %c0_i32 : i32, i32
  }
}

</mosaic_0001>

<sc_bundles>
// kernel: kernel.10.cloned.1.call-start
scs
__scs_entry_jumppad:
0x0: {  	(pc) =	sbr.rel $0x88, $3  }
0x1: {  	(tag) =	ssettag $0x0;
	lr =	simm.s32 $0x1  }
0x2: {  	[smem:$0x3F9B] =	sst lr;
	_ =	strace $0xD0000000  }
0x3: {  	_ = 	snop  }
0x4: {  	_ = 	snop  }
0x5: {  	_ = 	snop  }
0x6: {  	_ = 	snop  }
0x7: {  	_ = 	snop  }
__scs_overlays_trampoline_lowered:
0x8: {  	[smem:$0x3FAA] =	sst s0  }
0x9: {  	[smem:$0x3FAB] =	sst s1  }
0xa: {  	[smem:$0x3FAC] =	sst s2  }
0xb: {  	[smem:$0x3FAD] =	sst s3  }
0xc: {  	[smem:$0x3FAE] =	sst s4  }
0xd: {  	[smem:$0x3FAF] =	sst s5  }
0xe: {  	[smem:$0x3FB0] =	sst s6  }
0xf: {  	[smem:$0x3FB1] =	sst s7  }
0x10: {  	[smem:$0x3FB2] =	sst s8  }
0x11: {  	[smem:$0x3FB3] =	sst s9;
	s0 =	simm.s32 @!p0 $0x0  }
0x12: {  	s1 =	sld [smem:$0x3F99];
	s0 =	simm.s32 @p0 $0x1  }
0x13: {  	[smem:$0x3FB4] =	sst s0;
	s0 =	simm.s32 @!p1 $0x0  }
0x14: {  	s2 =	sld [smem:$0x3F98];
	s0 =	simm.s32 @p1 $0x1  }
0x15: {  	[smem:$0x3FB5] =	sst s0;
	s0 =	simm.s32 @!p2 $0x0  }
0x16: {  	s3 =	sld [smem:$0x3FDB];
	s0 =	simm.s32 @p2 $0x1  }
0x17: {  	s4 =	simm.s32 $0x1BF5;
	[smem:$0x3FB7] =	sst s0  }
0x18: {  	s0 =	sld [smem:$0x3F9A];
	_ =	swait.ge [sflag:s4], $0x0  }
0x19: {  	s7 =	sld [smem:$0x3F9B]  }
0x1a: {  	s8 =	sadd.s32 $0xFFFFE003, lr  }
0x1b: {  	s9 =	sadd.s32 $0xFFFFFEF7, lr;
	s5 =	simm.s32 $0xFFFFFFFF;
	p2 =	slt.u32 s8, $0xFFFFF086  }
0x1c: {  	p1 =	slt.u32 s9, $0xF7A;
	s5 =	simm.s32 @!p2 $0x0  }
0x1d: {  	s5 =	simm.s32 @p1 $0x1;
	p0 =	seq.s32 s7, s2  }
0x1e: {  	s7 =	smul.u32 @!p0 $0xF7A, s2;
	p2 =	seq.s32 @!p0 s5, $0x0  }
0x1f: {  	s9 =	smul.u32 $0xF7A, s1;
	s8 =	simm.s32 @!p0 $0x1BF5;
	p2 =	por !p2, p0  }
0x20: {  	[sflag:s8] =	ssyncset.s32 @!p0 $0xFFFFF086;
	s6 =	sadd.s32 @!p0 s3, s7;
	s7 =	simm.s32 @!p0 $0x108  }
0x21: {  	s3 =	sadd.s32 s3, s9;
	s6 =	sadd.s32 @!p0 $0x88, s6;
	s7 =	simm.s32 @p2 $0x1082  }
0x22: {  	[simem:s7], [sflag:s8] =	dma.local @!p0 [hbm:s6], $0xF7A  }
0x23: {  	s9 =	sor.u32 $0xD0000000, s2;
	s6 =	simm.s32 $0x108;
	_ =	swait.ge @!p0 [sflag:s8], $0x0  }
0x24: {  	s3 =	sadd.s32 $0x88, s3;
	s6 =	simm.s32 @!p1 $0x1082;
	[sflag:s4] =	ssyncset.s32 $0xFFFFF086  }
0x25: {  	[simem:s6], [sflag:s4] =	dma.local [hbm:s3], $0xF7A  }
0x26: {  	[smem:$0x3F9B] =	sst s1;
	(tag) =	ssettag s2;
	_ =	strace s9  }
0x27: {  	s1 =	sld [smem:$0x3FAB]  }
0x28: {  	s2 =	sld [smem:$0x3FAC]  }
0x29: {  	s4 =	sld [smem:$0x3FAE]  }
0x2a: {  	p0 =	seq.s32 s5, $0x0;
	s5 =	sld [smem:$0x3FAF]  }
0x2b: {  	s6 =	sld [smem:$0x3FB0]  }
0x2c: {  	s7 =	sld [smem:$0x3FB1]  }
0x2d: {  	s3 =	simm.s32 $0x108;
	s8 =	sld [smem:$0x3FB2]  }
0x2e: {  	s3 =	simm.s32 @!p0 $0x1082;
	s9 =	sld [smem:$0x3FB3]  }
0x2f: {  	lr =	sadd.s32 s0, s3;
	s0 =	sld [smem:$0x3FAA]  }
0x30: {  	s3 =	sld [smem:$0x3FAD]  }
0x31: {  	[smem:$0x3FB6] =	sst s10  }
0x32: {  	s10 =	sld [smem:$0x3FB4];
	_ =	sdelay $0x3  }
0x33: {  	p0 =	seq.s32 s10, $0x1;
	s10 =	sld [smem:$0x3FB6];
	_ =	sdelay $0x3  }
0x34: {  	[smem:$0x3FB6] =	sst s10  }
0x35: {  	s10 =	sld [smem:$0x3FB5];
	_ =	sdelay $0x3  }
0x36: {  	p1 =	seq.s32 s10, $0x1;
	s10 =	sld [smem:$0x3FB6];
	_ =	sdelay $0x3  }
0x37: {  	[smem:$0x3FB6] =	sst s10  }
0x38: {  	s10 =	sld [smem:$0x3FB7]  }
0x39: {  	_ = 	snop;
	(pc) =	sbr.ind lr, $3  }
0x3a: {  	_ = 	snop  }
0x3b: {  	_ = 	snop  }
0x3c: {  	p2 =	seq.s32 s10, $0x1;
	s10 =	sld [smem:$0x3FB6]  }
0x3d: {  	_ =	shalt  }
0x3e: {  	_ =	shalt  }
0x3f: {  	_ =	shalt  }
0x40: {  	_ =	shalt  }
0x41: {  	_ =	shalt  }
0x42: {  	_ =	shalt  }
0x43: {  	_ =	shalt  }
0x44: {  	_ =	shalt  }
0x45: {  	_ =	shalt  }
0x46: {  	_ =	shalt  }
0x47: {  	_ =	shalt  }
0x48: {  	_ =	shalt  }
0x49: {  	_ =	shalt  }
0x4a: {  	_ =	shalt  }
0x4b: {  	_ =	shalt  }
0x4c: {  	_ =	shalt  }
0x4d: {  	_ =	shalt  }
0x4e: {  	_ =	shalt  }
0x4f: {  	_ =	shalt  }
0x50: {  	_ =	shalt  }
0x51: {  	_ =	shalt  }
0x52: {  	_ =	shalt  }
0x53: {  	_ =	shalt  }
0x54: {  	_ =	shalt  }
0x55: {  	_ =	shalt  }
0x56: {  	_ =	shalt  }
0x57: {  	_ =	shalt  }
0x58: {  	_ =	shalt  }
0x59: {  	_ =	shalt  }
0x5a: {  	_ =	shalt  }
0x5b: {  	_ =	shalt  }
0x5c: {  	_ =	shalt  }
0x5d: {  	_ =	shalt  }
0x5e: {  	_ =	shalt  }
0x5f: {  	_ =	shalt  }
0x60: {  	_ =	shalt  }
0x61: {  	_ =	shalt  }
0x62: {  	_ =	shalt  }
0x63: {  	_ =	shalt  }
0x64: {  	_ =	shalt  }
0x65: {  	_ =	shalt  }
0x66: {  	_ =	shalt  }
0x67: {  	_ =	shalt  }
0x68: {  	_ =	shalt  }
0x69: {  	_ =	shalt  }
0x6a: {  	_ =	shalt  }
0x6b: {  	_ =	shalt  }
0x6c: {  	_ =	shalt  }
0x6d: {  	_ =	shalt  }
0x6e: {  	_ =	shalt  }
0x6f: {  	_ =	shalt  }
0x70: {  	_ =	shalt  }
0x71: {  	_ =	shalt  }
0x72: {  	_ =	shalt  }
0x73: {  	_ =	shalt  }
0x74: {  	_ =	shalt  }
0x75: {  	_ =	shalt  }
0x76: {  	_ =	shalt  }
0x77: {  	_ =	shalt  }
0x78: {  	_ =	shalt  }
0x79: {  	_ =	shalt  }
0x7a: {  	_ =	shalt  }
0x7b: {  	_ =	shalt  }
0x7c: {  	_ =	shalt  }
0x7d: {  	_ =	shalt  }
0x7e: {  	_ =	shalt  }
0x7f: {  	_ =	shalt  }
0x80: {  	_ =	shalt  }
0x81: {  	_ =	shalt  }
0x82: {  	_ =	shalt  }
0x83: {  	_ =	shalt  }
0x84: {  	_ =	shalt  }
0x85: {  	_ =	shalt  }
0x86: {  	_ =	shalt  }
0x87: {  	_ =	shalt  }
.Lfunc_end0:
.L_simem_size_0:
called_computation.1_lowered:
.L_overlay_start_0:
0x88: {  	s2 =	sld [smem:$0x3FD9]  }
0x89: {  	s3 =	sld [smem:$0x3FFE];
	_ =	sdelay $0x1  }
0x8a: {  	s1 =	srdreg.scid  }
0x8b: {  	s0 =	sand.u32 $0x1, s1  }
0x8c: {  	s16 =	sshll.u32 s0, $0xA;
	s2 =	sadd.s32 s3, s2  }
0x8d: {  	s2 =	sadd.s32 s2, s16  }
0x8e: {  	[smem:$0x3FC2] =	sst s2  }
0x8f: {  	_ = 	snop  }
0x90: {  	(tm) =	ssettm $0x1  }
0x91: {  	s17 =	sld [smem:$0x3FFB];
	_ =	sdelay $0x3  }
0x92: {  	_ =	strace s17  }
0x93: {  	s2 =	sld [smem:$0x3FFC];
	_ =	sdelay $0x3  }
0x94: {  	_ =	strace s2  }
0x95: {  	s2 =	sld [smem:$0x3FFD];
	_ =	sdelay $0x3  }
0x96: {  	_ =	strace s2  }
0x97: {  	_ =	strace $0x8FFFFFFF  }
0x98: {  	s18 =	sld [smem:$0x3FDB];
	_ =	sdelay $0x1  }
0x99: {  	s19 =	simm.s32 $_scs_section_size  }
0x9a: {  	s4 =	simm.s32 $_size__tile_overlayer_lowered;
	s5 =	simm.s32 $_tile_overlayer_lowered  }
0x9b: {  	s22 =	simm.s32 $0x1BFF;
	s21 =	sshll.u32 s5, $0x1;
	s2 =	sadd.s32 s19, s18  }
0x9c: {  	s6 =	simm.s32 $0x0;
	s20 =	sshll.u32 s4, $0x1;
	s4 =	sadd.s32 s21, s2  }
0x9d: {  	[timem:s6], [sflag:s22] =	dma.local [hbm:s4], s20  }
0x9e: {  	_ =	swait.ge [sflag:s22], s20  }
0x9f: {  	s3 =	ssub.s32 $0x0, s20;
	[sflag:s22] =	ssyncset.done $0x0  }
0xa0: {  	[sflag:s22] =	ssyncadd.s32 s3;
	_ =	sdelay $0x1  }
0xa1: {  	s23 =	simm.s32 $0x1B8B  }
0xa2: {  	_ =	swait.ge [sflag:s23], $0x1  }
0xa3: {  	[sflag:s23] =	ssyncset.done $0x0  }
0xa4: {  	s25 =	simm.s32 $0x1B8E;
	s24 =	sld [smem:$0x3FFE];
	[sflag:s23] =	ssyncadd.s32 $0xFFFFFFFF  }
0xa5: {  	s26 =	simm.s32 $execute0_lowered;
	[smem:$0x3FD2] =	sst s25  }
0xa6: {  	s4 =	sshll.u32 s26, $0x1;
	_ =	strace $0x80000049;
	[dreg:$0x1] =	wrdreg $0xFFFFFFFF  }
0xa7: {  	s28 =	simm.s32 $_size_execute0_lowered;
	s2 =	sadd.s32 s2, s4;
	[dreg:$0x0] =	wrdreg $0x0  }
0xa8: {  	s4 =	sshll.u32 s28, $0x1;
	[dreg:$0x2] =	wrdreg s2  }
0xa9: {  	[dreg:$0x3] =	wrdreg s4  }
0xaa: {  	[dreg:$0x4] =	wrdreg $0xC0  }
0xab: {  	_ =	task [dreg:s6], $0x5FFFF  }
0xac: {  	[dreg:$0x1] =	wrdreg $0xFFFFFFFF  }
0xad: {  	[dreg:$0x0] =	wrdreg $0x60  }
0xae: {  	[dreg:$0x2] =	wrdreg s24  }
0xaf: {  	[dreg:$0x3] =	wrdreg $0x9  }
0xb0: {  	_ =	task.clear_ibuf [dreg:s6], $0x4FFFF;
	_ =	strace $0x90000049  }
0xb1: {  	s29 =	simm.s32 $0x9;
	_ =	strace $0x8000004B  }
0xb2: {  	_ =	swait.ge [sflag:s29], $0x1  }
0xb3: {  	[sflag:s29] =	ssyncadd.s32 $0xFFFFFFFF  }
0xb4: {  	_ =	strace $0x9000004B  }
0xb5: {  	_ =	sfence  }
0xb6: {  	s30 =	sld [smem:$0x0];
	_ =	sdelay $0x2  }
0xb7: {  	s31 =	sshll.u32 s1, $0xD;
	s1 =	sshrl.u32 s1, $0x2  }
0xb8: {  	s3 =	sand.u32 $0x4000, s31;
	s1 =	sadd.s32 s1, s30  }
0xb9: {  	s0 =	sor.u32 s3, s0;
	s1 =	sshll.u32 s1, $0x11  }
0xba: {  	s0 =	sor.u32 s1, s0  }
0xbb: {  	s0 =	sadd.s32 $0x8F2B, s0  }
0xbc: {  	[sflag:s0] =	ssyncadd.remote.s32 $0x1  }
0xbd: {  	_ =	sfence.sel $0xFFFF  }
0xbe: {  	[dreg:$0x0] =	wrdreg $0xFFFFFFFF;
	(pc) =	sbr.abs _section_cstart, $3  }
0xbf: {  	[dreg:$0x1] =	wrdreg $0xFFFFFFFF  }
0xc0: {  	_ =	task.clear_ibuf [dreg:s6], $0x2FFFF;
	_ =	strace $0x9FFFFFFF  }
0xc1: {  	(tm) =	ssettm $0x7FFFFFFF  }
tec
execute0_lowered:
.L_overlay_start_1:
0x0: {  	(tag) =	ssettag $0x1  }
0x1: {  	s0 =	srdreg.scid  }
0x2: {  	s4 =	sand.u32 $0x1, s0  }
0x3: {  	s5 =	rddreg [dreg:$0x0];
	s1 =	stileid.u32;
	s3 =	sshll.u32 s4, $0x4  }
0x4: {  	s2 =	simm.s32 $0x0;
	s10 =	simm.s32 $0x3000;
	s6 =	sor.u32 s1, s3  }
0x5: {  	s11 =	simm.s32 $0x0;
	s0 =	rddreg [dreg:$0x1];
	s3 =	smul.u32 $0x140, s6  }
0x6: {  	[smem:$0x7FF] =	sst s2;
	s8 =	ssub.s32 $0x2, s4;
	s6 =	smul.u32 $0x1E00, s6  }
0x7: {  	_ =	strace $0x8000004A;
	s4 =	sadd.s32 $0x66C00, s5;
	s9 =	sshrl.u32 s8, $0x1  }
0x8: {  	s8 =	ssub.s32 s8, s9;
	s7 =	sshrl.u32 s3, $0x3;
	s6 =	sadd.s32 s6, s5  }
0x9: {  	s9 =	simm.s32 $0x1;
	s7 =	sadd.s32 s7, s5;
	s6 =	sadd.s32 $0xA2C00, s6  }
0xa: {  	s5 =	sadd.s32 $0x16600, s7;
	s7 =	smax.u32 s8, $0x1;
	s8 =	simm.s32 $0x6000  }
.LBB2_1:
0xb: {  	[tilespmem:s8], [sflag:$0x1] =	stream.linear.gather [hbm4b:s5+s2], $0x140, $0x38;
	[tilespmem:$0x6140] =	vst v63  }
0xc: {  	_ =	swait.ge [sflag:s9], $0x140  }
0xd: {  	[sflag:s9] =	ssyncset.done $0x0  }
0xe: {  	s12 =	simm.s32 $0x0;
	s13 =	simm.s32 $0x0;
	[sflag:s9] =	ssyncadd.s32 $0xFFFFFEC0  }
.LBB2_2:
0xf: {  	s14 =	sshll.u32 s13, $0x6  }
0x10: {  	s14 =	sadd.s32 s3, s14  }
0x11: {  	s14 =	smul.u32 $0x18, s14;
	_ =	sdelay $0x1  }
0x12: {  	s15 =	simm.s32 $0x0;
	s14 =	sadd.s32 s4, s14  }
0x13: {  	[tilespmem:s15], [sflag:$0x1] =	stream.linear.gather [hbm4b:s14+s15], $0x3000, $0x38;
	[tilespmem:$0x6140] =	vst v63  }
0x14: {  	_ =	swait.ge [sflag:s9], $0x3000  }
0x15: {  	v1 =	vmov s12;
	[sflag:s9] =	ssyncset.done $0x0  }
0x16: {  	s14 =	simm.s32 $0x0;
	[sflag:s9] =	ssyncadd.s32 $0xFFFFD000  }
0x17: {  	v0 =	vld [tilespmem:s14+$0x0]  }
0x18: {  	v2 =	vld [tilespmem:s14+$0x60]  }
0x19: {  	v3 =	vld [tilespmem:s14+$0x10]  }
0x1a: {  	v7 =	vld.idx.msk [tilespmem:v1+s8+$0x0], $0xffff  }
0x1b: {  	v4 =	vld [tilespmem:s14+$0x70]  }
0x1c: {  	v5 =	vld [tilespmem:s14+$0x20]  }
0x1d: {  	v6 =	vld [tilespmem:s14+$0x80]  }
0x1e: {  	v1 =	vld [tilespmem:s14+$0x30]  }
0x1f: {  	v8 =	vld [tilespmem:s14+$0x90];
	v0 =	vmul.f32 v0, v7  }
0x20: {  	v9 =	vld [tilespmem:s14+$0x40];
	v2 =	vmul.f32 v2, v7  }
0x21: {  	v10 =	vld [tilespmem:s14+$0xA0];
	v3 =	vmul.f32 v3, v7;
	[tilespmem:s14+$0x3000] =	vst v0  }
0x22: {  	v11 =	vld [tilespmem:s14+$0x50];
	v0 =	vmul.f32 v4, v7;
	[tilespmem:s14+$0x3060] =	vst v2  }
0x23: {  	v12 =	vld [tilespmem:s14+$0xB0];
	v2 =	vmul.f32 v5, v7;
	[tilespmem:s14+$0x3010] =	vst v3  }
0x24: {  	v3 =	vmul.f32 v6, v7;
	[tilespmem:s14+$0x3070] =	vst v0  }
0x25: {  	v1 =	vmul.f32 v1, v7;
	[tilespmem:s14+$0x3020] =	vst v2  }
0x26: {  	s15 =	simm.s32 $0xC0;
	v8 =	vmul.f32 v8, v7;
	[tilespmem:s14+$0x3080] =	vst v3  }
0x27: {  	s16 =	sadd.s32 $0x1, s12;
	v5 =	vmul.f32 v9, v7;
	v4 =	vmul.f32 v11, v7;
	v0 =	vld [tilespmem:s15+$0x0];
	[tilespmem:s14+$0x3030] =	vst v1  }
0x28: {  	s17 =	simm.s32 $0x600;
	v6 =	vmov s16;
	v3 =	vmul.f32 v10, v7;
	v2 =	vmul.f32 v12, v7;
	v1 =	vld [tilespmem:s15+$0x60];
	[tilespmem:s14+$0x3090] =	vst v8  }
.LBB2_3:
0x29: {  	p0 =	sne.s32 s17, $0xBD00;
	v7 =	vld [tilespmem:s15+$0x10];
	[tilespmem:s14+$0x3040] =	vst v5  }
0x2a: {  	v5 =	vld [tilespmem:s15+$0x70];
	[tilespmem:s14+$0x30A0] =	vst v3  }
0x2b: {  	v3 =	vld [tilespmem:s15+$0x20];
	[tilespmem:s14+$0x3050] =	vst v4  }
0x2c: {  	v4 =	vld [tilespmem:s15+$0x80];
	[tilespmem:s14+$0x30B0] =	vst v2;
	s14 =	smov.u32 s15  }
0x2d: {  	v2 =	vld.idx.msk [tilespmem:v6+s8+$0x0], $0xffff  }
0x2e: {  	v6 =	vld [tilespmem:s14+$0x30]  }
0x2f: {  	v8 =	vld [tilespmem:s14+$0x90]  }
0x30: {  	v9 =	vld [tilespmem:s14+$0x40]  }
0x31: {  	v10 =	vld [tilespmem:s14+$0xA0]  }
0x32: {  	v11 =	vld [tilespmem:s14+$0x50]  }
0x33: {  	v0 =	vmul.f32 v0, v2;
	v1 =	vmul.f32 v1, v2;
	v12 =	vld [tilespmem:s14+$0xB0]  }
0x34: {  	v7 =	vmul.f32 v7, v2;
	v13 =	vmul.f32 v5, v2  }
0x35: {  	v14 =	vmul.f32 v4, v2;
	[tilespmem:s14+$0x3000] =	vst v0;
	v0 =	vmul.f32 v3, v2  }
0x36: {  	v8 =	vmul.f32 v8, v2;
	[tilespmem:s14+$0x3060] =	vst v1;
	v1 =	vmul.f32 v6, v2  }
0x37: {  	v5 =	vmul.f32 v9, v2;
	v3 =	vmul.f32 v10, v2;
	[tilespmem:s14+$0x3010] =	vst v7  }
.Ltmp0:
0x38: {  	v4 =	vmul.f32 v11, v2;
	[tilespmem:s14+$0x3070] =	vst v13;
	v2 =	vmul.f32 v12, v2;
	(pc) =	sbr.rel @p0 .LBB2_3-.Ltmp0, $4  }
0x39: {  	[tilespmem:s14+$0x3020] =	vst v0  }
0x3a: {  	s15 =	sshra.s32 s17, $0x2;
	[tilespmem:s14+$0x3080] =	vst v14  }
0x3b: {  	s16 =	sadd.s32 $0x1, s16;
	v0 =	vld [tilespmem:s15+$0x0];
	[tilespmem:s14+$0x3030] =	vst v1  }
0x3c: {  	s17 =	sadd.s32 $0x300, s17;
	v6 =	vmov s16;
	v1 =	vld [tilespmem:s15+$0x60];
	[tilespmem:s14+$0x3090] =	vst v8  }
0x3d: {  	v7 =	vld [tilespmem:s15+$0x10];
	[tilespmem:s14+$0x3040] =	vst v5  }
0x3e: {  	v5 =	vld [tilespmem:s15+$0x70];
	[tilespmem:s14+$0x30A0] =	vst v3  }
0x3f: {  	v3 =	vld [tilespmem:s15+$0x20];
	[tilespmem:s14+$0x3050] =	vst v4  }
0x40: {  	v4 =	vld [tilespmem:s15+$0x80];
	[tilespmem:s14+$0x30B0] =	vst v2  }
0x41: {  	v2 =	vld.idx.msk [tilespmem:v6+s8+$0x0], $0xffff;
	_ =	sdelay $0x4  }
0x42: {  	v0 =	vmul.f32 v0, v2  }
0x43: {  	v55 =	vld [tilespmem:s15+$0x30];
	v1 =	vmul.f32 v1, v2  }
0x44: {  	v8 =	vld [tilespmem:s15+$0x90];
	v7 =	vmul.f32 v7, v2;
	[tilespmem:s15+$0x3000] =	vst v0  }
0x45: {  	v9 =	vld [tilespmem:s15+$0x40];
	v56 =	vmul.f32 v5, v2;
	[tilespmem:s15+$0x3060] =	vst v1  }
0x46: {  	v10 =	vld [tilespmem:s15+$0xA0];
	v57 =	vmul.f32 v3, v2;
	[tilespmem:s15+$0x3010] =	vst v7  }
0x47: {  	v11 =	vld [tilespmem:s15+$0x50];
	v58 =	vmul.f32 v4, v2;
	[tilespmem:s15+$0x3070] =	vst v56  }
0x48: {  	v12 =	vld [tilespmem:s15+$0xB0];
	v59 =	vmul.f32 v55, v2;
	[tilespmem:s15+$0x3020] =	vst v57  }
0x49: {  	v60 =	vmul.f32 v8, v2;
	[tilespmem:s15+$0x3080] =	vst v58  }
0x4a: {  	v61 =	vmul.f32 v9, v2;
	[tilespmem:s15+$0x3030] =	vst v59  }
0x4b: {  	v62 =	vmul.f32 v10, v2;
	[tilespmem:s15+$0x3090] =	vst v60  }
0x4c: {  	v63 =	vmul.f32 v11, v2;
	[tilespmem:s15+$0x3040] =	vst v61  }
0x4d: {  	s31 =	smul.u32 $0x600, s13;
	s13 =	sadd.s32 $0x1, s13;
	v2 =	vmul.f32 v12, v2;
	[tilespmem:s15+$0x30A0] =	vst v62  }
0x4e: {  	p0 =	sne.s32 s13, $0x5;
	[tilespmem:s15+$0x3050] =	vst v63  }
.Ltmp1:
0x4f: {  	s14 =	sadd.s32 s6, s31;
	[tilespmem:s15+$0x30B0] =	vst v2;
	(pc) =	sbr.rel @p0 .LBB2_2-.Ltmp1, $4  }
0x50: {  	[hbm4b:s14+s2] =	stream.linear.scatter [tilespmem:s10], [sflag:$0x1], $0x3000, $0x38;
	[tilespmem:$0x6140] =	vst v63  }
0x51: {  	_ =	swait.ge [sflag:s9], $0x3000  }
0x52: {  	[sflag:s9] =	ssyncset.done $0x0  }
0x53: {  	s12 =	sadd.s32 $0x40, s12;
	[sflag:s9] =	ssyncadd.s32 $0xFFFFD000  }
0x54: {  	s11 =	sadd.s32 $0x1, s11  }
0x55: {  	p0 =	sne.s32 s11, s7  }
.Ltmp2:
0x56: {  	_ = 	snop;
	(pc) =	sbr.rel @p0 .LBB2_1-.Ltmp2, $1  }
0x57: {  	_ =	sdelay $0x3  }
0x58: {  	_ =	sfence.sel $0x180000  }
0x59: {  	[bflag:$0x0] =	sbarrier.arrive $0xFFFF  }
0x5a: {  	p0 =	sne.s32 s1, $0x0;
	_ =	strace $0x9000004A  }
0x5b: {  	s0 =	sadd.s32 @!p0 $0x100000, s0;
	[bflag:$0x2] =	sbarrier.arrive $0xFFFF  }
0x5c: {  	[sflag:s0] =	ssyncadd.tile.s32 @!p0 $0x1;
	_ =	shalt  }
.Lfunc_end2:
_tile_overlayer_lowered:
.L_overlay_start_2:
0x5d: {  	(tag) =	ssettag $0x2  }
0x5e: {  	s0 =	rddreg [dreg:$0x0];
	s2 =	stileid.u32  }
0x5f: {  	s1 =	rddreg [dreg:$0x1];
	p0 =	sne.s32 s2, $0x0  }
0x60: {  	s3 =	rddreg [dreg:$0x2];
	[bflag:$0x3] =	sbarrier.arrive $0xFFFF;
	s2 =	simm.s32 @!p0 $0x1C01  }
0x61: {  	[timem:s3], [sflag:s2] =	dma.local @!p0 [hbm:s0], s1  }
0x62: {  	s0 =	simm.s32 @!p0 $0x1  }
0x63: {  	_ =	swait.ge @!p0 [sflag:s0], s1  }
0x64: {  	s1 =	ssub.s32 @!p0 $0x0, s1;
	[sflag:s0] =	ssyncset.done @!p0 $0x0  }
0x65: {  	[sflag:s0] =	ssyncadd.s32 @!p0 s1  }
0x66: {  	[bflag:$0x3] =	sbarrier.arrive $0xFFFF  }
0x67: {  	_ =	shalt  }

// kernel: kernel.13.cloned.1.call-start
scs
__scs_entry_jumppad:
0x0: {  	(pc) =	sbr.rel $0x88, $3  }
0x1: {  	(tag) =	ssettag $0x0;
	lr =	simm.s32 $0x1  }
0x2: {  	[smem:$0x3F9B] =	sst lr;
	_ =	strace $0xD0000000  }
0x3: {  	_ = 	snop  }
0x4: {  	_ = 	snop  }
0x5: {  	_ = 	snop  }
0x6: {  	_ = 	snop  }
0x7: {  	_ = 	snop  }
__scs_overlays_trampoline_lowered:
0x8: {  	[smem:$0x3FAA] =	sst s0  }
0x9: {  	[smem:$0x3FAB] =	sst s1  }
0xa: {  	[smem:$0x3FAC] =	sst s2  }
0xb: {  	[smem:$0x3FAD] =	sst s3  }
0xc: {  	[smem:$0x3FAE] =	sst s4  }
0xd: {  	[smem:$0x3FAF] =	sst s5  }
0xe: {  	[smem:$0x3FB0] =	sst s6  }
0xf: {  	[smem:$0x3FB1] =	sst s7  }
0x10: {  	[smem:$0x3FB2] =	sst s8  }
0x11: {  	[smem:$0x3FB3] =	sst s9;
	s0 =	simm.s32 @!p0 $0x0  }
0x12: {  	s1 =	sld [smem:$0x3F99];
	s0 =	simm.s32 @p0 $0x1  }
0x13: {  	[smem:$0x3FB4] =	sst s0;
	s0 =	simm.s32 @!p1 $0x0  }
0x14: {  	s2 =	sld [smem:$0x3F98];
	s0 =	simm.s32 @p1 $0x1  }
0x15: {  	[smem:$0x3FB5] =	sst s0;
	s0 =	simm.s32 @!p2 $0x0  }
0x16: {  	s3 =	sld [smem:$0x3FDB];
	s0 =	simm.s32 @p2 $0x1  }
0x17: {  	s4 =	simm.s32 $0x1BF5;
	[smem:$0x3FB7] =	sst s0  }
0x18: {  	s0 =	sld [smem:$0x3F9A];
	_ =	swait.ge [sflag:s4], $0x0  }
0x19: {  	s7 =	sld [smem:$0x3F9B]  }
0x1a: {  	s8 =	sadd.s32 $0xFFFFE003, lr  }
0x1b: {  	s9 =	sadd.s32 $0xFFFFFEF7, lr;
	s5 =	simm.s32 $0xFFFFFFFF;
	p2 =	slt.u32 s8, $0xFFFFF086  }
0x1c: {  	p1 =	slt.u32 s9, $0xF7A;
	s5 =	simm.s32 @!p2 $0x0  }
0x1d: {  	s5 =	simm.s32 @p1 $0x1;
	p0 =	seq.s32 s7, s2  }
0x1e: {  	s7 =	smul.u32 @!p0 $0xF7A, s2;
	p2 =	seq.s32 @!p0 s5, $0x0  }
0x1f: {  	s9 =	smul.u32 $0xF7A, s1;
	s8 =	simm.s32 @!p0 $0x1BF5;
	p2 =	por !p2, p0  }
0x20: {  	[sflag:s8] =	ssyncset.s32 @!p0 $0xFFFFF086;
	s6 =	sadd.s32 @!p0 s3, s7;
	s7 =	simm.s32 @!p0 $0x108  }
0x21: {  	s3 =	sadd.s32 s3, s9;
	s6 =	sadd.s32 @!p0 $0x88, s6;
	s7 =	simm.s32 @p2 $0x1082  }
0x22: {  	[simem:s7], [sflag:s8] =	dma.local @!p0 [hbm:s6], $0xF7A  }
0x23: {  	s9 =	sor.u32 $0xD0000000, s2;
	s6 =	simm.s32 $0x108;
	_ =	swait.ge @!p0 [sflag:s8], $0x0  }
0x24: {  	s3 =	sadd.s32 $0x88, s3;
	s6 =	simm.s32 @!p1 $0x1082;
	[sflag:s4] =	ssyncset.s32 $0xFFFFF086  }
0x25: {  	[simem:s6], [sflag:s4] =	dma.local [hbm:s3], $0xF7A  }
0x26: {  	[smem:$0x3F9B] =	sst s1;
	(tag) =	ssettag s2;
	_ =	strace s9  }
0x27: {  	s1 =	sld [smem:$0x3FAB]  }
0x28: {  	s2 =	sld [smem:$0x3FAC]  }
0x29: {  	s4 =	sld [smem:$0x3FAE]  }
0x2a: {  	p0 =	seq.s32 s5, $0x0;
	s5 =	sld [smem:$0x3FAF]  }
0x2b: {  	s6 =	sld [smem:$0x3FB0]  }
0x2c: {  	s7 =	sld [smem:$0x3FB1]  }
0x2d: {  	s3 =	simm.s32 $0x108;
	s8 =	sld [smem:$0x3FB2]  }
0x2e: {  	s3 =	simm.s32 @!p0 $0x1082;
	s9 =	sld [smem:$0x3FB3]  }
0x2f: {  	lr =	sadd.s32 s0, s3;
	s0 =	sld [smem:$0x3FAA]  }
0x30: {  	s3 =	sld [smem:$0x3FAD]  }
0x31: {  	[smem:$0x3FB6] =	sst s10  }
0x32: {  	s10 =	sld [smem:$0x3FB4];
	_ =	sdelay $0x3  }
0x33: {  	p0 =	seq.s32 s10, $0x1;
	s10 =	sld [smem:$0x3FB6];
	_ =	sdelay $0x3  }
0x34: {  	[smem:$0x3FB6] =	sst s10  }
0x35: {  	s10 =	sld [smem:$0x3FB5];
	_ =	sdelay $0x3  }
0x36: {  	p1 =	seq.s32 s10, $0x1;
	s10 =	sld [smem:$0x3FB6];
	_ =	sdelay $0x3  }
0x37: {  	[smem:$0x3FB6] =	sst s10  }
0x38: {  	s10 =	sld [smem:$0x3FB7]  }
0x39: {  	_ = 	snop;
	(pc) =	sbr.ind lr, $3  }
0x3a: {  	_ = 	snop  }
0x3b: {  	_ = 	snop  }
0x3c: {  	p2 =	seq.s32 s10, $0x1;
	s10 =	sld [smem:$0x3FB6]  }
0x3d: {  	_ =	shalt  }
0x3e: {  	_ =	shalt  }
0x3f: {  	_ =	shalt  }
0x40: {  	_ =	shalt  }
0x41: {  	_ =	shalt  }
0x42: {  	_ =	shalt  }
0x43: {  	_ =	shalt  }
0x44: {  	_ =	shalt  }
0x45: {  	_ =	shalt  }
0x46: {  	_ =	shalt  }
0x47: {  	_ =	shalt  }
0x48: {  	_ =	shalt  }
0x49: {  	_ =	shalt  }
0x4a: {  	_ =	shalt  }
0x4b: {  	_ =	shalt  }
0x4c: {  	_ =	shalt  }
0x4d: {  	_ =	shalt  }
0x4e: {  	_ =	shalt  }
0x4f: {  	_ =	shalt  }
0x50: {  	_ =	shalt  }
0x51: {  	_ =	shalt  }
0x52: {  	_ =	shalt  }
0x53: {  	_ =	shalt  }
0x54: {  	_ =	shalt  }
0x55: {  	_ =	shalt  }
0x56: {  	_ =	shalt  }
0x57: {  	_ =	shalt  }
0x58: {  	_ =	shalt  }
0x59: {  	_ =	shalt  }
0x5a: {  	_ =	shalt  }
0x5b: {  	_ =	shalt  }
0x5c: {  	_ =	shalt  }
0x5d: {  	_ =	shalt  }
0x5e: {  	_ =	shalt  }
0x5f: {  	_ =	shalt  }
0x60: {  	_ =	shalt  }
0x61: {  	_ =	shalt  }
0x62: {  	_ =	shalt  }
0x63: {  	_ =	shalt  }
0x64: {  	_ =	shalt  }
0x65: {  	_ =	shalt  }
0x66: {  	_ =	shalt  }
0x67: {  	_ =	shalt  }
0x68: {  	_ =	shalt  }
0x69: {  	_ =	shalt  }
0x6a: {  	_ =	shalt  }
0x6b: {  	_ =	shalt  }
0x6c: {  	_ =	shalt  }
0x6d: {  	_ =	shalt  }
0x6e: {  	_ =	shalt  }
0x6f: {  	_ =	shalt  }
0x70: {  	_ =	shalt  }
0x71: {  	_ =	shalt  }
0x72: {  	_ =	shalt  }
0x73: {  	_ =	shalt  }
0x74: {  	_ =	shalt  }
0x75: {  	_ =	shalt  }
0x76: {  	_ =	shalt  }
0x77: {  	_ =	shalt  }
0x78: {  	_ =	shalt  }
0x79: {  	_ =	shalt  }
0x7a: {  	_ =	shalt  }
0x7b: {  	_ =	shalt  }
0x7c: {  	_ =	shalt  }
0x7d: {  	_ =	shalt  }
0x7e: {  	_ =	shalt  }
0x7f: {  	_ =	shalt  }
0x80: {  	_ =	shalt  }
0x81: {  	_ =	shalt  }
0x82: {  	_ =	shalt  }
0x83: {  	_ =	shalt  }
0x84: {  	_ =	shalt  }
0x85: {  	_ =	shalt  }
0x86: {  	_ =	shalt  }
0x87: {  	_ =	shalt  }
.Lfunc_end0:
.L_simem_size_0:
called_computation.2_lowered:
.L_overlay_start_0:
0x88: {  	s2 =	sld [smem:$0x3FD9]  }
0x89: {  	s3 =	sld [smem:$0x3FFE];
	_ =	sdelay $0x1  }
0x8a: {  	s1 =	srdreg.scid  }
0x8b: {  	s0 =	sand.u32 $0x1, s1  }
0x8c: {  	s16 =	sshll.u32 s0, $0xA;
	s2 =	sadd.s32 s3, s2  }
0x8d: {  	s2 =	sadd.s32 s2, s16  }
0x8e: {  	[smem:$0x3FC2] =	sst s2  }
0x8f: {  	_ = 	snop  }
0x90: {  	(tm) =	ssettm $0x1  }
0x91: {  	s17 =	sld [smem:$0x3FFB];
	_ =	sdelay $0x3  }
0x92: {  	_ =	strace s17  }
0x93: {  	s2 =	sld [smem:$0x3FFC];
	_ =	sdelay $0x3  }
0x94: {  	_ =	strace s2  }
0x95: {  	s2 =	sld [smem:$0x3FFD];
	_ =	sdelay $0x3  }
0x96: {  	_ =	strace s2  }
0x97: {  	_ =	strace $0x8FFFFFFF  }
0x98: {  	s18 =	sld [smem:$0x3FDB];
	_ =	sdelay $0x1  }
0x99: {  	s19 =	simm.s32 $_scs_section_size  }
0x9a: {  	s4 =	simm.s32 $_size__tile_overlayer_lowered;
	s5 =	simm.s32 $_tile_overlayer_lowered  }
0x9b: {  	s22 =	simm.s32 $0x1BFF;
	s21 =	sshll.u32 s5, $0x1;
	s2 =	sadd.s32 s19, s18  }
0x9c: {  	s6 =	simm.s32 $0x0;
	s20 =	sshll.u32 s4, $0x1;
	s4 =	sadd.s32 s21, s2  }
0x9d: {  	[timem:s6], [sflag:s22] =	dma.local [hbm:s4], s20  }
0x9e: {  	_ =	swait.ge [sflag:s22], s20  }
0x9f: {  	s3 =	ssub.s32 $0x0, s20;
	[sflag:s22] =	ssyncset.done $0x0  }
0xa0: {  	[sflag:s22] =	ssyncadd.s32 s3;
	_ =	sdelay $0x1  }
0xa1: {  	s23 =	simm.s32 $0x1B8B  }
0xa2: {  	_ =	swait.ge [sflag:s23], $0x1  }
0xa3: {  	[sflag:s23] =	ssyncset.done $0x0  }
0xa4: {  	s25 =	simm.s32 $0x1B8E;
	s24 =	sld [smem:$0x3FFE];
	[sflag:s23] =	ssyncadd.s32 $0xFFFFFFFF  }
0xa5: {  	s26 =	simm.s32 $execute0_lowered;
	[smem:$0x3FD2] =	sst s25  }
0xa6: {  	s4 =	sshll.u32 s26, $0x1;
	_ =	strace $0x8000004C;
	[dreg:$0x1] =	wrdreg $0xFFFFFFFF  }
0xa7: {  	s28 =	simm.s32 $_size_execute0_lowered;
	s2 =	sadd.s32 s2, s4;
	[dreg:$0x0] =	wrdreg $0x0  }
0xa8: {  	s4 =	sshll.u32 s28, $0x1;
	[dreg:$0x2] =	wrdreg s2  }
0xa9: {  	[dreg:$0x3] =	wrdreg s4  }
0xaa: {  	[dreg:$0x4] =	wrdreg $0xC0  }
0xab: {  	_ =	task [dreg:s6], $0x5FFFF  }
0xac: {  	[dreg:$0x1] =	wrdreg $0xFFFFFFFF  }
0xad: {  	[dreg:$0x0] =	wrdreg $0x60  }
0xae: {  	[dreg:$0x2] =	wrdreg s24  }
0xaf: {  	[dreg:$0x3] =	wrdreg $0x108000  }
0xb0: {  	[dreg:$0x4] =	wrdreg $0x9  }
0xb1: {  	_ =	task.clear_ibuf [dreg:s6], $0x5FFFF;
	_ =	strace $0x9000004C  }
0xb2: {  	s29 =	simm.s32 $0x9;
	_ =	strace $0x8000004E  }
0xb3: {  	_ =	swait.ge [sflag:s29], $0x1  }
0xb4: {  	[sflag:s29] =	ssyncadd.s32 $0xFFFFFFFF  }
0xb5: {  	_ =	strace $0x9000004E  }
0xb6: {  	_ =	sfence  }
0xb7: {  	s30 =	sld [smem:$0x0];
	_ =	sdelay $0x2  }
0xb8: {  	s31 =	sshll.u32 s1, $0xD;
	s1 =	sshrl.u32 s1, $0x2  }
0xb9: {  	s3 =	sand.u32 $0x4000, s31;
	s1 =	sadd.s32 s1, s30  }
0xba: {  	s0 =	sor.u32 s3, s0;
	s1 =	sshll.u32 s1, $0x11  }
0xbb: {  	s0 =	sor.u32 s1, s0  }
0xbc: {  	s0 =	sadd.s32 $0x8F2B, s0  }
0xbd: {  	[sflag:s0] =	ssyncadd.remote.s32 $0x1  }
0xbe: {  	_ =	sfence.sel $0xFFFF  }
0xbf: {  	[dreg:$0x0] =	wrdreg $0xFFFFFFFF;
	(pc) =	sbr.abs _section_cstart, $3  }
0xc0: {  	[dreg:$0x1] =	wrdreg $0xFFFFFFFF  }
0xc1: {  	_ =	task.clear_ibuf [dreg:s6], $0x2FFFF;
	_ =	strace $0x9FFFFFFF  }
0xc2: {  	(tm) =	ssettm $0x7FFFFFFF  }
0xc3: {  	_ =	shalt  }
tec
execute0_lowered:
.L_overlay_start_1:
0x0: {  	(tag) =	ssettag $0x1  }
0x1: {  	s0 =	rddreg [dreg:$0x0]  }
0x2: {  	s10 =	stileid.u32;
	s1 =	srdreg.scid  }
0x3: {  	s2 =	rddreg [dreg:$0x1];
	s3 =	simm.s32 $0x0;
	s19 =	simm.s32 $0xA800  }
0x4: {  	s20 =	simm.s32 $0x9;
	s21 =	simm.s32 $0x5400;
	s4 =	smul.u32 $0xA80, s10  }
0x5: {  	s29 =	simm.s32 $0xF000;
	s30 =	simm.s32 $0x1;
	s5 =	smul.u32 $0xF000, s10  }
0x6: {  	s31 =	simm.s32 $0x5;
	s7 =	sand.u32 $0x1, s1;
	s10 =	smul.u32 $0x3C000, s10  }
0x7: {  	s28 =	simm.s32 $0x6;
	[smem:$0x7FF] =	sst s3;
	s1 =	smul.u32 $0xF0000, s7  }
0x8: {  	_ =	strace $0x8000004D;
	s8 =	ssub.s32 $0x2, s7;
	s6 =	sadd.s32 s4, s0  }
0x9: {  	s9 =	sshrl.u32 s8, $0x1;
	s4 =	sadd.s32 $0xA2C00, s0;
	s24 =	sshrl.u32 s10, $0x2  }
0xa: {  	s25 =	sadd.s32 s5, s2;
	s1 =	sadd.s32 s5, s1;
	s22 =	ssub.s32 s8, s9  }
0xb: {  	s23 =	sadd.s32 $0x1600, s6;
	s6 =	sadd.s32 $0xBE00, s6;
	s8 =	sadd.s32 s24, s2  }
0xc: {  	s24 =	sshrl.u32 s25, $0x3;
	s25 =	simm.s32 $0x3;
	[dreg:$0x3] =	wrdreg s23  }
0xd: {  	s5 =	simm.s32 $0x4;
	s1 =	sshrl.u32 s1, $0x3;
	[dreg:$0x4] =	wrdreg s6  }
0xe: {  	s26 =	sadd.s32 $0x1800, s8;
	s11 =	sadd.s32 $0x3000, s8;
	s12 =	sadd.s32 $0x4800, s8  }
0xf: {  	s13 =	sadd.s32 $0x6000, s8;
	s14 =	sadd.s32 $0x7800, s8;
	s15 =	sadd.s32 $0x9000, s8  }
0x10: {  	s16 =	sadd.s32 $0xA800, s8;
	s17 =	sadd.s32 $0xC000, s8;
	s18 =	sadd.s32 $0xD800, s8  }
0x11: {  	s23 =	simm.s32 $0xC000;
	s6 =	simm.s32 $0x8;
	s0 =	sadd.s32 s1, s0  }
0x12: {  	s1 =	smax.u32 s22, $0x1;
	[dreg:$0x7] =	wrdreg s26;
	s22 =	simm.s32 $0x40  }
0x13: {  	s26 =	simm.s32 $0xD800;
	s0 =	sadd.s32 $0x66C00, s0;
	[dreg:$0x6] =	wrdreg s1  }
0x14: {  	v1 =	vimm.f32 $0.0e+00;
	v0 =	vmov s7;
	s1 =	simm.s32 $0x7;
	[dreg:$0x5] =	wrdreg s0;
	s0 =	simm.s32 $0x2  }
.LBB2_1:
0x15: {  	s7 =	simm.s32 $0x50  }
0x16: {  	[tilespmem:s7+$0xA800] =	vst v1  }
0x17: {  	[tilespmem:s7+$0xA7B0] =	vst v1  }
0x18: {  	[tilespmem:s7+$0xA7C0] =	vst v1  }
0x19: {  	[tilespmem:s7+$0xA7D0] =	vst v1  }
0x1a: {  	s9 =	simm.s32 $0x2C0;
	[tilespmem:s7+$0xA7E0] =	vst v1  }
.LBB2_2:
0x1b: {  	p0 =	sne.s32 s9, $0x5FC0;
	[tilespmem:s7+$0xA7F0] =	vst v1;
	s7 =	sshra.s32 s9, $0x2;
	s9 =	sadd.s32 $0x180, s9  }
.Ltmp0:
0x1c: {  	[tilespmem:s7+$0xA800] =	vst v1;
	(pc) =	sbr.rel @p0 .LBB2_2-.Ltmp0, $4  }
0x1d: {  	[tilespmem:s7+$0xA7B0] =	vst v1  }
0x1e: {  	[tilespmem:s7+$0xA7C0] =	vst v1  }
0x1f: {  	[tilespmem:s7+$0xA7D0] =	vst v1  }
0x20: {  	[tilespmem:s7+$0xA7E0] =	vst v1  }
0x21: {  	[tilespmem:s7+$0xA7F0] =	vst v1  }
0x22: {  	[spmem:s8] =	stream.linear.scatter [tilespmem:s19], [sflag:$0x9], $0x1800, $0x38;
	[tilespmem:$0x1F800] =	vst v63  }
0x23: {  	_ =	swait.ge [sflag:s20], $0x1800  }
0x24: {  	[sflag:s20] =	ssyncset.done $0x0  }
0x25: {  	s9 =	rddreg [dreg:$0x7];
	[sflag:s20] =	ssyncadd.s32 $0xFFFFE800  }
0x26: {  	[spmem:s9] =	stream.linear.scatter [tilespmem:s19], [sflag:$0x9], $0x1800, $0x38;
	[tilespmem:$0x1F800] =	vst v63  }
0x27: {  	_ =	swait.ge [sflag:s20], $0x1800  }
0x28: {  	[sflag:s20] =	ssyncset.done $0x0  }
0x29: {  	[sflag:s20] =	ssyncadd.s32 $0xFFFFE800  }
0x2a: {  	[spmem:s11] =	stream.linear.scatter [tilespmem:s19], [sflag:$0x9], $0x1800, $0x38;
	[tilespmem:$0x1F800] =	vst v63  }
0x2b: {  	_ =	swait.ge [sflag:s20], $0x1800  }
0x2c: {  	[sflag:s20] =	ssyncset.done $0x0  }
0x2d: {  	[sflag:s20] =	ssyncadd.s32 $0xFFFFE800  }
0x2e: {  	[spmem:s12] =	stream.linear.scatter [tilespmem:s19], [sflag:$0x9], $0x1800, $0x38;
	[tilespmem:$0x1F800] =	vst v63  }
0x2f: {  	_ =	swait.ge [sflag:s20], $0x1800  }
0x30: {  	[sflag:s20] =	ssyncset.done $0x0  }
0x31: {  	[sflag:s20] =	ssyncadd.s32 $0xFFFFE800  }
0x32: {  	[spmem:s13] =	stream.linear.scatter [tilespmem:s19], [sflag:$0x9], $0x1800, $0x38;
	[tilespmem:$0x1F800] =	vst v63  }
0x33: {  	_ =	swait.ge [sflag:s20], $0x1800  }
0x34: {  	[sflag:s20] =	ssyncset.done $0x0  }
0x35: {  	[sflag:s20] =	ssyncadd.s32 $0xFFFFE800  }
0x36: {  	[spmem:s14] =	stream.linear.scatter [tilespmem:s19], [sflag:$0x9], $0x1800, $0x38;
	[tilespmem:$0x1F800] =	vst v63  }
0x37: {  	_ =	swait.ge [sflag:s20], $0x1800  }
0x38: {  	[sflag:s20] =	ssyncset.done $0x0  }
0x39: {  	[sflag:s20] =	ssyncadd.s32 $0xFFFFE800  }
0x3a: {  	[spmem:s15] =	stream.linear.scatter [tilespmem:s19], [sflag:$0x9], $0x1800, $0x38;
	[tilespmem:$0x1F800] =	vst v63  }
0x3b: {  	_ =	swait.ge [sflag:s20], $0x1800  }
0x3c: {  	[sflag:s20] =	ssyncset.done $0x0  }
0x3d: {  	[sflag:s20] =	ssyncadd.s32 $0xFFFFE800  }
0x3e: {  	[spmem:s16] =	stream.linear.scatter [tilespmem:s19], [sflag:$0x9], $0x1800, $0x38;
	[tilespmem:$0x1F800] =	vst v63  }
0x3f: {  	_ =	swait.ge [sflag:s20], $0x1800  }
0x40: {  	[sflag:s20] =	ssyncset.done $0x0  }
0x41: {  	[sflag:s20] =	ssyncadd.s32 $0xFFFFE800  }
0x42: {  	[spmem:s17] =	stream.linear.scatter [tilespmem:s19], [sflag:$0x9], $0x1800, $0x38;
	[tilespmem:$0x1F800] =	vst v63  }
0x43: {  	_ =	swait.ge [sflag:s20], $0x1800  }
0x44: {  	[sflag:s20] =	ssyncset.done $0x0  }
0x45: {  	[sflag:s20] =	ssyncadd.s32 $0xFFFFE800  }
0x46: {  	[spmem:s18] =	stream.linear.scatter [tilespmem:s19], [sflag:$0x9], $0x1800, $0x38;
	[tilespmem:$0x1F800] =	vst v63  }
0x47: {  	_ =	swait.ge [sflag:s20], $0x1800  }
0x48: {  	[sflag:s20] =	ssyncset.done $0x0  }
0x49: {  	s7 =	simm.s32 $0x0;
	s9 =	rddreg [dreg:$0x3];
	[sflag:s20] =	ssyncadd.s32 $0xFFFFE800  }
0x4a: {  	[tilespmem:s7], [sflag:$0x9] =	stream.linear.gather [hbm4b:s9+s7], $0x5400, $0x38;
	[tilespmem:$0x1F800] =	vst v63  }
0x4b: {  	_ =	swait.ge [sflag:s20], $0x5400  }
0x4c: {  	[sflag:s20] =	ssyncset.done $0x0  }
0x4d: {  	s10 =	rddreg [dreg:$0x4];
	[sflag:s20] =	ssyncadd.s32 $0xFFFFAC00  }
0x4e: {  	[tilespmem:s21], [sflag:$0x9] =	stream.linear.gather [hbm4b:s10+s7], $0x5400, $0x38;
	[tilespmem:$0x1F800] =	vst v63  }
0x4f: {  	_ =	swait.ge [sflag:s20], $0x5400  }
0x50: {  	[sflag:s20] =	ssyncset.done $0x0  }
0x51: {  	s7 =	simm.s32 $0x0;
	[sflag:s20] =	ssyncadd.s32 $0xFFFFAC00  }
0x52: {  	v3 =	vld [tilespmem:s7+$0x0]  }
0x53: {  	v4 =	vld [tilespmem:s7+$0x10]  }
0x54: {  	s9 =	simm.s32 $0x100;
	v2 =	vld [tilespmem:s7+$0x20]  }
.LBB2_4:
0x55: {  	p0 =	sne.s32 s9, $0x14F00;
	v5 =	vld [tilespmem:s7+$0x30];
	_ =	sdelay $0x1  }
0x56: {  	v3 =	vshll.u32 v3, $0x1  }
.Ltmp1:
0x57: {  	v3 =	vor.u32 v0, v3;
	v4 =	vshll.u32 v4, $0x1;
	(pc) =	sbr.rel @p0 .LBB2_4-.Ltmp1, $4  }
0x58: {  	s10 =	sshra.s32 s9, $0x2;
	[tilespmem:s7+$0x0] =	vst v3;
	v4 =	vor.u32 v0, v4;
	v2 =	vshll.u32 v2, $0x1  }
0x59: {  	v3 =	vld [tilespmem:s10+$0x0];
	[tilespmem:s7+$0x10] =	vst v4;
	v2 =	vor.u32 v0, v2;
	v5 =	vshll.u32 v5, $0x1  }
0x5a: {  	v4 =	vld [tilespmem:s10+$0x10];
	[tilespmem:s7+$0x20] =	vst v2;
	v5 =	vor.u32 v0, v5  }
0x5b: {  	s9 =	sadd.s32 $0x100, s9;
	v2 =	vld [tilespmem:s10+$0x20];
	[tilespmem:s7+$0x30] =	vst v5;
	s7 =	smov.u32 s10  }
0x5c: {  	v5 =	vld [tilespmem:s7+$0x30];
	_ =	sdelay $0x1  }
0x5d: {  	v3 =	vshll.u32 v3, $0x1  }
0x5e: {  	v3 =	vor.u32 v0, v3;
	v4 =	vshll.u32 v4, $0x1  }
0x5f: {  	[tilespmem:s7+$0x0] =	vst v3;
	v3 =	vor.u32 v0, v4;
	v2 =	vshll.u32 v2, $0x1  }
0x60: {  	[tilespmem:s7+$0x10] =	vst v3;
	v2 =	vor.u32 v0, v2;
	v3 =	vshll.u32 v5, $0x1  }
0x61: {  	[tilespmem:s7+$0x20] =	vst v2;
	v2 =	vor.u32 v0, v3  }
0x62: {  	[tilespmem:s7+$0x30] =	vst v2  }
0x63: {  	s9 =	simm.s32 $0x0;
	[bflag:$0x0] =	sbarrier.arrive $0xFFFF  }
0x64: {  	[tilespmem:s19], [sflag:$0x1] =	stream.indirect.gather [hbm4b:s4+s22], $0x60, s9, s22, $0xb8;
	[tilespmem:$0x1F800] =	vst v63  }
0x65: {  	_ = 	snop  }
0x66: {  	[tilespmem:s23], [sflag:$0x2] =	stream.indirect.gather [hbm4b:s4+s22], $0x60, s22, s22, $0xb8;
	[tilespmem:$0x1F800] =	vst v63  }
0x67: {  	s10 =	simm.s32 $0x80  }
0x68: {  	[tilespmem:s26], [sflag:$0x3] =	stream.indirect.gather [hbm4b:s4+s22], $0x60, s10, s22, $0xb8;
	[tilespmem:$0x1F800] =	vst v63  }
0x69: {  	s9 =	simm.s32 $0xC0  }
0x6a: {  	[tilespmem:s29], [sflag:$0x4] =	stream.indirect.gather [hbm4b:s4+s22], $0x60, s9, s22, $0xb8;
	[tilespmem:$0x1F800] =	vst v63  }
0x6b: {  	_ =	swait.ge [sflag:s30], $0x1800  }
0x6c: {  	[sflag:s30] =	ssyncset.done $0x0  }
0x6d: {  	[sflag:s30] =	ssyncadd.s32 $0xFFFFE800  }
0x6e: {  	[spmem:s2] =	stream.indirect.scatter.add.f32 [tilespmem:s19], [sflag:$0x5], $0x60, s21, s22, $0xb8;
	[tilespmem:$0x1F800] =	vst v63  }
0x6f: {  	_ =	swait.ge [sflag:s31], $0x1800  }
0x70: {  	[sflag:s31] =	ssyncset.done $0x0  }
0x71: {  	s10 =	simm.s32 $0x100;
	[sflag:s31] =	ssyncadd.s32 $0xFFFFE800  }
0x72: {  	[tilespmem:s19], [sflag:$0x1] =	stream.indirect.gather [hbm4b:s4+s22], $0x60, s10, s22, $0xb8;
	[tilespmem:$0x1F800] =	vst v63  }
0x73: {  	_ =	swait.ge [sflag:s0], $0x1800  }
0x74: {  	[sflag:s0] =	ssyncset.done $0x0  }
0x75: {  	s9 =	simm.s32 $0x5440;
	[sflag:s0] =	ssyncadd.s32 $0xFFFFE800  }
0x76: {  	[spmem:s2] =	stream.indirect.scatter.add.f32 [tilespmem:s23], [sflag:$0x6], $0x60, s9, s22, $0xb8;
	[tilespmem:$0x1F800] =	vst v63  }
0x77: {  	_ =	swait.ge [sflag:s28], $0x1800  }
0x78: {  	[sflag:s28] =	ssyncset.done $0x0  }
0x79: {  	s10 =	simm.s32 $0x140;
	[sflag:s28] =	ssyncadd.s32 $0xFFFFE800  }
0x7a: {  	[tilespmem:s23], [sflag:$0x2] =	stream.indirect.gather [hbm4b:s4+s22], $0x60, s10, s22, $0xb8;
	[tilespmem:$0x1F800] =	vst v63  }
0x7b: {  	_ =	swait.ge [sflag:s25], $0x1800  }
0x7c: {  	[sflag:s25] =	ssyncset.done $0x0  }
0x7d: {  	s9 =	simm.s32 $0x5480;
	[sflag:s25] =	ssyncadd.s32 $0xFFFFE800  }
0x7e: {  	[spmem:s2] =	stream.indirect.scatter.add.f32 [tilespmem:s26], [sflag:$0x7], $0x60, s9, s22, $0xb8;
	[tilespmem:$0x1F800] =	vst v63  }
0x7f: {  	_ =	swait.ge [sflag:s1], $0x1800  }
0x80: {  	[sflag:s1] =	ssyncset.done $0x0  }
0x81: {  	s10 =	simm.s32 $0x180;
	[sflag:s1] =	ssyncadd.s32 $0xFFFFE800  }
0x82: {  	[tilespmem:s26], [sflag:$0x3] =	stream.indirect.gather [hbm4b:s4+s22], $0x60, s10, s22, $0xb8;
	[tilespmem:$0x1F800] =	vst v63  }
0x83: {  	_ =	swait.ge [sflag:s5], $0x1800  }
0x84: {  	[sflag:s5] =	ssyncset.done $0x0  }
0x85: {  	s9 =	simm.s32 $0x54C0;
	[sflag:s5] =	ssyncadd.s32 $0xFFFFE800  }
0x86: {  	[spmem:s2] =	stream.indirect.scatter.add.f32 [tilespmem:s29], [sflag:$0x8], $0x60, s9, s22, $0xb8;
	[tilespmem:$0x1F800] =	vst v63  }
0x87: {  	_ =	swait.ge [sflag:s6], $0x1800  }
0x88: {  	[sflag:s6] =	ssyncset.done $0x0  }
0x89: {  	s10 =	simm.s32 $0x1C0;
	[sflag:s6] =	ssyncadd.s32 $0xFFFFE800  }
0x8a: {  	[tilespmem:s29], [sflag:$0x4] =	stream.indirect.gather [hbm4b:s4+s22], $0x60, s10, s22, $0xb8;
	[tilespmem:$0x1F800] =	vst v63  }
0x8b: {  	_ =	swait.ge [sflag:s30], $0x1800  }
0x8c: {  	[sflag:s30] =	ssyncset.done $0x0  }
0x8d: {  	s9 =	simm.s32 $0x5500;
	[sflag:s30] =	ssyncadd.s32 $0xFFFFE800  }
0x8e: {  	[spmem:s2] =	stream.indirect.scatter.add.f32 [tilespmem:s19], [sflag:$0x5], $0x60, s9, s22, $0xb8;
	[tilespmem:$0x1F800] =	vst v63  }
0x8f: {  	_ =	swait.ge [sflag:s31], $0x1800  }
0x90: {  	[sflag:s31] =	ssyncset.done $0x0  }
0x91: {  	s10 =	simm.s32 $0x200;
	[sflag:s31] =	ssyncadd.s32 $0xFFFFE800  }
0x92: {  	[tilespmem:s19], [sflag:$0x1] =	stream.indirect.gather [hbm4b:s4+s22], $0x60, s10, s22, $0xb8;
	[tilespmem:$0x1F800] =	vst v63  }
0x93: {  	_ =	swait.ge [sflag:s0], $0x1800  }
0x94: {  	[sflag:s0] =	ssyncset.done $0x0  }
0x95: {  	s9 =	simm.s32 $0x5540;
	[sflag:s0] =	ssyncadd.s32 $0xFFFFE800  }
0x96: {  	[spmem:s2] =	stream.indirect.scatter.add.f32 [tilespmem:s23], [sflag:$0x6], $0x60, s9, s22, $0xb8;
	[tilespmem:$0x1F800] =	vst v63  }
0x97: {  	_ =	swait.ge [sflag:s28], $0x1800  }
0x98: {  	[sflag:s28] =	ssyncset.done $0x0  }
0x99: {  	s10 =	simm.s32 $0x240;
	[sflag:s28] =	ssyncadd.s32 $0xFFFFE800  }
0x9a: {  	[tilespmem:s23], [sflag:$0x2] =	stream.indirect.gather [hbm4b:s4+s22], $0x60, s10, s22, $0xb8;
	[tilespmem:$0x1F800] =	vst v63  }
0x9b: {  	_ =	swait.ge [sflag:s25], $0x1800  }
0x9c: {  	[sflag:s25] =	ssyncset.done $0x0  }
0x9d: {  	s9 =	simm.s32 $0x5580;
	[sflag:s25] =	ssyncadd.s32 $0xFFFFE800  }
0x9e: {  	[spmem:s2] =	stream.indirect.scatter.add.f32 [tilespmem:s26], [sflag:$0x7], $0x60, s9, s22, $0xb8;
	[tilespmem:$0x1F800] =	vst v63  }
0x9f: {  	_ =	swait.ge [sflag:s1], $0x1800  }
0xa0: {  	[sflag:s1] =	ssyncset.done $0x0  }
0xa1: {  	s10 =	simm.s32 $0x280;
	[sflag:s1] =	ssyncadd.s32 $0xFFFFE800  }
0xa2: {  	[tilespmem:s26], [sflag:$0x3] =	stream.indirect.gather [hbm4b:s4+s22], $0x60, s10, s22, $0xb8;
	[tilespmem:$0x1F800] =	vst v63  }
0xa3: {  	_ =	swait.ge [sflag:s5], $0x1800  }
0xa4: {  	[sflag:s5] =	ssyncset.done $0x0  }
0xa5: {  	s7 =	simm.s32 $0x400;
	s9 =	simm.s32 $0x55C0;
	[sflag:s5] =	ssyncadd.s32 $0xFFFFE800  }
.LBB2_6:
0xa6: {  	[spmem:s2] =	stream.indirect.scatter.add.f32 [tilespmem:s29], [sflag:$0x8], $0x60, s9, s22, $0xb8;
	[tilespmem:$0x1F800] =	vst v63  }
0xa7: {  	s9 =	smov.u32 s7  }
0xa8: {  	p0 =	sne.s32 s7, $0x14400;
	s7 =	sadd.s32 $0x400, s7;
	_ =	swait.ge [sflag:s6], $0x1800  }
0xa9: {  	s9 =	sshra.s32 s9, $0x2;
	[sflag:s6] =	ssyncset.done $0x0  }
0xaa: {  	s10 =	sadd.s32 $0x1C0, s9;
	[sflag:s6] =	ssyncadd.s32 $0xFFFFE800  }
0xab: {  	[tilespmem:s29], [sflag:$0x4] =	stream.indirect.gather [hbm4b:s4+s22], $0x60, s10, s22, $0xb8;
	[tilespmem:$0x1F800] =	vst v63  }
0xac: {  	_ =	swait.ge [sflag:s30], $0x1800  }
0xad: {  	[sflag:s30] =	ssyncset.done $0x0  }
0xae: {  	s10 =	sadd.s32 $0x5500, s9;
	[sflag:s30] =	ssyncadd.s32 $0xFFFFE800  }
0xaf: {  	[spmem:s2] =	stream.indirect.scatter.add.f32 [tilespmem:s19], [sflag:$0x5], $0x60, s10, s22, $0xb8;
	[tilespmem:$0x1F800] =	vst v63  }
0xb0: {  	_ =	swait.ge [sflag:s31], $0x1800  }
0xb1: {  	[sflag:s31] =	ssyncset.done $0x0  }
0xb2: {  	s10 =	sadd.s32 $0x200, s9;
	[sflag:s31] =	ssyncadd.s32 $0xFFFFE800  }
0xb3: {  	[tilespmem:s19], [sflag:$0x1] =	stream.indirect.gather [hbm4b:s4+s22], $0x60, s10, s22, $0xb8;
	[tilespmem:$0x1F800] =	vst v63  }
0xb4: {  	_ =	swait.ge [sflag:s0], $0x1800  }
0xb5: {  	[sflag:s0] =	ssyncset.done $0x0  }
0xb6: {  	s10 =	sadd.s32 $0x5540, s9;
	[sflag:s0] =	ssyncadd.s32 $0xFFFFE800  }
0xb7: {  	[spmem:s2] =	stream.indirect.scatter.add.f32 [tilespmem:s23], [sflag:$0x6], $0x60, s10, s22, $0xb8;
	[tilespmem:$0x1F800] =	vst v63  }
0xb8: {  	_ =	swait.ge [sflag:s28], $0x1800  }
0xb9: {  	[sflag:s28] =	ssyncset.done $0x0  }
0xba: {  	s10 =	sadd.s32 $0x240, s9;
	[sflag:s28] =	ssyncadd.s32 $0xFFFFE800  }
0xbb: {  	[tilespmem:s23], [sflag:$0x2] =	stream.indirect.gather [hbm4b:s4+s22], $0x60, s10, s22, $0xb8;
	[tilespmem:$0x1F800] =	vst v63  }
0xbc: {  	_ =	swait.ge [sflag:s25], $0x1800  }
0xbd: {  	[sflag:s25] =	ssyncset.done $0x0  }
0xbe: {  	s10 =	sadd.s32 $0x5580, s9;
	[sflag:s25] =	ssyncadd.s32 $0xFFFFE800  }
0xbf: {  	[spmem:s2] =	stream.indirect.scatter.add.f32 [tilespmem:s26], [sflag:$0x7], $0x60, s10, s22, $0xb8;
	[tilespmem:$0x1F800] =	vst v63  }
0xc0: {  	_ =	swait.ge [sflag:s1], $0x1800  }
0xc1: {  	[sflag:s1] =	ssyncset.done $0x0  }
.Ltmp2:
0xc2: {  	s10 =	sadd.s32 $0x280, s9;
	[sflag:s1] =	ssyncadd.s32 $0xFFFFE800;
	(pc) =	sbr.rel @p0 .LBB2_6-.Ltmp2, $4  }
0xc3: {  	[tilespmem:s26], [sflag:$0x3] =	stream.indirect.gather [hbm4b:s4+s22], $0x60, s10, s22, $0xb8;
	[tilespmem:$0x1F800] =	vst v63  }
0xc4: {  	_ =	swait.ge [sflag:s5], $0x1800  }
0xc5: {  	[sflag:s5] =	ssyncset.done $0x0  }
0xc6: {  	s9 =	sadd.s32 $0x55C0, s9;
	[sflag:s5] =	ssyncadd.s32 $0xFFFFE800  }
0xc7: {  	[spmem:s2] =	stream.indirect.scatter.add.f32 [tilespmem:s29], [sflag:$0x8], $0x60, s9, s22, $0xb8;
	[tilespmem:$0x1F800] =	vst v63  }
0xc8: {  	_ =	swait.ge [sflag:s6], $0x1800  }
0xc9: {  	[sflag:s6] =	ssyncset.done $0x0  }
0xca: {  	s7 =	simm.s32 $0x53C0;
	[sflag:s6] =	ssyncadd.s32 $0xFFFFE800  }
0xcb: {  	[tilespmem:s29], [sflag:$0x4] =	stream.indirect.gather [hbm4b:s4+s22], $0x60, s7, s22, $0xb8;
	[tilespmem:$0x1F800] =	vst v63  }
0xcc: {  	_ =	swait.ge [sflag:s30], $0x1800  }
0xcd: {  	[sflag:s30] =	ssyncset.done $0x0  }
0xce: {  	s9 =	simm.s32 $0xA700;
	[sflag:s30] =	ssyncadd.s32 $0xFFFFE800  }
0xcf: {  	[spmem:s2] =	stream.indirect.scatter.add.f32 [tilespmem:s19], [sflag:$0x5], $0x60, s9, s22, $0xb8;
	[tilespmem:$0x1F800] =	vst v63  }
0xd0: {  	_ =	swait.ge [sflag:s31], $0x1800  }
0xd1: {  	[sflag:s31] =	ssyncset.done $0x0  }
0xd2: {  	[sflag:s31] =	ssyncadd.s32 $0xFFFFE800  }
0xd3: {  	_ =	swait.ge [sflag:s0], $0x1800  }
0xd4: {  	[sflag:s0] =	ssyncset.done $0x0  }
0xd5: {  	s10 =	simm.s32 $0xA740;
	[sflag:s0] =	ssyncadd.s32 $0xFFFFE800  }
0xd6: {  	[spmem:s2] =	stream.indirect.scatter.add.f32 [tilespmem:s23], [sflag:$0x6], $0x60, s10, s22, $0xb8;
	[tilespmem:$0x1F800] =	vst v63  }
0xd7: {  	_ =	swait.ge [sflag:s28], $0x1800  }
0xd8: {  	[sflag:s28] =	ssyncset.done $0x0  }
0xd9: {  	[sflag:s28] =	ssyncadd.s32 $0xFFFFE800  }
0xda: {  	_ =	swait.ge [sflag:s25], $0x1800  }
0xdb: {  	[sflag:s25] =	ssyncset.done $0x0  }
0xdc: {  	s9 =	simm.s32 $0xA780;
	[sflag:s25] =	ssyncadd.s32 $0xFFFFE800  }
0xdd: {  	[spmem:s2] =	stream.indirect.scatter.add.f32 [tilespmem:s26], [sflag:$0x7], $0x60, s9, s22, $0xb8;
	[tilespmem:$0x1F800] =	vst v63  }
0xde: {  	_ =	swait.ge [sflag:s1], $0x1800  }
0xdf: {  	[sflag:s1] =	ssyncset.done $0x0  }
0xe0: {  	[sflag:s1] =	ssyncadd.s32 $0xFFFFE800  }
0xe1: {  	_ =	swait.ge [sflag:s5], $0x1800  }
0xe2: {  	[sflag:s5] =	ssyncset.done $0x0  }
0xe3: {  	s10 =	simm.s32 $0xA7C0;
	[sflag:s5] =	ssyncadd.s32 $0xFFFFE800  }
0xe4: {  	[spmem:s2] =	stream.indirect.scatter.add.f32 [tilespmem:s29], [sflag:$0x8], $0x60, s10, s22, $0xb8;
	[tilespmem:$0x1F800] =	vst v63  }
0xe5: {  	_ =	swait.ge [sflag:s6], $0x1800  }
0xe6: {  	[sflag:s6] =	ssyncset.done $0x0  }
0xe7: {  	s9 =	stileid.u32;
	[sflag:s6] =	ssyncadd.s32 $0xFFFFE800  }
0xe8: {  	s7 =	sshll.u32 s9, $0x6;
	[bflag:$0x0] =	sbarrier.arrive $0xFFFF  }
0xe9: {  	s7 =	sor.u32 $0x1C09, s7;
	s10 =	rddreg [dreg:$0x5]  }
0xea: {  	[hbm:s10], [sflag:s7] =	dma.local [spmem:s24], $0x1E00  }
0xeb: {  	_ =	swait.ge [sflag:s20], $0x1E00  }
0xec: {  	s3 =	sadd.s32 $0x1, s3;
	s10 =	rddreg [dreg:$0x6]  }
0xed: {  	p0 =	sne.s32 s3, s10  }
.Ltmp3:
0xee: {  	_ = 	snop;
	(pc) =	sbr.rel @p0 .LBB2_1-.Ltmp3, $3  }
0xef: {  	_ =	sdelay $0x1  }
0xf0: {  	[sflag:s20] =	ssyncset.done $0x0  }
0xf1: {  	[sflag:s20] =	ssyncadd.s32 $0xFFFFE200  }
0xf2: {  	_ =	sfence.sel $0x180000  }
0xf3: {  	[bflag:$0x0] =	sbarrier.arrive $0xFFFF  }
0xf4: {  	_ =	strace $0x9000004D  }
0xf5: {  	s0 =	stileid.u32;
	[bflag:$0x2] =	sbarrier.arrive $0xFFFF  }
0xf6: {  	p0 =	sne.s32 s0, $0x0;
	s0 =	rddreg [dreg:$0x2]  }
0xf7: {  	s0 =	sadd.s32 @!p0 $0x100000, s0  }
0xf8: {  	[sflag:s0] =	ssyncadd.tile.s32 @!p0 $0x1;
	_ =	shalt  }
.Lfunc_end2:
_tile_overlayer_lowered:
.L_overlay_start_2:
0xf9: {  	(tag) =	ssettag $0x2  }
0xfa: {  	s0 =	rddreg [dreg:$0x0];
	s2 =	stileid.u32  }
0xfb: {  	s1 =	rddreg [dreg:$0x1];
	p0 =	sne.s32 s2, $0x0  }
0xfc: {  	s3 =	rddreg [dreg:$0x2];
	[bflag:$0x3] =	sbarrier.arrive $0xFFFF;
	s2 =	simm.s32 @!p0 $0x1C09  }
0xfd: {  	[timem:s3], [sflag:s2] =	dma.local @!p0 [hbm:s0], s1  }
0xfe: {  	s0 =	simm.s32 @!p0 $0x9  }
0xff: {  	_ =	swait.ge @!p0 [sflag:s0], s1  }
0x100: {  	s1 =	ssub.s32 @!p0 $0x0, s1;
	[sflag:s0] =	ssyncset.done @!p0 $0x0  }
0x101: {  	[sflag:s0] =	ssyncadd.s32 @!p0 s1  }
0x102: {  	[bflag:$0x3] =	sbarrier.arrive $0xFFFF  }
0x103: {  	_ =	shalt  }

// kernel: kernel.16.cloned.1.call-start
scs
__scs_entry_jumppad:
0x0: {  	(pc) =	sbr.rel $0x88, $3  }
0x1: {  	(tag) =	ssettag $0x0;
	lr =	simm.s32 $0x1  }
0x2: {  	[smem:$0x3F9B] =	sst lr;
	_ =	strace $0xD0000000  }
0x3: {  	_ = 	snop  }
0x4: {  	_ = 	snop  }
0x5: {  	_ = 	snop  }
0x6: {  	_ = 	snop  }
0x7: {  	_ = 	snop  }
__scs_overlays_trampoline_lowered:
0x8: {  	[smem:$0x3FAA] =	sst s0  }
0x9: {  	[smem:$0x3FAB] =	sst s1  }
0xa: {  	[smem:$0x3FAC] =	sst s2  }
0xb: {  	[smem:$0x3FAD] =	sst s3  }
0xc: {  	[smem:$0x3FAE] =	sst s4  }
0xd: {  	[smem:$0x3FAF] =	sst s5  }
0xe: {  	[smem:$0x3FB0] =	sst s6  }
0xf: {  	[smem:$0x3FB1] =	sst s7  }
0x10: {  	[smem:$0x3FB2] =	sst s8  }
0x11: {  	[smem:$0x3FB3] =	sst s9;
	s0 =	simm.s32 @!p0 $0x0  }
0x12: {  	s1 =	sld [smem:$0x3F99];
	s0 =	simm.s32 @p0 $0x1  }
0x13: {  	[smem:$0x3FB4] =	sst s0;
	s0 =	simm.s32 @!p1 $0x0  }
0x14: {  	s2 =	sld [smem:$0x3F98];
	s0 =	simm.s32 @p1 $0x1  }
0x15: {  	[smem:$0x3FB5] =	sst s0;
	s0 =	simm.s32 @!p2 $0x0  }
0x16: {  	s3 =	sld [smem:$0x3FDB];
	s0 =	simm.s32 @p2 $0x1  }
0x17: {  	s4 =	simm.s32 $0x1BF5;
	[smem:$0x3FB7] =	sst s0  }
0x18: {  	s0 =	sld [smem:$0x3F9A];
	_ =	swait.ge [sflag:s4], $0x0  }
0x19: {  	s7 =	sld [smem:$0x3F9B]  }
0x1a: {  	s8 =	sadd.s32 $0xFFFFE003, lr  }
0x1b: {  	s9 =	sadd.s32 $0xFFFFFEF7, lr;
	s5 =	simm.s32 $0xFFFFFFFF;
	p2 =	slt.u32 s8, $0xFFFFF086  }
0x1c: {  	p1 =	slt.u32 s9, $0xF7A;
	s5 =	simm.s32 @!p2 $0x0  }
0x1d: {  	s5 =	simm.s32 @p1 $0x1;
	p0 =	seq.s32 s7, s2  }
0x1e: {  	s7 =	smul.u32 @!p0 $0xF7A, s2;
	p2 =	seq.s32 @!p0 s5, $0x0  }
0x1f: {  	s9 =	smul.u32 $0xF7A, s1;
	s8 =	simm.s32 @!p0 $0x1BF5;
	p2 =	por !p2, p0  }
0x20: {  	[sflag:s8] =	ssyncset.s32 @!p0 $0xFFFFF086;
	s6 =	sadd.s32 @!p0 s3, s7;
	s7 =	simm.s32 @!p0 $0x108  }
0x21: {  	s3 =	sadd.s32 s3, s9;
	s6 =	sadd.s32 @!p0 $0x88, s6;
	s7 =	simm.s32 @p2 $0x1082  }
0x22: {  	[simem:s7], [sflag:s8] =	dma.local @!p0 [hbm:s6], $0xF7A  }
0x23: {  	s9 =	sor.u32 $0xD0000000, s2;
	s6 =	simm.s32 $0x108;
	_ =	swait.ge @!p0 [sflag:s8], $0x0  }
0x24: {  	s3 =	sadd.s32 $0x88, s3;
	s6 =	simm.s32 @!p1 $0x1082;
	[sflag:s4] =	ssyncset.s32 $0xFFFFF086  }
0x25: {  	[simem:s6], [sflag:s4] =	dma.local [hbm:s3], $0xF7A  }
0x26: {  	[smem:$0x3F9B] =	sst s1;
	(tag) =	ssettag s2;
	_ =	strace s9  }
0x27: {  	s1 =	sld [smem:$0x3FAB]  }
0x28: {  	s2 =	sld [smem:$0x3FAC]  }
0x29: {  	s4 =	sld [smem:$0x3FAE]  }
0x2a: {  	p0 =	seq.s32 s5, $0x0;
	s5 =	sld [smem:$0x3FAF]  }
0x2b: {  	s6 =	sld [smem:$0x3FB0]  }
0x2c: {  	s7 =	sld [smem:$0x3FB1]  }
0x2d: {  	s3 =	simm.s32 $0x108;
	s8 =	sld [smem:$0x3FB2]  }
0x2e: {  	s3 =	simm.s32 @!p0 $0x1082;
	s9 =	sld [smem:$0x3FB3]  }
0x2f: {  	lr =	sadd.s32 s0, s3;
	s0 =	sld [smem:$0x3FAA]  }
0x30: {  	s3 =	sld [smem:$0x3FAD]  }
0x31: {  	[smem:$0x3FB6] =	sst s10  }
0x32: {  	s10 =	sld [smem:$0x3FB4];
	_ =	sdelay $0x3  }
0x33: {  	p0 =	seq.s32 s10, $0x1;
	s10 =	sld [smem:$0x3FB6];
	_ =	sdelay $0x3  }
0x34: {  	[smem:$0x3FB6] =	sst s10  }
0x35: {  	s10 =	sld [smem:$0x3FB5];
	_ =	sdelay $0x3  }
0x36: {  	p1 =	seq.s32 s10, $0x1;
	s10 =	sld [smem:$0x3FB6];
	_ =	sdelay $0x3  }
0x37: {  	[smem:$0x3FB6] =	sst s10  }
0x38: {  	s10 =	sld [smem:$0x3FB7]  }
0x39: {  	_ = 	snop;
	(pc) =	sbr.ind lr, $3  }
0x3a: {  	_ = 	snop  }
0x3b: {  	_ = 	snop  }
0x3c: {  	p2 =	seq.s32 s10, $0x1;
	s10 =	sld [smem:$0x3FB6]  }
0x3d: {  	_ =	shalt  }
0x3e: {  	_ =	shalt  }
0x3f: {  	_ =	shalt  }
0x40: {  	_ =	shalt  }
0x41: {  	_ =	shalt  }
0x42: {  	_ =	shalt  }
0x43: {  	_ =	shalt  }
0x44: {  	_ =	shalt  }
0x45: {  	_ =	shalt  }
0x46: {  	_ =	shalt  }
0x47: {  	_ =	shalt  }
0x48: {  	_ =	shalt  }
0x49: {  	_ =	shalt  }
0x4a: {  	_ =	shalt  }
0x4b: {  	_ =	shalt  }
0x4c: {  	_ =	shalt  }
0x4d: {  	_ =	shalt  }
0x4e: {  	_ =	shalt  }
0x4f: {  	_ =	shalt  }
0x50: {  	_ =	shalt  }
0x51: {  	_ =	shalt  }
0x52: {  	_ =	shalt  }
0x53: {  	_ =	shalt  }
0x54: {  	_ =	shalt  }
0x55: {  	_ =	shalt  }
0x56: {  	_ =	shalt  }
0x57: {  	_ =	shalt  }
0x58: {  	_ =	shalt  }
0x59: {  	_ =	shalt  }
0x5a: {  	_ =	shalt  }
0x5b: {  	_ =	shalt  }
0x5c: {  	_ =	shalt  }
0x5d: {  	_ =	shalt  }
0x5e: {  	_ =	shalt  }
0x5f: {  	_ =	shalt  }
0x60: {  	_ =	shalt  }
0x61: {  	_ =	shalt  }
0x62: {  	_ =	shalt  }
0x63: {  	_ =	shalt  }
0x64: {  	_ =	shalt  }
0x65: {  	_ =	shalt  }
0x66: {  	_ =	shalt  }
0x67: {  	_ =	shalt  }
0x68: {  	_ =	shalt  }
0x69: {  	_ =	shalt  }
0x6a: {  	_ =	shalt  }
0x6b: {  	_ =	shalt  }
0x6c: {  	_ =	shalt  }
0x6d: {  	_ =	shalt  }
0x6e: {  	_ =	shalt  }
0x6f: {  	_ =	shalt  }
0x70: {  	_ =	shalt  }
0x71: {  	_ =	shalt  }
0x72: {  	_ =	shalt  }
0x73: {  	_ =	shalt  }
0x74: {  	_ =	shalt  }
0x75: {  	_ =	shalt  }
0x76: {  	_ =	shalt  }
0x77: {  	_ =	shalt  }
0x78: {  	_ =	shalt  }
0x79: {  	_ =	shalt  }
0x7a: {  	_ =	shalt  }
0x7b: {  	_ =	shalt  }
0x7c: {  	_ =	shalt  }
0x7d: {  	_ =	shalt  }
0x7e: {  	_ =	shalt  }
0x7f: {  	_ =	shalt  }
0x80: {  	_ =	shalt  }
0x81: {  	_ =	shalt  }
0x82: {  	_ =	shalt  }
0x83: {  	_ =	shalt  }
0x84: {  	_ =	shalt  }
0x85: {  	_ =	shalt  }
0x86: {  	_ =	shalt  }
0x87: {  	_ =	shalt  }
.Lfunc_end0:
.L_simem_size_0:
called_computation.3_lowered:
.L_overlay_start_0:
0x88: {  	s2 =	sld [smem:$0x3FD9]  }
0x89: {  	s3 =	sld [smem:$0x3FFE];
	_ =	sdelay $0x1  }
0x8a: {  	s1 =	srdreg.scid  }
0x8b: {  	s0 =	sand.u32 $0x1, s1  }
0x8c: {  	s16 =	sshll.u32 s0, $0xA;
	s2 =	sadd.s32 s3, s2  }
0x8d: {  	s2 =	sadd.s32 s2, s16  }
0x8e: {  	[smem:$0x3FC2] =	sst s2  }
0x8f: {  	_ = 	snop  }
0x90: {  	(tm) =	ssettm $0x1  }
0x91: {  	s17 =	sld [smem:$0x3FFB];
	_ =	sdelay $0x3  }
0x92: {  	_ =	strace s17  }
0x93: {  	s2 =	sld [smem:$0x3FFC];
	_ =	sdelay $0x3  }
0x94: {  	_ =	strace s2  }
0x95: {  	s2 =	sld [smem:$0x3FFD];
	_ =	sdelay $0x3  }
0x96: {  	_ =	strace s2  }
0x97: {  	_ =	strace $0x8FFFFFFF  }
0x98: {  	s18 =	sld [smem:$0x3FDB];
	_ =	sdelay $0x1  }
0x99: {  	s19 =	simm.s32 $_scs_section_size  }
0x9a: {  	s4 =	simm.s32 $_size__tile_overlayer_lowered;
	s5 =	simm.s32 $_tile_overlayer_lowered  }
0x9b: {  	s22 =	simm.s32 $0x1BFF;
	s21 =	sshll.u32 s5, $0x1;
	s2 =	sadd.s32 s19, s18  }
0x9c: {  	s6 =	simm.s32 $0x0;
	s20 =	sshll.u32 s4, $0x1;
	s4 =	sadd.s32 s21, s2  }
0x9d: {  	[timem:s6], [sflag:s22] =	dma.local [hbm:s4], s20  }
0x9e: {  	_ =	swait.ge [sflag:s22], s20  }
0x9f: {  	s3 =	ssub.s32 $0x0, s20;
	[sflag:s22] =	ssyncset.done $0x0  }
0xa0: {  	[sflag:s22] =	ssyncadd.s32 s3;
	_ =	sdelay $0x1  }
0xa1: {  	s23 =	simm.s32 $0x1B8B  }
0xa2: {  	_ =	swait.ge [sflag:s23], $0x1  }
0xa3: {  	[sflag:s23] =	ssyncset.done $0x0  }
0xa4: {  	s25 =	simm.s32 $0x1B8E;
	s24 =	sld [smem:$0x3FFE];
	[sflag:s23] =	ssyncadd.s32 $0xFFFFFFFF  }
0xa5: {  	s26 =	simm.s32 $execute0_lowered;
	[smem:$0x3FD2] =	sst s25  }
0xa6: {  	s4 =	sshll.u32 s26, $0x1;
	_ =	strace $0x8000004F;
	[dreg:$0x1] =	wrdreg $0xFFFFFFFF  }
0xa7: {  	s28 =	simm.s32 $_size_execute0_lowered;
	s2 =	sadd.s32 s2, s4;
	[dreg:$0x0] =	wrdreg $0x0  }
0xa8: {  	s4 =	sshll.u32 s28, $0x1;
	[dreg:$0x2] =	wrdreg s2  }
0xa9: {  	[dreg:$0x3] =	wrdreg s4  }
0xaa: {  	[dreg:$0x4] =	wrdreg $0xC0  }
0xab: {  	_ =	task [dreg:s6], $0x5FFFF  }
0xac: {  	[dreg:$0x1] =	wrdreg $0xFFFFFFFF  }
0xad: {  	[dreg:$0x0] =	wrdreg $0x60  }
0xae: {  	[dreg:$0x2] =	wrdreg s24  }
0xaf: {  	[dreg:$0x3] =	wrdreg $0x12B900  }
0xb0: {  	[dreg:$0x4] =	wrdreg $0x9  }
0xb1: {  	_ =	task.clear_ibuf [dreg:s6], $0x5FFFF;
	_ =	strace $0x9000004F  }
0xb2: {  	s29 =	simm.s32 $0x9;
	_ =	strace $0x80000051  }
0xb3: {  	_ =	swait.ge [sflag:s29], $0x1  }
0xb4: {  	[sflag:s29] =	ssyncadd.s32 $0xFFFFFFFF  }
0xb5: {  	_ =	strace $0x90000051  }
0xb6: {  	_ =	sfence  }
0xb7: {  	s30 =	sld [smem:$0x0];
	_ =	sdelay $0x2  }
0xb8: {  	s31 =	sshll.u32 s1, $0xD;
	s1 =	sshrl.u32 s1, $0x2  }
0xb9: {  	s3 =	sand.u32 $0x4000, s31;
	s1 =	sadd.s32 s1, s30  }
0xba: {  	s0 =	sor.u32 s3, s0;
	s1 =	sshll.u32 s1, $0x11  }
0xbb: {  	s0 =	sor.u32 s1, s0  }
0xbc: {  	s0 =	sadd.s32 $0x8F2B, s0  }
0xbd: {  	[sflag:s0] =	ssyncadd.remote.s32 $0x1  }
0xbe: {  	_ =	sfence.sel $0xFFFF  }
0xbf: {  	[dreg:$0x0] =	wrdreg $0xFFFFFFFF;
	(pc) =	sbr.abs _section_cstart, $3  }
0xc0: {  	[dreg:$0x1] =	wrdreg $0xFFFFFFFF  }
0xc1: {  	_ =	task.clear_ibuf [dreg:s6], $0x2FFFF;
	_ =	strace $0x9FFFFFFF  }
0xc2: {  	(tm) =	ssettm $0x7FFFFFFF  }
0xc3: {  	_ =	shalt  }
tec
execute0_lowered:
.L_overlay_start_1:
0x0: {  	(tag) =	ssettag $0x1  }
0x1: {  	s6 =	rddreg [dreg:$0x0]  }
0x2: {  	s1 =	rddreg [dreg:$0x1];
	s2 =	srdreg.scid  }
0x3: {  	s3 =	simm.s32 $0x0;
	s14 =	simm.s32 $0x12400;
	s15 =	simm.s32 $0x2  }
0x4: {  	s16 =	simm.s32 $0x5400;
	s17 =	simm.s32 $0x12B80;
	s18 =	simm.s32 $0xFC00  }
0x5: {  	s19 =	simm.s32 $0x80;
	s20 =	simm.s32 $0x1;
	s21 =	simm.s32 $0x12680  }
0x6: {  	s22 =	simm.s32 $0x127C0;
	s23 =	simm.s32 $0x12900;
	s24 =	simm.s32 $0x12A40  }
0x7: {  	s25 =	simm.s32 $0x0;
	s7 =	sand.u32 $0x1, s2;
	s2 =	stileid.u32  }
0x8: {  	[smem:$0x7FF] =	sst s3;
	s4 =	sshll.u32 s7, $0x4;
	s5 =	smul.u32 $0xA80, s2  }
0x9: {  	s10 =	smul.u32 $0xA00, s2;
	s7 =	ssub.s32 $0x2, s7;
	s4 =	sor.u32 s2, s4  }
0xa: {  	_ =	strace $0x80000050;
	s31 =	sshrl.u32 s7, $0x1;
	s9 =	smul.u32 $0x140, s4  }
0xb: {  	s8 =	sadd.s32 s5, s6;
	s4 =	sadd.s32 $0x16C00, s6;
	s5 =	sadd.s32 $0x17200, s6  }
0xc: {  	s10 =	sshrl.u32 s10, $0x2;
	s13 =	ssub.s32 s7, s31;
	s7 =	sadd.s32 $0x1600, s8  }
0xd: {  	s8 =	sadd.s32 $0xBE00, s8;
	s13 =	smax.u32 s13, $0x1;
	s11 =	sshrl.u32 s9, $0x3  }
0xe: {  	s9 =	sadd.s32 s9, s1;
	s12 =	sadd.s32 s11, s6;
	s6 =	sadd.s32 s10, s1  }
0xf: {  	v0 =	vimm.f32 $0.0e+00;
	s10 =	sadd.s32 s4, s11;
	s11 =	sadd.s32 $0x16600, s12;
	s12 =	sadd.s32 $0x17400, s12  }
.LBB2_1:
0x10: {  	[tilespmem:$0x12400] =	vst v0  }
0x11: {  	[tilespmem:$0x12410] =	vst v0  }
0x12: {  	[tilespmem:$0x12420] =	vst v0  }
0x13: {  	[tilespmem:$0x12430] =	vst v0  }
0x14: {  	[tilespmem:$0x12440] =	vst v0  }
0x15: {  	[tilespmem:$0x12450] =	vst v0  }
0x16: {  	[tilespmem:$0x12460] =	vst v0  }
0x17: {  	[tilespmem:$0x12470] =	vst v0  }
0x18: {  	[tilespmem:$0x12480] =	vst v0  }
0x19: {  	[tilespmem:$0x12490] =	vst v0  }
0x1a: {  	[tilespmem:$0x124A0] =	vst v0  }
0x1b: {  	[tilespmem:$0x124B0] =	vst v0  }
0x1c: {  	[tilespmem:$0x124C0] =	vst v0  }
0x1d: {  	[tilespmem:$0x124D0] =	vst v0  }
0x1e: {  	[tilespmem:$0x124E0] =	vst v0  }
0x1f: {  	[tilespmem:$0x124F0] =	vst v0  }
0x20: {  	[tilespmem:$0x12500] =	vst v0  }
0x21: {  	[tilespmem:$0x12510] =	vst v0  }
0x22: {  	[tilespmem:$0x12520] =	vst v0  }
0x23: {  	[tilespmem:$0x12530] =	vst v0  }
0x24: {  	[tilespmem:$0x12540] =	vst v0  }
0x25: {  	[tilespmem:$0x12550] =	vst v0  }
0x26: {  	[tilespmem:$0x12560] =	vst v0  }
0x27: {  	[tilespmem:$0x12570] =	vst v0  }
0x28: {  	[tilespmem:$0x12580] =	vst v0  }
0x29: {  	[tilespmem:$0x12590] =	vst v0  }
0x2a: {  	[tilespmem:$0x125A0] =	vst v0  }
0x2b: {  	[tilespmem:$0x125B0] =	vst v0  }
0x2c: {  	[tilespmem:$0x125C0] =	vst v0  }
0x2d: {  	[tilespmem:$0x125D0] =	vst v0  }
0x2e: {  	[tilespmem:$0x125E0] =	vst v0  }
0x2f: {  	[tilespmem:$0x125F0] =	vst v0  }
0x30: {  	[tilespmem:$0x12600] =	vst v0  }
0x31: {  	[tilespmem:$0x12610] =	vst v0  }
0x32: {  	[tilespmem:$0x12620] =	vst v0  }
0x33: {  	[tilespmem:$0x12630] =	vst v0  }
0x34: {  	[tilespmem:$0x12640] =	vst v0  }
0x35: {  	[tilespmem:$0x12650] =	vst v0  }
0x36: {  	[tilespmem:$0x12660] =	vst v0  }
0x37: {  	[tilespmem:$0x12670] =	vst v0  }
0x38: {  	[spmem:s6] =	stream.linear.scatter [tilespmem:s14], [sflag:$0x2], $0x280, $0x38;
	[tilespmem:$0x12E10] =	vst v63  }
0x39: {  	_ =	swait.ge [sflag:s15], $0x280  }
0x3a: {  	[sflag:s15] =	ssyncset.done $0x0  }
0x3b: {  	[sflag:s15] =	ssyncadd.s32 $0xFFFFFD80  }
0x3c: {  	[tilespmem:s3], [sflag:$0x2] =	stream.linear.gather [hbm4b:s7+s3], $0x5400, $0x38;
	[tilespmem:$0x12E10] =	vst v63  }
0x3d: {  	_ =	swait.ge [sflag:s15], $0x5400  }
0x3e: {  	[sflag:s15] =	ssyncset.done $0x0  }
0x3f: {  	[sflag:s15] =	ssyncadd.s32 $0xFFFFAC00  }
0x40: {  	[tilespmem:s16], [sflag:$0x2] =	stream.linear.gather [hbm4b:s8+s3], $0x5400, $0x38;
	[tilespmem:$0x12E10] =	vst v63  }
0x41: {  	_ =	swait.ge [sflag:s15], $0x5400  }
0x42: {  	[sflag:s15] =	ssyncset.done $0x0  }
0x43: {  	[sflag:s15] =	ssyncadd.s32 $0xFFFFAC00  }
0x44: {  	[tilespmem:s17], [sflag:$0x2] =	stream.linear.gather [hbm4b:s5+s3], $0x10, $0x38;
	[tilespmem:$0x12E10] =	vst v63  }
0x45: {  	_ =	swait.ge [sflag:s15], $0x10  }
0x46: {  	[sflag:s15] =	ssyncset.done $0x0  }
0x47: {  	[sflag:s15] =	ssyncadd.s32 $0xFFFFFFF0  }
0x48: {  	[tilespmem:s18], [sflag:$0x2] =	stream.linear.gather [hbm4b:s4+s3], $0x2800, $0x38;
	[tilespmem:$0x12E10] =	vst v63  }
0x49: {  	_ =	swait.ge [sflag:s15], $0x2800  }
0x4a: {  	[sflag:s15] =	ssyncset.done $0x0  }
0x4b: {  	s26 =	simm.s32 $0x0;
	[sflag:s15] =	ssyncadd.s32 $0xFFFFD800  }
0x4c: {  	v1 =	vld [tilespmem:s26+$0x0];
	_ =	sdelay $0x5  }
0x4d: {  	v2 =	vld [tilespmem:s26+$0x10];
	_ =	sdelay $0x1  }
0x4e: {  	v1 =	vld.idx.msk [tilespmem:v1+s18+$0x0], $0xffff;
	_ =	sdelay $0x4  }
0x4f: {  	[tilespmem:s26+$0xA800] =	vst v1;
	v1 =	vld [tilespmem:s26+$0x20]  }
0x50: {  	v2 =	vld.idx.msk [tilespmem:v2+s18+$0x0], $0xffff;
	_ =	sdelay $0x4  }
0x51: {  	[tilespmem:s26+$0xA810] =	vst v2;
	v2 =	vld [tilespmem:s26+$0x30];
	_ =	sdelay $0x1  }
0x52: {  	v1 =	vld.idx.msk [tilespmem:v1+s18+$0x0], $0xffff;
	_ =	sdelay $0x4  }
0x53: {  	[tilespmem:s26+$0xA820] =	vst v1;
	v1 =	vld [tilespmem:s26+$0x40]  }
0x54: {  	v2 =	vld.idx.msk [tilespmem:v2+s18+$0x0], $0xffff;
	_ =	sdelay $0x4  }
0x55: {  	[tilespmem:s26+$0xA830] =	vst v2;
	v2 =	vld [tilespmem:s26+$0x50];
	_ =	sdelay $0x1  }
0x56: {  	v1 =	vld.idx.msk [tilespmem:v1+s18+$0x0], $0xffff;
	_ =	sdelay $0x4  }
0x57: {  	v3 =	vld [tilespmem:s26+$0x60];
	[tilespmem:s26+$0xA840] =	vst v1  }
0x58: {  	v1 =	vld.idx.msk [tilespmem:v2+s18+$0x0], $0xffff;
	_ =	sdelay $0x4  }
0x59: {  	[tilespmem:s26+$0xA850] =	vst v1;
	v1 =	vld [tilespmem:s26+$0x70];
	_ =	sdelay $0x1  }
0x5a: {  	v2 =	vld.idx.msk [tilespmem:v3+s18+$0x0], $0xffff;
	_ =	sdelay $0x3  }
0x5b: {  	s29 =	simm.s32 $0x80;
	s28 =	simm.s32 $0x400  }
.LBB2_2:
0x5c: {  	p0 =	sne.s32 s28, $0x14E00;
	v3 =	vld [tilespmem:s29+$0x0];
	[tilespmem:s26+$0xA860] =	vst v2  }
0x5d: {  	v1 =	vld.idx.msk [tilespmem:v1+s18+$0x0], $0xffff;
	_ =	sdelay $0x5  }
0x5e: {  	v2 =	vld [tilespmem:s29+$0x10];
	[tilespmem:s26+$0xA870] =	vst v1;
	s26 =	smov.u32 s29  }
0x5f: {  	v1 =	vld.idx.msk [tilespmem:v3+s18+$0x0], $0xffff;
	_ =	sdelay $0x5  }
0x60: {  	[tilespmem:s26+$0xA800] =	vst v1;
	v1 =	vld [tilespmem:s26+$0x20]  }
0x61: {  	v2 =	vld.idx.msk [tilespmem:v2+s18+$0x0], $0xffff;
	_ =	sdelay $0x5  }
0x62: {  	[tilespmem:s26+$0xA810] =	vst v2;
	v2 =	vld [tilespmem:s26+$0x30]  }
0x63: {  	v1 =	vld.idx.msk [tilespmem:v1+s18+$0x0], $0xffff;
	_ =	sdelay $0x5  }
0x64: {  	[tilespmem:s26+$0xA820] =	vst v1;
	v1 =	vld [tilespmem:s26+$0x40]  }
0x65: {  	v2 =	vld.idx.msk [tilespmem:v2+s18+$0x0], $0xffff;
	_ =	sdelay $0x5  }
0x66: {  	[tilespmem:s26+$0xA830] =	vst v2;
	v2 =	vld [tilespmem:s26+$0x50]  }
0x67: {  	v1 =	vld.idx.msk [tilespmem:v1+s18+$0x0], $0xffff;
	_ =	sdelay $0x5  }
0x68: {  	[tilespmem:s26+$0xA840] =	vst v1;
	v3 =	vld [tilespmem:s26+$0x60]  }
0x69: {  	v1 =	vld.idx.msk [tilespmem:v2+s18+$0x0], $0xffff;
	_ =	sdelay $0x5  }
0x6a: {  	[tilespmem:s26+$0xA850] =	vst v1;
	v1 =	vld [tilespmem:s26+$0x70]  }
0x6b: {  	v2 =	vld.idx.msk [tilespmem:v3+s18+$0x0], $0xffff  }
.Ltmp0:
0x6c: {  	(pc) =	sbr.rel @p0 .LBB2_2-.Ltmp0, $2  }
0x6d: {  	_ =	sdelay $0x2  }
0x6e: {  	s29 =	sshra.s32 s28, $0x2;
	s28 =	sadd.s32 $0x200, s28  }
0x6f: {  	_ =	sdelay $0x1  }
0x70: {  	v3 =	vld [tilespmem:s29+$0x0]  }
0x71: {  	[tilespmem:s26+$0xA860] =	vst v2  }
0x72: {  	v1 =	vld.idx.msk [tilespmem:v1+s18+$0x0], $0xffff;
	_ =	sdelay $0x3  }
0x73: {  	v2 =	vld [tilespmem:s29+$0x10]  }
0x74: {  	[tilespmem:s26+$0xA870] =	vst v1  }
0x75: {  	v1 =	vld.idx.msk [tilespmem:v3+s18+$0x0], $0xffff;
	_ =	sdelay $0x4  }
0x76: {  	[tilespmem:s29+$0xA800] =	vst v1;
	v1 =	vld [tilespmem:s29+$0x20]  }
0x77: {  	v2 =	vld.idx.msk [tilespmem:v2+s18+$0x0], $0xffff;
	_ =	sdelay $0x4  }
0x78: {  	[tilespmem:s29+$0xA810] =	vst v2;
	v2 =	vld [tilespmem:s29+$0x30];
	_ =	sdelay $0x1  }
0x79: {  	v1 =	vld.idx.msk [tilespmem:v1+s18+$0x0], $0xffff;
	_ =	sdelay $0x4  }
0x7a: {  	[tilespmem:s29+$0xA820] =	vst v1;
	v1 =	vld [tilespmem:s29+$0x40]  }
0x7b: {  	v2 =	vld.idx.msk [tilespmem:v2+s18+$0x0], $0xffff;
	_ =	sdelay $0x4  }
0x7c: {  	[tilespmem:s29+$0xA830] =	vst v2;
	v2 =	vld [tilespmem:s29+$0x50];
	_ =	sdelay $0x1  }
0x7d: {  	v1 =	vld.idx.msk [tilespmem:v1+s18+$0x0], $0xffff;
	_ =	sdelay $0x4  }
0x7e: {  	[tilespmem:s29+$0xA840] =	vst v1;
	v1 =	vld [tilespmem:s29+$0x60]  }
0x7f: {  	v2 =	vld.idx.msk [tilespmem:v2+s18+$0x0], $0xffff;
	_ =	sdelay $0x4  }
0x80: {  	[tilespmem:s29+$0xA850] =	vst v2;
	v2 =	vld [tilespmem:s29+$0x70];
	_ =	sdelay $0x1  }
0x81: {  	v1 =	vld.idx.msk [tilespmem:v1+s18+$0x0], $0xffff;
	_ =	sdelay $0x4  }
0x82: {  	[tilespmem:s29+$0xA860] =	vst v1  }
0x83: {  	v1 =	vld.idx.msk [tilespmem:v2+s18+$0x0], $0xffff;
	_ =	sdelay $0x4  }
0x84: {  	[tilespmem:s29+$0xA870] =	vst v1  }
0x85: {  	s31 =	simm.s32 $0xA800;
	s28 =	simm.s32 $0x5400;
	[bflag:$0x0] =	sbarrier.arrive $0xFFFF  }
0x86: {  	[spmem:s1] =	stream.indirect.scatter.add.f32 [tilespmem:s31], [sflag:$0x1], $0x1, s28, s19, $0xb8;
	[tilespmem:$0x12E10] =	vst v63  }
0x87: {  	s0 =	simm.s32 $0xA880;
	s31 =	simm.s32 $0x5480  }
0x88: {  	[spmem:s1] =	stream.indirect.scatter.add.f32 [tilespmem:s0], [sflag:$0x1], $0x1, s31, s19, $0xb8;
	[tilespmem:$0x12E10] =	vst v63  }
0x89: {  	s0 =	simm.s32 $0xA900;
	s31 =	simm.s32 $0x5500  }
0x8a: {  	[spmem:s1] =	stream.indirect.scatter.add.f32 [tilespmem:s0], [sflag:$0x1], $0x1, s31, s19, $0xb8;
	[tilespmem:$0x12E10] =	vst v63  }
0x8b: {  	s0 =	simm.s32 $0xA980;
	s31 =	simm.s32 $0x5580  }
0x8c: {  	[spmem:s1] =	stream.indirect.scatter.add.f32 [tilespmem:s0], [sflag:$0x1], $0x1, s31, s19, $0xb8;
	[tilespmem:$0x12E10] =	vst v63  }
0x8d: {  	s0 =	simm.s32 $0xAA00;
	s31 =	simm.s32 $0x5600  }
0x8e: {  	[spmem:s1] =	stream.indirect.scatter.add.f32 [tilespmem:s0], [sflag:$0x1], $0x1, s31, s19, $0xb8;
	[tilespmem:$0x12E10] =	vst v63  }
0x8f: {  	s0 =	simm.s32 $0xAA80;
	s31 =	simm.s32 $0x5680  }
0x90: {  	[spmem:s1] =	stream.indirect.scatter.add.f32 [tilespmem:s0], [sflag:$0x1], $0x1, s31, s19, $0xb8;
	[tilespmem:$0x12E10] =	vst v63  }
0x91: {  	s0 =	simm.s32 $0xAB00;
	s31 =	simm.s32 $0x5700  }
0x92: {  	[spmem:s1] =	stream.indirect.scatter.add.f32 [tilespmem:s0], [sflag:$0x1], $0x1, s31, s19, $0xb8;
	[tilespmem:$0x12E10] =	vst v63  }
0x93: {  	s0 =	simm.s32 $0xAB80;
	s31 =	simm.s32 $0x5780  }
0x94: {  	[spmem:s1] =	stream.indirect.scatter.add.f32 [tilespmem:s0], [sflag:$0x1], $0x1, s31, s19, $0xb8;
	[tilespmem:$0x12E10] =	vst v63  }
0x95: {  	_ =	swait.ge [sflag:s20], $0x80  }
0x96: {  	[sflag:s20] =	ssyncset.done $0x0  }
0x97: {  	[sflag:s20] =	ssyncadd.s32 $0xFFFFFF80  }
0x98: {  	_ =	swait.ge [sflag:s20], $0x80  }
0x99: {  	[sflag:s20] =	ssyncset.done $0x0  }
0x9a: {  	[sflag:s20] =	ssyncadd.s32 $0xFFFFFF80  }
0x9b: {  	_ =	swait.ge [sflag:s20], $0x80  }
0x9c: {  	[sflag:s20] =	ssyncset.done $0x0  }
0x9d: {  	[sflag:s20] =	ssyncadd.s32 $0xFFFFFF80  }
0x9e: {  	_ =	swait.ge [sflag:s20], $0x80  }
0x9f: {  	[sflag:s20] =	ssyncset.done $0x0  }
0xa0: {  	[sflag:s20] =	ssyncadd.s32 $0xFFFFFF80  }
0xa1: {  	_ =	swait.ge [sflag:s20], $0x80  }
0xa2: {  	[sflag:s20] =	ssyncset.done $0x0  }
0xa3: {  	[sflag:s20] =	ssyncadd.s32 $0xFFFFFF80  }
0xa4: {  	_ =	swait.ge [sflag:s20], $0x80  }
0xa5: {  	[sflag:s20] =	ssyncset.done $0x0  }
0xa6: {  	[sflag:s20] =	ssyncadd.s32 $0xFFFFFF80  }
0xa7: {  	_ =	swait.ge [sflag:s20], $0x80  }
0xa8: {  	[sflag:s20] =	ssyncset.done $0x0  }
0xa9: {  	[sflag:s20] =	ssyncadd.s32 $0xFFFFFF80  }
0xaa: {  	_ =	swait.ge [sflag:s20], $0x80  }
0xab: {  	s30 =	simm.s32 $0x2000;
	s29 =	simm.s32 $0x400;
	[sflag:s20] =	ssyncset.done $0x0  }
.LBB2_4:
0xac: {  	s28 =	sadd.s32 $0xA800, s29  }
0xad: {  	s31 =	sadd.s32 $0x5400, s29;
	[sflag:s20] =	ssyncadd.s32 $0xFFFFFF80;
	s26 =	smov.u32 s30  }
0xae: {  	[spmem:s1] =	stream.indirect.scatter.add.f32 [tilespmem:s28], [sflag:$0x1], $0x1, s31, s19, $0xb8;
	[tilespmem:$0x12E10] =	vst v63  }
0xaf: {  	s0 =	sadd.s32 $0x5480, s29;
	s28 =	sadd.s32 $0x1000, s30;
	s31 =	sadd.s32 $0xA880, s29  }
0xb0: {  	[spmem:s1] =	stream.indirect.scatter.add.f32 [tilespmem:s31], [sflag:$0x1], $0x1, s0, s19, $0xb8;
	[tilespmem:$0x12E10] =	vst v63  }
0xb1: {  	p0 =	sne.s32 s30, $0x14000;
	s30 =	sadd.s32 $0x5500, s29;
	s0 =	sadd.s32 $0xA900, s29  }
0xb2: {  	[spmem:s1] =	stream.indirect.scatter.add.f32 [tilespmem:s0], [sflag:$0x1], $0x1, s30, s19, $0xb8;
	[tilespmem:$0x12E10] =	vst v63  }
0xb3: {  	s0 =	sadd.s32 $0xA980, s29;
	s30 =	sadd.s32 $0x5580, s29  }
0xb4: {  	[spmem:s1] =	stream.indirect.scatter.add.f32 [tilespmem:s0], [sflag:$0x1], $0x1, s30, s19, $0xb8;
	[tilespmem:$0x12E10] =	vst v63  }
0xb5: {  	s0 =	sadd.s32 $0xAA00, s29;
	s30 =	sadd.s32 $0x5600, s29  }
0xb6: {  	[spmem:s1] =	stream.indirect.scatter.add.f32 [tilespmem:s0], [sflag:$0x1], $0x1, s30, s19, $0xb8;
	[tilespmem:$0x12E10] =	vst v63  }
0xb7: {  	s0 =	sadd.s32 $0xAA80, s29;
	s30 =	sadd.s32 $0x5680, s29  }
0xb8: {  	[spmem:s1] =	stream.indirect.scatter.add.f32 [tilespmem:s0], [sflag:$0x1], $0x1, s30, s19, $0xb8;
	[tilespmem:$0x12E10] =	vst v63  }
0xb9: {  	s0 =	sadd.s32 $0xAB00, s29;
	s30 =	sadd.s32 $0x5700, s29  }
0xba: {  	[spmem:s1] =	stream.indirect.scatter.add.f32 [tilespmem:s0], [sflag:$0x1], $0x1, s30, s19, $0xb8;
	[tilespmem:$0x12E10] =	vst v63  }
0xbb: {  	s0 =	sadd.s32 $0xAB80, s29;
	s29 =	sadd.s32 $0x5780, s29  }
0xbc: {  	[spmem:s1] =	stream.indirect.scatter.add.f32 [tilespmem:s0], [sflag:$0x1], $0x1, s29, s19, $0xb8;
	[tilespmem:$0x12E10] =	vst v63  }
0xbd: {  	_ =	swait.ge [sflag:s20], $0x80  }
0xbe: {  	[sflag:s20] =	ssyncset.done $0x0  }
0xbf: {  	[sflag:s20] =	ssyncadd.s32 $0xFFFFFF80  }
0xc0: {  	_ =	swait.ge [sflag:s20], $0x80  }
0xc1: {  	[sflag:s20] =	ssyncset.done $0x0  }
0xc2: {  	[sflag:s20] =	ssyncadd.s32 $0xFFFFFF80  }
0xc3: {  	_ =	swait.ge [sflag:s20], $0x80  }
0xc4: {  	[sflag:s20] =	ssyncset.done $0x0  }
0xc5: {  	[sflag:s20] =	ssyncadd.s32 $0xFFFFFF80  }
0xc6: {  	_ =	swait.ge [sflag:s20], $0x80  }
0xc7: {  	[sflag:s20] =	ssyncset.done $0x0  }
0xc8: {  	[sflag:s20] =	ssyncadd.s32 $0xFFFFFF80  }
0xc9: {  	_ =	swait.ge [sflag:s20], $0x80  }
0xca: {  	[sflag:s20] =	ssyncset.done $0x0  }
0xcb: {  	[sflag:s20] =	ssyncadd.s32 $0xFFFFFF80  }
0xcc: {  	_ =	swait.ge [sflag:s20], $0x80  }
0xcd: {  	[sflag:s20] =	ssyncset.done $0x0  }
0xce: {  	[sflag:s20] =	ssyncadd.s32 $0xFFFFFF80  }
.Ltmp1:
0xcf: {  	_ =	swait.ge [sflag:s20], $0x80;
	(pc) =	sbr.rel @p0 .LBB2_4-.Ltmp1, $4  }
0xd0: {  	[sflag:s20] =	ssyncset.done $0x0  }
0xd1: {  	[sflag:s20] =	ssyncadd.s32 $0xFFFFFF80  }
0xd2: {  	_ =	swait.ge [sflag:s20], $0x80  }
0xd3: {  	s30 =	smov.u32 s28;
	s29 =	sshra.s32 s26, $0x2;
	[sflag:s20] =	ssyncset.done $0x0  }
0xd4: {  	s0 =	sadd.s32 $0xA800, s29;
	s26 =	sadd.s32 $0x5400, s29;
	[sflag:s20] =	ssyncadd.s32 $0xFFFFFF80  }
0xd5: {  	[spmem:s1] =	stream.indirect.scatter.add.f32 [tilespmem:s0], [sflag:$0x1], $0x1, s26, s19, $0xb8;
	[tilespmem:$0x12E10] =	vst v63  }
0xd6: {  	s30 =	sadd.s32 $0xA880, s29;
	s31 =	sadd.s32 $0x5480, s29  }
0xd7: {  	[spmem:s1] =	stream.indirect.scatter.add.f32 [tilespmem:s30], [sflag:$0x1], $0x1, s31, s19, $0xb8;
	[tilespmem:$0x12E10] =	vst v63  }
0xd8: {  	s30 =	sadd.s32 $0xA900, s29;
	s31 =	sadd.s32 $0x5500, s29  }
0xd9: {  	[spmem:s1] =	stream.indirect.scatter.add.f32 [tilespmem:s30], [sflag:$0x1], $0x1, s31, s19, $0xb8;
	[tilespmem:$0x12E10] =	vst v63  }
0xda: {  	s30 =	sadd.s32 $0xA980, s29;
	s31 =	sadd.s32 $0x5580, s29  }
0xdb: {  	[spmem:s1] =	stream.indirect.scatter.add.f32 [tilespmem:s30], [sflag:$0x1], $0x1, s31, s19, $0xb8;
	[tilespmem:$0x12E10] =	vst v63  }
0xdc: {  	s30 =	sadd.s32 $0xAA00, s29;
	s31 =	sadd.s32 $0x5600, s29  }
0xdd: {  	[spmem:s1] =	stream.indirect.scatter.add.f32 [tilespmem:s30], [sflag:$0x1], $0x1, s31, s19, $0xb8;
	[tilespmem:$0x12E10] =	vst v63  }
0xde: {  	s30 =	sadd.s32 $0xAA80, s29;
	s31 =	sadd.s32 $0x5680, s29  }
0xdf: {  	[spmem:s1] =	stream.indirect.scatter.add.f32 [tilespmem:s30], [sflag:$0x1], $0x1, s31, s19, $0xb8;
	[tilespmem:$0x12E10] =	vst v63  }
0xe0: {  	s30 =	sadd.s32 $0xAB00, s29;
	s31 =	sadd.s32 $0x5700, s29  }
0xe1: {  	[spmem:s1] =	stream.indirect.scatter.add.f32 [tilespmem:s30], [sflag:$0x1], $0x1, s31, s19, $0xb8;
	[tilespmem:$0x12E10] =	vst v63  }
0xe2: {  	s26 =	sadd.s32 $0xAB80, s29;
	s30 =	sadd.s32 $0x5780, s29  }
0xe3: {  	[spmem:s1] =	stream.indirect.scatter.add.f32 [tilespmem:s26], [sflag:$0x1], $0x1, s30, s19, $0xb8;
	[tilespmem:$0x12E10] =	vst v63  }
0xe4: {  	_ =	swait.ge [sflag:s20], $0x80  }
0xe5: {  	[sflag:s20] =	ssyncset.done $0x0  }
0xe6: {  	[sflag:s20] =	ssyncadd.s32 $0xFFFFFF80  }
0xe7: {  	_ =	swait.ge [sflag:s20], $0x80  }
0xe8: {  	[sflag:s20] =	ssyncset.done $0x0  }
0xe9: {  	[sflag:s20] =	ssyncadd.s32 $0xFFFFFF80  }
0xea: {  	_ =	swait.ge [sflag:s20], $0x80  }
0xeb: {  	[sflag:s20] =	ssyncset.done $0x0  }
0xec: {  	[sflag:s20] =	ssyncadd.s32 $0xFFFFFF80  }
0xed: {  	_ =	swait.ge [sflag:s20], $0x80  }
0xee: {  	[sflag:s20] =	ssyncset.done $0x0  }
0xef: {  	[sflag:s20] =	ssyncadd.s32 $0xFFFFFF80  }
0xf0: {  	_ =	swait.ge [sflag:s20], $0x80  }
0xf1: {  	[sflag:s20] =	ssyncset.done $0x0  }
0xf2: {  	[sflag:s20] =	ssyncadd.s32 $0xFFFFFF80  }
0xf3: {  	_ =	swait.ge [sflag:s20], $0x80  }
0xf4: {  	[sflag:s20] =	ssyncset.done $0x0  }
0xf5: {  	[sflag:s20] =	ssyncadd.s32 $0xFFFFFF80  }
0xf6: {  	_ =	swait.ge [sflag:s20], $0x80  }
0xf7: {  	[sflag:s20] =	ssyncset.done $0x0  }
0xf8: {  	[sflag:s20] =	ssyncadd.s32 $0xFFFFFF80  }
0xf9: {  	_ =	swait.ge [sflag:s20], $0x80  }
0xfa: {  	[sflag:s20] =	ssyncset.done $0x0  }
0xfb: {  	[sflag:s20] =	ssyncadd.s32 $0xFFFFFF80  }
0xfc: {  	[bflag:$0x0] =	sbarrier.arrive $0xFFFF  }
0xfd: {  	[tilespmem:s21], [sflag:$0x2] =	stream.linear.gather [spmem:s9], $0x140, $0x38;
	[tilespmem:$0x12E10] =	vst v63  }
0xfe: {  	_ =	swait.ge [sflag:s15], $0x140  }
0xff: {  	[sflag:s15] =	ssyncset.done $0x0  }
0x100: {  	s31 =	simm.s32 $0x0;
	[sflag:s15] =	ssyncadd.s32 $0xFFFFFEC0  }
0x101: {  	[tilespmem:s22], [sflag:$0x2] =	stream.linear.gather [hbm4b:s10+s31], $0x140, $0x38;
	[tilespmem:$0x12E10] =	vst v63  }
0x102: {  	_ =	swait.ge [sflag:s15], $0x140  }
0x103: {  	[sflag:s15] =	ssyncset.done $0x0  }
0x104: {  	[sflag:s15] =	ssyncadd.s32 $0xFFFFFEC0  }
0x105: {  	[tilespmem:s23], [sflag:$0x2] =	stream.linear.gather [hbm4b:s11+s31], $0x140, $0x38;
	[tilespmem:$0x12E10] =	vst v63  }
0x106: {  	_ =	swait.ge [sflag:s15], $0x140  }
0x107: {  	[sflag:s15] =	ssyncset.done $0x0  }
0x108: {  	s26 =	simm.s32 $0x0;
	[sflag:s15] =	ssyncadd.s32 $0xFFFFFEC0  }
0x109: {  	v1 =	vld [tilespmem:s26+$0x12680]  }
0x10a: {  	v2 =	vld [tilespmem:s26+$0x127C0];
	_ =	sdelay $0x1  }
0x10b: {  	v3 =	vld [tilespmem:s26+$0x12900];
	_ =	sdelay $0x1  }
0x10c: {  	v4 =	vld [tilespmem:$0x12B80]  }
0x10d: {  	v1 =	vadd.f32 v2, v1;
	_ =	sdelay $0x1  }
0x10e: {  	v1 =	vmul.f32 v1, v3;
	_ =	sdelay $0x1  }
0x10f: {  	v1 =	vadd.f32 v4, v1;
	_ =	sdelay $0x1  }
0x110: {  	v1 =	vsub.f32 $0.0e+00, v1;
	_ =	sdelay $0x1  }
0x111: {  	v1 =	vmul.f32 $1.442695020e+00, v1;
	_ =	sdelay $0x1  }
0x112: {  	(erf) = vpow2.f32 v1;
	_ =	sdelay $0x8  }
0x113: {  	v1 =	vpop (erf)  }
0x114: {  	v1 =	vadd.f32 $1.000000000e+00, v1;
	_ =	sdelay $0x1  }
0x115: {  	(erf) = vrcp.f32 v1;
	_ =	sdelay $0x4  }
0x116: {  	s29 =	simm.s32 $0x10  }
0x117: {  	s28 =	simm.s32 $0x80;
	v1 =	vld [tilespmem:s29+$0x12680]  }
.LBB2_6:
0x118: {  	p0 =	sne.s32 s28, $0x4C0;
	v2 =	vld [tilespmem:s29+$0x127C0];
	_ =	sdelay $0x1  }
0x119: {  	v3 =	vld [tilespmem:s29+$0x12900];
	v4 =	vpop (erf)  }
0x11a: {  	[tilespmem:s26+$0x12A40] =	vst v4;
	s26 =	smov.u32 s29  }
0x11b: {  	v4 =	vld [tilespmem:$0x12B80]  }
0x11c: {  	v1 =	vadd.f32 v2, v1;
	_ =	sdelay $0x1  }
0x11d: {  	v1 =	vmul.f32 v1, v3;
	_ =	sdelay $0x1  }
0x11e: {  	v1 =	vadd.f32 v4, v1;
	_ =	sdelay $0x1  }
0x11f: {  	v1 =	vsub.f32 $0.0e+00, v1;
	_ =	sdelay $0x1  }
0x120: {  	v1 =	vmul.f32 $1.442695020e+00, v1;
	_ =	sdelay $0x1  }
0x121: {  	(erf) = vpow2.f32 v1;
	_ =	sdelay $0x8  }
0x122: {  	v1 =	vpop (erf)  }
0x123: {  	v1 =	vadd.f32 $1.000000000e+00, v1;
	_ =	sdelay $0x1  }
0x124: {  	(erf) = vrcp.f32 v1;
	_ =	sdelay $0x1  }
.Ltmp2:
0x125: {  	(pc) =	sbr.rel @p0 .LBB2_6-.Ltmp2, $3  }
0x126: {  	_ =	sdelay $0x1  }
0x127: {  	s29 =	sshra.s32 s28, $0x2  }
0x128: {  	s28 =	sadd.s32 $0x40, s28;
	v1 =	vld [tilespmem:s29+$0x12680]  }
0x129: {  	v2 =	vld [tilespmem:s29+$0x127C0];
	_ =	sdelay $0x1  }
0x12a: {  	v3 =	vld [tilespmem:s29+$0x12900];
	v4 =	vpop (erf)  }
0x12b: {  	[tilespmem:s26+$0x12A40] =	vst v4  }
0x12c: {  	v4 =	vld [tilespmem:$0x12B80]  }
0x12d: {  	v1 =	vadd.f32 v2, v1;
	_ =	sdelay $0x1  }
0x12e: {  	v1 =	vmul.f32 v1, v3;
	_ =	sdelay $0x1  }
0x12f: {  	v1 =	vadd.f32 v4, v1;
	_ =	sdelay $0x1  }
0x130: {  	v1 =	vsub.f32 $0.0e+00, v1;
	_ =	sdelay $0x1  }
0x131: {  	v1 =	vmul.f32 $1.442695020e+00, v1;
	_ =	sdelay $0x1  }
0x132: {  	(erf) = vpow2.f32 v1;
	_ =	sdelay $0x8  }
0x133: {  	v1 =	vpop (erf)  }
0x134: {  	v1 =	vadd.f32 $1.000000000e+00, v1;
	_ =	sdelay $0x1  }
0x135: {  	(erf) = vrcp.f32 v1;
	_ =	sdelay $0x7  }
0x136: {  	s25 =	sadd.s32 $0x1, s25  }
0x137: {  	p0 =	sne.s32 s25, s13;
	v1 =	vpop (erf)  }
.Ltmp3:
0x138: {  	[tilespmem:s29+$0x12A40] =	vst v1;
	(pc) =	sbr.rel @p0 .LBB2_1-.Ltmp3, $4  }
0x139: {  	[hbm4b:s12+s3] =	stream.linear.scatter [tilespmem:s24], [sflag:$0x2], $0x140, $0x38;
	[tilespmem:$0x12E10] =	vst v63  }
0x13a: {  	_ =	swait.ge [sflag:s15], $0x140  }
0x13b: {  	[sflag:s15] =	ssyncset.done $0x0  }
0x13c: {  	[sflag:s15] =	ssyncadd.s32 $0xFFFFFEC0  }
0x13d: {  	_ =	sfence.sel $0x180000  }
0x13e: {  	[bflag:$0x0] =	sbarrier.arrive $0xFFFF  }
0x13f: {  	_ =	strace $0x90000050  }
0x140: {  	[bflag:$0x2] =	sbarrier.arrive $0xFFFF  }
0x141: {  	p0 =	sne.s32 s2, $0x0;
	s0 =	rddreg [dreg:$0x2]  }
0x142: {  	s0 =	sadd.s32 @!p0 $0x100000, s0  }
0x143: {  	[sflag:s0] =	ssyncadd.tile.s32 @!p0 $0x1;
	_ =	shalt  }
.Lfunc_end2:
_tile_overlayer_lowered:
.L_overlay_start_2:
0x144: {  	(tag) =	ssettag $0x2  }
0x145: {  	s0 =	rddreg [dreg:$0x0];
	s2 =	stileid.u32  }
0x146: {  	s1 =	rddreg [dreg:$0x1];
	p0 =	sne.s32 s2, $0x0  }
0x147: {  	s3 =	rddreg [dreg:$0x2];
	[bflag:$0x3] =	sbarrier.arrive $0xFFFF;
	s2 =	simm.s32 @!p0 $0x1C02  }
0x148: {  	[timem:s3], [sflag:s2] =	dma.local @!p0 [hbm:s0], s1  }
0x149: {  	s0 =	simm.s32 @!p0 $0x2  }
0x14a: {  	_ =	swait.ge @!p0 [sflag:s0], s1  }
0x14b: {  	s1 =	ssub.s32 @!p0 $0x0, s1;
	[sflag:s0] =	ssyncset.done @!p0 $0x0  }
0x14c: {  	[sflag:s0] =	ssyncadd.s32 @!p0 s1  }
0x14d: {  	[bflag:$0x3] =	sbarrier.arrive $0xFFFF  }
0x14e: {  	_ =	shalt  }

// kernel: kernel.7.cloned.1.call-start
scs
__scs_entry_jumppad:
0x0: {  	(pc) =	sbr.rel $0x88, $3  }
0x1: {  	(tag) =	ssettag $0x0;
	lr =	simm.s32 $0x1  }
0x2: {  	[smem:$0x3F9B] =	sst lr;
	_ =	strace $0xD0000000  }
0x3: {  	_ = 	snop  }
0x4: {  	_ = 	snop  }
0x5: {  	_ = 	snop  }
0x6: {  	_ = 	snop  }
0x7: {  	_ = 	snop  }
__scs_overlays_trampoline_lowered:
0x8: {  	[smem:$0x3FAA] =	sst s0  }
0x9: {  	[smem:$0x3FAB] =	sst s1  }
0xa: {  	[smem:$0x3FAC] =	sst s2  }
0xb: {  	[smem:$0x3FAD] =	sst s3  }
0xc: {  	[smem:$0x3FAE] =	sst s4  }
0xd: {  	[smem:$0x3FAF] =	sst s5  }
0xe: {  	[smem:$0x3FB0] =	sst s6  }
0xf: {  	[smem:$0x3FB1] =	sst s7  }
0x10: {  	[smem:$0x3FB2] =	sst s8  }
0x11: {  	[smem:$0x3FB3] =	sst s9;
	s0 =	simm.s32 @!p0 $0x0  }
0x12: {  	s1 =	sld [smem:$0x3F99];
	s0 =	simm.s32 @p0 $0x1  }
0x13: {  	[smem:$0x3FB4] =	sst s0;
	s0 =	simm.s32 @!p1 $0x0  }
0x14: {  	s2 =	sld [smem:$0x3F98];
	s0 =	simm.s32 @p1 $0x1  }
0x15: {  	[smem:$0x3FB5] =	sst s0;
	s0 =	simm.s32 @!p2 $0x0  }
0x16: {  	s3 =	sld [smem:$0x3FDB];
	s0 =	simm.s32 @p2 $0x1  }
0x17: {  	s4 =	simm.s32 $0x1BF5;
	[smem:$0x3FB7] =	sst s0  }
0x18: {  	s0 =	sld [smem:$0x3F9A];
	_ =	swait.ge [sflag:s4], $0x0  }
0x19: {  	s7 =	sld [smem:$0x3F9B]  }
0x1a: {  	s8 =	sadd.s32 $0xFFFFE003, lr  }
0x1b: {  	s9 =	sadd.s32 $0xFFFFFEF7, lr;
	s5 =	simm.s32 $0xFFFFFFFF;
	p2 =	slt.u32 s8, $0xFFFFF086  }
0x1c: {  	p1 =	slt.u32 s9, $0xF7A;
	s5 =	simm.s32 @!p2 $0x0  }
0x1d: {  	s5 =	simm.s32 @p1 $0x1;
	p0 =	seq.s32 s7, s2  }
0x1e: {  	s7 =	smul.u32 @!p0 $0xF7A, s2;
	p2 =	seq.s32 @!p0 s5, $0x0  }
0x1f: {  	s9 =	smul.u32 $0xF7A, s1;
	s8 =	simm.s32 @!p0 $0x1BF5;
	p2 =	por !p2, p0  }
0x20: {  	[sflag:s8] =	ssyncset.s32 @!p0 $0xFFFFF086;
	s6 =	sadd.s32 @!p0 s3, s7;
	s7 =	simm.s32 @!p0 $0x108  }
0x21: {  	s3 =	sadd.s32 s3, s9;
	s6 =	sadd.s32 @!p0 $0x88, s6;
	s7 =	simm.s32 @p2 $0x1082  }
0x22: {  	[simem:s7], [sflag:s8] =	dma.local @!p0 [hbm:s6], $0xF7A  }
0x23: {  	s9 =	sor.u32 $0xD0000000, s2;
	s6 =	simm.s32 $0x108;
	_ =	swait.ge @!p0 [sflag:s8], $0x0  }
0x24: {  	s3 =	sadd.s32 $0x88, s3;
	s6 =	simm.s32 @!p1 $0x1082;
	[sflag:s4] =	ssyncset.s32 $0xFFFFF086  }
0x25: {  	[simem:s6], [sflag:s4] =	dma.local [hbm:s3], $0xF7A  }
0x26: {  	[smem:$0x3F9B] =	sst s1;
	(tag) =	ssettag s2;
	_ =	strace s9  }
0x27: {  	s1 =	sld [smem:$0x3FAB]  }
0x28: {  	s2 =	sld [smem:$0x3FAC]  }
0x29: {  	s4 =	sld [smem:$0x3FAE]  }
0x2a: {  	p0 =	seq.s32 s5, $0x0;
	s5 =	sld [smem:$0x3FAF]  }
0x2b: {  	s6 =	sld [smem:$0x3FB0]  }
0x2c: {  	s7 =	sld [smem:$0x3FB1]  }
0x2d: {  	s3 =	simm.s32 $0x108;
	s8 =	sld [smem:$0x3FB2]  }
0x2e: {  	s3 =	simm.s32 @!p0 $0x1082;
	s9 =	sld [smem:$0x3FB3]  }
0x2f: {  	lr =	sadd.s32 s0, s3;
	s0 =	sld [smem:$0x3FAA]  }
0x30: {  	s3 =	sld [smem:$0x3FAD]  }
0x31: {  	[smem:$0x3FB6] =	sst s10  }
0x32: {  	s10 =	sld [smem:$0x3FB4];
	_ =	sdelay $0x3  }
0x33: {  	p0 =	seq.s32 s10, $0x1;
	s10 =	sld [smem:$0x3FB6];
	_ =	sdelay $0x3  }
0x34: {  	[smem:$0x3FB6] =	sst s10  }
0x35: {  	s10 =	sld [smem:$0x3FB5];
	_ =	sdelay $0x3  }
0x36: {  	p1 =	seq.s32 s10, $0x1;
	s10 =	sld [smem:$0x3FB6];
	_ =	sdelay $0x3  }
0x37: {  	[smem:$0x3FB6] =	sst s10  }
0x38: {  	s10 =	sld [smem:$0x3FB7]  }
0x39: {  	_ = 	snop;
	(pc) =	sbr.ind lr, $3  }
0x3a: {  	_ = 	snop  }
0x3b: {  	_ = 	snop  }
0x3c: {  	p2 =	seq.s32 s10, $0x1;
	s10 =	sld [smem:$0x3FB6]  }
0x3d: {  	_ =	shalt  }
0x3e: {  	_ =	shalt  }
0x3f: {  	_ =	shalt  }
0x40: {  	_ =	shalt  }
0x41: {  	_ =	shalt  }
0x42: {  	_ =	shalt  }
0x43: {  	_ =	shalt  }
0x44: {  	_ =	shalt  }
0x45: {  	_ =	shalt  }
0x46: {  	_ =	shalt  }
0x47: {  	_ =	shalt  }
0x48: {  	_ =	shalt  }
0x49: {  	_ =	shalt  }
0x4a: {  	_ =	shalt  }
0x4b: {  	_ =	shalt  }
0x4c: {  	_ =	shalt  }
0x4d: {  	_ =	shalt  }
0x4e: {  	_ =	shalt  }
0x4f: {  	_ =	shalt  }
0x50: {  	_ =	shalt  }
0x51: {  	_ =	shalt  }
0x52: {  	_ =	shalt  }
0x53: {  	_ =	shalt  }
0x54: {  	_ =	shalt  }
0x55: {  	_ =	shalt  }
0x56: {  	_ =	shalt  }
0x57: {  	_ =	shalt  }
0x58: {  	_ =	shalt  }
0x59: {  	_ =	shalt  }
0x5a: {  	_ =	shalt  }
0x5b: {  	_ =	shalt  }
0x5c: {  	_ =	shalt  }
0x5d: {  	_ =	shalt  }
0x5e: {  	_ =	shalt  }
0x5f: {  	_ =	shalt  }
0x60: {  	_ =	shalt  }
0x61: {  	_ =	shalt  }
0x62: {  	_ =	shalt  }
0x63: {  	_ =	shalt  }
0x64: {  	_ =	shalt  }
0x65: {  	_ =	shalt  }
0x66: {  	_ =	shalt  }
0x67: {  	_ =	shalt  }
0x68: {  	_ =	shalt  }
0x69: {  	_ =	shalt  }
0x6a: {  	_ =	shalt  }
0x6b: {  	_ =	shalt  }
0x6c: {  	_ =	shalt  }
0x6d: {  	_ =	shalt  }
0x6e: {  	_ =	shalt  }
0x6f: {  	_ =	shalt  }
0x70: {  	_ =	shalt  }
0x71: {  	_ =	shalt  }
0x72: {  	_ =	shalt  }
0x73: {  	_ =	shalt  }
0x74: {  	_ =	shalt  }
0x75: {  	_ =	shalt  }
0x76: {  	_ =	shalt  }
0x77: {  	_ =	shalt  }
0x78: {  	_ =	shalt  }
0x79: {  	_ =	shalt  }
0x7a: {  	_ =	shalt  }
0x7b: {  	_ =	shalt  }
0x7c: {  	_ =	shalt  }
0x7d: {  	_ =	shalt  }
0x7e: {  	_ =	shalt  }
0x7f: {  	_ =	shalt  }
0x80: {  	_ =	shalt  }
0x81: {  	_ =	shalt  }
0x82: {  	_ =	shalt  }
0x83: {  	_ =	shalt  }
0x84: {  	_ =	shalt  }
0x85: {  	_ =	shalt  }
0x86: {  	_ =	shalt  }
0x87: {  	_ =	shalt  }
.Lfunc_end0:
.L_simem_size_0:
called_computation_lowered:
.L_overlay_start_0:
0x88: {  	s2 =	sld [smem:$0x3FD9]  }
0x89: {  	s3 =	sld [smem:$0x3FFE];
	_ =	sdelay $0x1  }
0x8a: {  	s1 =	srdreg.scid  }
0x8b: {  	s0 =	sand.u32 $0x1, s1  }
0x8c: {  	s16 =	sshll.u32 s0, $0xA;
	s2 =	sadd.s32 s3, s2  }
0x8d: {  	s2 =	sadd.s32 s2, s16  }
0x8e: {  	[smem:$0x3FC2] =	sst s2  }
0x8f: {  	_ = 	snop  }
0x90: {  	(tm) =	ssettm $0x1  }
0x91: {  	s17 =	sld [smem:$0x3FFB];
	_ =	sdelay $0x3  }
0x92: {  	_ =	strace s17  }
0x93: {  	s2 =	sld [smem:$0x3FFC];
	_ =	sdelay $0x3  }
0x94: {  	_ =	strace s2  }
0x95: {  	s2 =	sld [smem:$0x3FFD];
	_ =	sdelay $0x3  }
0x96: {  	_ =	strace s2  }
0x97: {  	_ =	strace $0x8FFFFFFF  }
0x98: {  	s18 =	sld [smem:$0x3FDB];
	_ =	sdelay $0x1  }
0x99: {  	s19 =	simm.s32 $_scs_section_size  }
0x9a: {  	s4 =	simm.s32 $_size__tile_overlayer_lowered;
	s5 =	simm.s32 $_tile_overlayer_lowered  }
0x9b: {  	s22 =	simm.s32 $0x1BFF;
	s21 =	sshll.u32 s5, $0x1;
	s2 =	sadd.s32 s19, s18  }
0x9c: {  	s6 =	simm.s32 $0x0;
	s20 =	sshll.u32 s4, $0x1;
	s4 =	sadd.s32 s21, s2  }
0x9d: {  	[timem:s6], [sflag:s22] =	dma.local [hbm:s4], s20  }
0x9e: {  	_ =	swait.ge [sflag:s22], s20  }
0x9f: {  	s3 =	ssub.s32 $0x0, s20;
	[sflag:s22] =	ssyncset.done $0x0  }
0xa0: {  	[sflag:s22] =	ssyncadd.s32 s3;
	_ =	sdelay $0x1  }
0xa1: {  	s23 =	simm.s32 $0x1B8B  }
0xa2: {  	_ =	swait.ge [sflag:s23], $0x1  }
0xa3: {  	[sflag:s23] =	ssyncset.done $0x0  }
0xa4: {  	s25 =	simm.s32 $0x1B8E;
	s24 =	sld [smem:$0x3FFE];
	[sflag:s23] =	ssyncadd.s32 $0xFFFFFFFF  }
0xa5: {  	s26 =	simm.s32 $execute0_lowered;
	[smem:$0x3FD2] =	sst s25  }
0xa6: {  	s4 =	sshll.u32 s26, $0x1;
	_ =	strace $0x80000046;
	[dreg:$0x1] =	wrdreg $0xFFFFFFFF  }
0xa7: {  	s28 =	simm.s32 $_size_execute0_lowered;
	s2 =	sadd.s32 s2, s4;
	[dreg:$0x0] =	wrdreg $0x0  }
0xa8: {  	s4 =	sshll.u32 s28, $0x1;
	[dreg:$0x2] =	wrdreg s2  }
0xa9: {  	[dreg:$0x3] =	wrdreg s4  }
0xaa: {  	[dreg:$0x4] =	wrdreg $0xC0  }
0xab: {  	_ =	task [dreg:s6], $0x5FFFF  }
0xac: {  	[dreg:$0x1] =	wrdreg $0xFFFFFFFF  }
0xad: {  	[dreg:$0x0] =	wrdreg $0x60  }
0xae: {  	[dreg:$0x2] =	wrdreg s24  }
0xaf: {  	[dreg:$0x3] =	wrdreg $0x58400  }
0xb0: {  	[dreg:$0x4] =	wrdreg $0x9  }
0xb1: {  	_ =	task.clear_ibuf [dreg:s6], $0x5FFFF;
	_ =	strace $0x90000046  }
0xb2: {  	s29 =	simm.s32 $0x9;
	_ =	strace $0x80000048  }
0xb3: {  	_ =	swait.ge [sflag:s29], $0x1  }
0xb4: {  	[sflag:s29] =	ssyncadd.s32 $0xFFFFFFFF  }
0xb5: {  	_ =	strace $0x90000048  }
0xb6: {  	_ =	sfence  }
0xb7: {  	s30 =	sld [smem:$0x0];
	_ =	sdelay $0x2  }
0xb8: {  	s31 =	sshll.u32 s1, $0xD;
	s1 =	sshrl.u32 s1, $0x2  }
0xb9: {  	s3 =	sand.u32 $0x4000, s31;
	s1 =	sadd.s32 s1, s30  }
0xba: {  	s0 =	sor.u32 s3, s0;
	s1 =	sshll.u32 s1, $0x11  }
0xbb: {  	s0 =	sor.u32 s1, s0  }
0xbc: {  	s0 =	sadd.s32 $0x8F2B, s0  }
0xbd: {  	[sflag:s0] =	ssyncadd.remote.s32 $0x1  }
0xbe: {  	_ =	sfence.sel $0xFFFF  }
0xbf: {  	[dreg:$0x0] =	wrdreg $0xFFFFFFFF;
	(pc) =	sbr.abs _section_cstart, $3  }
0xc0: {  	[dreg:$0x1] =	wrdreg $0xFFFFFFFF  }
0xc1: {  	_ =	task.clear_ibuf [dreg:s6], $0x2FFFF;
	_ =	strace $0x9FFFFFFF  }
0xc2: {  	(tm) =	ssettm $0x7FFFFFFF  }
0xc3: {  	_ =	shalt  }
tec
execute0_lowered:
.L_overlay_start_1:
0x0: {  	(tag) =	ssettag $0x1  }
0x1: {  	s4 =	rddreg [dreg:$0x0]  }
0x2: {  	s0 =	srdreg.scid;
	s2 =	rddreg [dreg:$0x1]  }
0x3: {  	s1 =	stileid.u32;
	s3 =	simm.s32 $0x0;
	s11 =	simm.s32 $0x80  }
0x4: {  	s12 =	simm.s32 $0x5400;
	s13 =	simm.s32 $0x1;
	s14 =	simm.s32 $0x5700  }
0x5: {  	s15 =	simm.s32 $0x0;
	s5 =	sand.u32 $0x1, s0;
	s0 =	rddreg [dreg:$0x2]  }
0x6: {  	s7 =	smul.u32 $0xA80, s1;
	[smem:$0x7FF] =	sst s3;
	s6 =	sshll.u32 s5, $0x4  }
0x7: {  	s8 =	smul.u32 $0xA00, s1;
	s5 =	ssub.s32 $0x2, s5;
	s6 =	sor.u32 s1, s6  }
0x8: {  	_ =	strace $0x80000047;
	s10 =	sshrl.u32 s5, $0x1;
	s6 =	smul.u32 $0x140, s6  }
0x9: {  	s7 =	sadd.s32 s7, s4;
	s31 =	sshrl.u32 s8, $0x2;
	s10 =	ssub.s32 s5, s10  }
0xa: {  	s5 =	sadd.s32 $0xBE00, s7;
	s8 =	smax.u32 s10, $0x1;
	s9 =	sshrl.u32 s6, $0x3  }
0xb: {  	s10 =	simm.s32 $0x2;
	s6 =	sadd.s32 s6, s2;
	s9 =	sadd.s32 s9, s4  }
0xc: {  	v0 =	vimm.f32 $1.000000000e+00;
	v1 =	vimm.f32 $0.0e+00;
	s4 =	sadd.s32 s31, s2;
	s7 =	sadd.s32 $0x16600, s9;
	s9 =	simm.s32 $0x5480  }
.LBB2_1:
0xd: {  	[tilespmem:$0x5400] =	vst v0  }
0xe: {  	[tilespmem:$0x5410] =	vst v0  }
0xf: {  	[tilespmem:$0x5420] =	vst v0  }
0x10: {  	[tilespmem:$0x5430] =	vst v0  }
0x11: {  	[tilespmem:$0x5440] =	vst v0  }
0x12: {  	[tilespmem:$0x5450] =	vst v0  }
0x13: {  	[tilespmem:$0x5460] =	vst v0  }
0x14: {  	[tilespmem:$0x5470] =	vst v0  }
0x15: {  	[tilespmem:$0x5480] =	vst v1  }
0x16: {  	[tilespmem:$0x5490] =	vst v1  }
0x17: {  	[tilespmem:$0x54A0] =	vst v1  }
0x18: {  	[tilespmem:$0x54B0] =	vst v1  }
0x19: {  	[tilespmem:$0x54C0] =	vst v1  }
0x1a: {  	[tilespmem:$0x54D0] =	vst v1  }
0x1b: {  	[tilespmem:$0x54E0] =	vst v1  }
0x1c: {  	[tilespmem:$0x54F0] =	vst v1  }
0x1d: {  	[tilespmem:$0x5500] =	vst v1  }
0x1e: {  	[tilespmem:$0x5510] =	vst v1  }
0x1f: {  	[tilespmem:$0x5520] =	vst v1  }
0x20: {  	[tilespmem:$0x5530] =	vst v1  }
0x21: {  	[tilespmem:$0x5540] =	vst v1  }
0x22: {  	[tilespmem:$0x5550] =	vst v1  }
0x23: {  	[tilespmem:$0x5560] =	vst v1  }
0x24: {  	[tilespmem:$0x5570] =	vst v1  }
0x25: {  	[tilespmem:$0x5580] =	vst v1  }
0x26: {  	[tilespmem:$0x5590] =	vst v1  }
0x27: {  	[tilespmem:$0x55A0] =	vst v1  }
0x28: {  	[tilespmem:$0x55B0] =	vst v1  }
0x29: {  	[tilespmem:$0x55C0] =	vst v1  }
0x2a: {  	[tilespmem:$0x55D0] =	vst v1  }
0x2b: {  	[tilespmem:$0x55E0] =	vst v1  }
0x2c: {  	[tilespmem:$0x55F0] =	vst v1  }
0x2d: {  	[tilespmem:$0x5600] =	vst v1  }
0x2e: {  	[tilespmem:$0x5610] =	vst v1  }
0x2f: {  	[tilespmem:$0x5620] =	vst v1  }
0x30: {  	[tilespmem:$0x5630] =	vst v1  }
0x31: {  	[tilespmem:$0x5640] =	vst v1  }
0x32: {  	[tilespmem:$0x5650] =	vst v1  }
0x33: {  	[tilespmem:$0x5660] =	vst v1  }
0x34: {  	[tilespmem:$0x5670] =	vst v1  }
0x35: {  	[tilespmem:$0x5680] =	vst v1  }
0x36: {  	[tilespmem:$0x5690] =	vst v1  }
0x37: {  	[tilespmem:$0x56A0] =	vst v1  }
0x38: {  	[tilespmem:$0x56B0] =	vst v1  }
0x39: {  	[tilespmem:$0x56C0] =	vst v1  }
0x3a: {  	[tilespmem:$0x56D0] =	vst v1  }
0x3b: {  	[tilespmem:$0x56E0] =	vst v1  }
0x3c: {  	[tilespmem:$0x56F0] =	vst v1  }
0x3d: {  	[spmem:s4] =	stream.linear.scatter [tilespmem:s9], [sflag:$0x2], $0x280, $0x38;
	[tilespmem:$0x5AC0] =	vst v63  }
0x3e: {  	_ =	swait.ge [sflag:s10], $0x280  }
0x3f: {  	[sflag:s10] =	ssyncset.done $0x0  }
0x40: {  	[sflag:s10] =	ssyncadd.s32 $0xFFFFFD80  }
0x41: {  	[tilespmem:s3], [sflag:$0x2] =	stream.linear.gather [hbm4b:s5+s3], $0x5400, $0x38;
	[tilespmem:$0x5AC0] =	vst v63  }
0x42: {  	_ =	swait.ge [sflag:s10], $0x5400  }
0x43: {  	[sflag:s10] =	ssyncset.done $0x0  }
0x44: {  	[sflag:s10] =	ssyncadd.s32 $0xFFFFAC00  }
0x45: {  	[bflag:$0x0] =	sbarrier.arrive $0xFFFF  }
0x46: {  	[spmem:s2] =	stream.indirect.scatter.add.f32 [tilespmem:s12], [sflag:$0x1], $0x1, s3, s11, $0xb8;
	[tilespmem:$0x5AC0] =	vst v63  }
0x47: {  	_ = 	snop  }
0x48: {  	[spmem:s2] =	stream.indirect.scatter.add.f32 [tilespmem:s12], [sflag:$0x1], $0x1, s11, s11, $0xb8;
	[tilespmem:$0x5AC0] =	vst v63  }
0x49: {  	_ =	swait.ge [sflag:s13], $0x80  }
0x4a: {  	[sflag:s13] =	ssyncset.done $0x0  }
0x4b: {  	s16 =	simm.s32 $0x600;
	s17 =	simm.s32 $0x100;
	[sflag:s13] =	ssyncadd.s32 $0xFFFFFF80  }
.LBB2_2:
0x4c: {  	[spmem:s2] =	stream.indirect.scatter.add.f32 [tilespmem:s12], [sflag:$0x1], $0x1, s17, s11, $0xb8;
	[tilespmem:$0x5AC0] =	vst v63  }
0x4d: {  	s17 =	smov.u32 s16;
	p0 =	sne.s32 s16, $0x14E00  }
.Ltmp0:
0x4e: {  	s16 =	sadd.s32 $0x200, s16;
	(pc) =	sbr.rel @p0 .LBB2_2-.Ltmp0, $4  }
0x4f: {  	_ = 	snop  }
0x50: {  	_ =	swait.ge [sflag:s13], $0x80  }
0x51: {  	[sflag:s13] =	ssyncset.done $0x0  }
0x52: {  	s17 =	sshra.s32 s17, $0x2;
	[sflag:s13] =	ssyncadd.s32 $0xFFFFFF80  }
0x53: {  	[spmem:s2] =	stream.indirect.scatter.add.f32 [tilespmem:s12], [sflag:$0x1], $0x1, s17, s11, $0xb8;
	[tilespmem:$0x5AC0] =	vst v63  }
0x54: {  	_ =	swait.ge [sflag:s13], $0x80  }
0x55: {  	[sflag:s13] =	ssyncset.done $0x0  }
0x56: {  	[sflag:s13] =	ssyncadd.s32 $0xFFFFFF80  }
0x57: {  	_ =	swait.ge [sflag:s13], $0x80  }
0x58: {  	[sflag:s13] =	ssyncset.done $0x0  }
0x59: {  	[sflag:s13] =	ssyncadd.s32 $0xFFFFFF80  }
0x5a: {  	[bflag:$0x0] =	sbarrier.arrive $0xFFFF  }
0x5b: {  	[tilespmem:s9], [sflag:$0x2] =	stream.linear.gather [spmem:s6], $0x140, $0x38;
	[tilespmem:$0x5AC0] =	vst v63  }
0x5c: {  	_ =	swait.ge [sflag:s10], $0x140  }
0x5d: {  	[sflag:s10] =	ssyncset.done $0x0  }
0x5e: {  	s17 =	simm.s32 $0x0;
	[sflag:s10] =	ssyncadd.s32 $0xFFFFFEC0  }
0x5f: {  	v2 =	vld [tilespmem:s17+$0x5480];
	_ =	sdelay $0x4  }
0x60: {  	s16 =	simm.s32 $0x10;
	v2 =	vadd.f32 $1.000000000e+00, v2  }
0x61: {  	v3 =	vld [tilespmem:s16+$0x5480]  }
0x62: {  	v4 =	vshrl.u32 v2, $0x1;
	v5 =	vmul.f32 $5.000000000e-01, v2  }
0x63: {  	v2 =	vsub.s32 $0x5F3759DF, v4  }
0x64: {  	v4 =	vmul.f32 v2, v5  }
0x65: {  	s18 =	simm.s32 $0x20  }
0x66: {  	v6 =	vld [tilespmem:s18+$0x5480];
	v3 =	vadd.f32 $1.000000000e+00, v3;
	v4 =	vmul.f32 v2, v4;
	_ =	sdelay $0x1  }
0x67: {  	v7 =	vshrl.u32 v3, $0x1;
	v9 =	vmul.f32 $5.000000000e-01, v3;
	v3 =	vsub.f32 $1.500000000e+00, v4  }
0x68: {  	v4 =	vsub.s32 $0x5F3759DF, v7  }
0x69: {  	v7 =	vmul.f32 v4, v9;
	v3 =	vmul.f32 v2, v3  }
0x6a: {  	s19 =	simm.s32 $0x30;
	v2 =	vadd.f32 $1.000000000e+00, v6  }
0x6b: {  	v6 =	vld [tilespmem:s19+$0x5480];
	v7 =	vmul.f32 v4, v7;
	v8 =	vmul.f32 v3, v5  }
0x6c: {  	v10 =	vshrl.u32 v2, $0x1;
	v2 =	vmul.f32 $5.000000000e-01, v2  }
0x6d: {  	v7 =	vsub.f32 $1.500000000e+00, v7;
	v10 =	vsub.s32 $0x5F3759DF, v10;
	v8 =	vmul.f32 v8, v3  }
0x6e: {  	v11 =	vmul.f32 v10, v2  }
0x6f: {  	v4 =	vmul.f32 v4, v7;
	v7 =	vsub.f32 $1.500000000e+00, v8  }
0x70: {  	v6 =	vadd.f32 $1.000000000e+00, v6;
	v11 =	vmul.f32 v10, v11  }
0x71: {  	s20 =	simm.s32 $0x40;
	v12 =	vmul.f32 v4, v9;
	v7 =	vmul.f32 v7, v3  }
0x72: {  	v8 =	vld [tilespmem:s20+$0x5480];
	v13 =	vshrl.u32 v6, $0x1;
	v3 =	vmul.f32 $5.000000000e-01, v6;
	v6 =	vsub.f32 $1.500000000e+00, v11  }
0x73: {  	v14 =	vsub.s32 $0x5F3759DF, v13;
	v11 =	vmul.f32 v12, v4;
	v5 =	vmul.f32 v7, v5  }
0x74: {  	v12 =	vmul.f32 v14, v3;
	v6 =	vmul.f32 v10, v6  }
0x75: {  	v10 =	vsub.f32 $1.500000000e+00, v11;
	v5 =	vmul.f32 v5, v7  }
0x76: {  	v11 =	vmul.f32 v14, v12;
	v12 =	vmul.f32 v6, v2  }
0x77: {  	s21 =	simm.s32 $0x50;
	v8 =	vadd.f32 $1.000000000e+00, v8;
	v4 =	vmul.f32 v10, v4  }
0x78: {  	v15 =	vsub.f32 $1.500000000e+00, v5;
	v16 =	vsub.f32 $1.500000000e+00, v11;
	v11 =	vmul.f32 v12, v6;
	v12 =	vld [tilespmem:s21+$0x5480]  }
0x79: {  	v13 =	vshrl.u32 v8, $0x1;
	v5 =	vmul.f32 $5.000000000e-01, v8  }
0x7a: {  	v8 =	vsub.s32 $0x5F3759DF, v13;
	v10 =	vmul.f32 v4, v9;
	v7 =	vmul.f32 v15, v7  }
0x7b: {  	s22 =	simm.s32 $0x180;
	v13 =	vmul.f32 v8, v5;
	v9 =	vmul.f32 v14, v16  }
.LBB2_4:
0x7c: {  	s23 =	sshra.s32 s22, $0x2  }
0x7d: {  	v14 =	vadd.f32 $1.000000000e+00, v12;
	v11 =	vsub.f32 $1.500000000e+00, v11;
	v10 =	vmul.f32 v10, v4;
	[tilespmem:s17+$0x5700] =	vst v7;
	s17 =	smov.u32 s16;
	s16 =	smov.u32 s18;
	p0 =	sne.s32 s22, $0x4C0  }
.Ltmp1:
0x7e: {  	s18 =	smov.u32 s19;
	s19 =	smov.u32 s20;
	v12 =	vld [tilespmem:s23+$0x5480];
	v7 =	vmul.f32 v8, v13;
	v13 =	vmul.f32 v9, v3;
	(pc) =	sbr.rel @p0 .LBB2_4-.Ltmp1, $4  }
0x7f: {  	s22 =	sadd.s32 $0x40, s22;
	s20 =	smov.u32 s21;
	v15 =	vshrl.u32 v14, $0x1;
	v16 =	vmul.f32 v11, v6;
	v17 =	vsub.f32 $1.500000000e+00, v10;
	v6 =	vmovc v9  }
0x80: {  	s21 =	smov.u32 s23;
	v14 =	vmul.f32 $5.000000000e-01, v14;
	v9 =	vsub.f32 $1.500000000e+00, v7;
	v11 =	vmul.f32 v13, v6  }
0x81: {  	v15 =	vsub.s32 $0x5F3759DF, v15;
	v10 =	vmul.f32 v16, v2;
	v7 =	vmul.f32 v17, v4;
	v4 =	vmovc v16;
	v2 =	vmovc v3  }
0x82: {  	v13 =	vmul.f32 v15, v14;
	v3 =	vmovc v5;
	v5 =	vmovc v14;
	v9 =	vmul.f32 v8, v9;
	v8 =	vmov v15  }
0x83: {  	v12 =	vadd.f32 $1.000000000e+00, v12;
	_ =	sdelay $0x1  }
0x84: {  	v14 =	vshrl.u32 v12, $0x1;
	v12 =	vmul.f32 $5.000000000e-01, v12  }
0x85: {  	v14 =	vsub.s32 $0x5F3759DF, v14  }
0x86: {  	v15 =	vmul.f32 v14, v12  }
0x87: {  	v13 =	vmul.f32 v8, v13  }
0x88: {  	v15 =	vmul.f32 v14, v15  }
0x89: {  	v13 =	vsub.f32 $1.500000000e+00, v13  }
0x8a: {  	v15 =	vsub.f32 $1.500000000e+00, v15  }
0x8b: {  	v53 =	vmul.f32 v8, v13  }
0x8c: {  	v54 =	vmul.f32 v9, v3;
	v14 =	vmul.f32 v14, v15  }
0x8d: {  	v55 =	vmul.f32 v53, v5  }
0x8e: {  	v13 =	vmul.f32 v54, v9;
	v16 =	vmul.f32 v14, v12  }
0x8f: {  	v11 =	vsub.f32 $1.500000000e+00, v11;
	v15 =	vmul.f32 v55, v53  }
0x90: {  	v13 =	vsub.f32 $1.500000000e+00, v13;
	v16 =	vmul.f32 v16, v14  }
0x91: {  	v6 =	vmul.f32 v11, v6;
	v56 =	vsub.f32 $1.500000000e+00, v15  }
0x92: {  	v10 =	vmul.f32 v10, v4;
	v57 =	vmul.f32 v13, v9;
	v58 =	vsub.f32 $1.500000000e+00, v16  }
0x93: {  	v2 =	vmul.f32 v6, v2;
	v8 =	vmul.f32 v56, v53  }
0x94: {  	v3 =	vmul.f32 v57, v3;
	v59 =	vmul.f32 v58, v14  }
0x95: {  	v2 =	vmul.f32 v2, v6;
	v60 =	vmul.f32 v8, v5  }
0x96: {  	v10 =	vsub.f32 $1.500000000e+00, v10;
	v3 =	vmul.f32 v3, v57;
	v12 =	vmul.f32 v59, v12  }
0x97: {  	v2 =	vsub.f32 $1.500000000e+00, v2;
	v5 =	vmul.f32 v60, v8  }
0x98: {  	v61 =	vmul.f32 v10, v4;
	v3 =	vsub.f32 $1.500000000e+00, v3;
	v62 =	vmul.f32 v12, v59  }
0x99: {  	[tilespmem:s17+$0x5700] =	vst v7;
	v2 =	vmul.f32 v2, v6;
	v5 =	vsub.f32 $1.500000000e+00, v5  }
0x9a: {  	[tilespmem:s16+$0x5700] =	vst v61;
	v3 =	vmul.f32 v3, v57;
	v63 =	vsub.f32 $1.500000000e+00, v62  }
0x9b: {  	[tilespmem:s18+$0x5700] =	vst v2;
	v2 =	vmul.f32 v5, v8  }
0x9c: {  	s15 =	sadd.s32 $0x1, s15;
	[tilespmem:s19+$0x5700] =	vst v3;
	v3 =	vmul.f32 v63, v59  }
0x9d: {  	p0 =	sne.s32 s15, s8;
	[tilespmem:s20+$0x5700] =	vst v2  }
.Ltmp2:
0x9e: {  	[tilespmem:s21+$0x5700] =	vst v3;
	(pc) =	sbr.rel @p0 .LBB2_1-.Ltmp2, $4  }
0x9f: {  	[hbm4b:s7+s3] =	stream.linear.scatter [tilespmem:s14], [sflag:$0x2], $0x140, $0x38;
	[tilespmem:$0x5AC0] =	vst v63  }
0xa0: {  	_ =	swait.ge [sflag:s10], $0x140  }
0xa1: {  	[sflag:s10] =	ssyncset.done $0x0  }
0xa2: {  	[sflag:s10] =	ssyncadd.s32 $0xFFFFFEC0  }
0xa3: {  	_ =	sfence.sel $0x180000  }
0xa4: {  	[bflag:$0x0] =	sbarrier.arrive $0xFFFF  }
0xa5: {  	p0 =	sne.s32 s1, $0x0;
	_ =	strace $0x90000047  }
0xa6: {  	s0 =	sadd.s32 @!p0 $0x100000, s0;
	[bflag:$0x2] =	sbarrier.arrive $0xFFFF  }
0xa7: {  	[sflag:s0] =	ssyncadd.tile.s32 @!p0 $0x1;
	_ =	shalt  }
.Lfunc_end2:
_tile_overlayer_lowered:
.L_overlay_start_2:
0xa8: {  	(tag) =	ssettag $0x2  }
0xa9: {  	s0 =	rddreg [dreg:$0x0];
	s2 =	stileid.u32  }
0xaa: {  	s1 =	rddreg [dreg:$0x1];
	p0 =	sne.s32 s2, $0x0  }
0xab: {  	s3 =	rddreg [dreg:$0x2];
	[bflag:$0x3] =	sbarrier.arrive $0xFFFF;
	s2 =	simm.s32 @!p0 $0x1C02  }
0xac: {  	[timem:s3], [sflag:s2] =	dma.local @!p0 [hbm:s0], s1  }
0xad: {  	s0 =	simm.s32 @!p0 $0x2  }
0xae: {  	_ =	swait.ge @!p0 [sflag:s0], s1  }
0xaf: {  	s1 =	ssub.s32 @!p0 $0x0, s1;
	[sflag:s0] =	ssyncset.done @!p0 $0x0  }
0xb0: {  	[sflag:s0] =	ssyncadd.s32 @!p0 s1  }
0xb1: {  	[bflag:$0x3] =	sbarrier.arrive $0xFFFF  }
0xb2: {  	_ =	shalt  }

</sc_bundles>
